<compile_context>
chip_gen: v7x
topology: tpu7x:2x2x1
jax: 0.10.2.dev20260603
libtpu: 0.0.44.dev20260713+nightly
codegen_flags: <defaults>
</compile_context>

<pallas_src>
import math

import jax
import jax.numpy as jnp
from jax import lax
from jax.experimental import pallas as pl
from jax.experimental.pallas import tpu as pltpu
from jax.experimental.pallas import tpu_sc as plsc

D_MODEL = 64
SCALE = math.sqrt(D_MODEL)
NC, NS = 2, 16
NW = NC * NS
LANES = 16
CHUNK = 128
NBUF = 5


def _embed_body(x_hbm, lut_hbm, out_hbm, idx_v, grows, wrows, gsem, wsem):
    wid = lax.axis_index("s") * NC + lax.axis_index("c")
    n_chunks = x_hbm.shape[0] // NW
    q0 = wid * n_chunks

    pltpu.sync_copy(x_hbm.at[pl.ds(q0, n_chunks), :], idx_v)

    @plsc.parallel_loop(0, n_chunks, step=1, unroll=2)
    def _(r):
        for kk in range(CHUNK // LANES):
            sl = pl.ds(kk * LANES, LANES)
            v = idx_v[r, sl]
            rem = lax.bitwise_and(v, 2 * HB - 1)
            h = lax.shift_right_logical(rem, 14)
            jl = lax.bitwise_and(rem, HB - 1)
            idx_v[r, sl] = (v - rem) + 2 * jl + h

    for b in range(NBUF):
        pltpu.async_copy(lut_hbm.at[idx_v.at[b]], grows.at[b], gsem.at[b])

    iota = lax.iota(jnp.int32, LANES)
    kvecs = [lax.shift_right_logical(iota + 16 * j, 3) for j in range(4)]
    rvecs = [lax.bitwise_and(iota + 16 * j, 7) for j in range(4)]
    bvecs = [jnp.full((LANES,), b, jnp.int32) for b in range(NBUF)]

    def outer(t, carry):
        for b in range(NBUF):
            ql = NBUF * t + b
            q = q0 + ql
            d1 = lax.shift_right_logical(q, 5)
            tc = lax.bitwise_and(q, 31)

            pltpu.make_async_copy(
                lut_hbm.at[idx_v.at[b]], grows.at[b], gsem.at[b]).wait()

            @pl.when(ql >= NBUF)
            def _():
                pltpu.make_async_copy(
                    wrows.at[b, :, :, pl.ds(0, CHUNK)],
                    out_hbm.at[pl.ds(0, 8), 0, :, :],
                    wsem.at[b]).wait()

            @plsc.parallel_loop(0, CHUNK, step=1, unroll=4)
            def _(i):
                cc = jnp.full((LANES,), i, jnp.int32)
                for j in range(4):
                    v = grows[b, i, pl.ds(16 * j, LANES)] * SCALE
                    plsc.store_scatter(
                        wrows, [bvecs[b], kvecs[j], rvecs[j], cc], v)

            pltpu.async_copy(
                wrows.at[b, :, :, pl.ds(0, CHUNK)],
                out_hbm.at[pl.ds(d1 * 8, 8), tc, :, :],
                wsem.at[b])

            @pl.when(ql + NBUF < n_chunks)
            def _():
                pltpu.async_copy(
                    lut_hbm.at[idx_v.at[ql + NBUF]], grows.at[b], gsem.at[b])
        return carry

    lax.fori_loop(0, n_chunks // NBUF, outer, 0)

    for b in range(NBUF):
        pltpu.make_async_copy(
            wrows.at[b, :, :, pl.ds(0, CHUNK)],
            out_hbm.at[pl.ds(0, 8), 0, :, :], wsem.at[b]).wait()


HB = 16384


def _lut_transpose_body(a_ref, b_ref, o_ref):
    o_ref[...] = jnp.concatenate([a_ref[...], b_ref[...]], axis=0).T


def _linearize_lut(lut):
    v = lut.shape[0]
    grid = pl.cdiv(v, 2 * HB)
    nhalf = pl.cdiv(v, HB)
    lut2 = pl.pallas_call(
        _lut_transpose_body,
        grid=(grid,),
        in_specs=[
            pl.BlockSpec((D_MODEL, HB), lambda g: (0, 2 * g)),
            pl.BlockSpec((D_MODEL, HB),
                         lambda g: (0, jnp.minimum(2 * g + 1, nhalf - 1))),
        ],
        out_specs=pl.BlockSpec((HB, 2 * D_MODEL), lambda g: (g, 0)),
        out_shape=jax.ShapeDtypeStruct((grid * HB, 2 * D_MODEL), jnp.float32),
    )(lut.T, lut.T)
    return lut2.reshape(2 * grid * HB, D_MODEL)


def kernel(x, lut):
    S, T = x.shape
    xq = x.T.reshape(T * S // CHUNK, CHUNK)
    k = pl.kernel(
        _embed_body,
        out_type=jax.ShapeDtypeStruct((T * 8, S // CHUNK, 8, CHUNK),
                                      jnp.float32),
        mesh=plsc.VectorSubcoreMesh(core_axis_name="c", subcore_axis_name="s"),
        scratch_types=[
            pltpu.VMEM((T * S // (CHUNK * NW), CHUNK), jnp.int32),
            pltpu.VMEM((NBUF, CHUNK, D_MODEL), jnp.float32),
            pltpu.VMEM((NBUF, 8, 8, CHUNK + 1), jnp.float32),
            pltpu.SemaphoreType.DMA((NBUF,)),
            pltpu.SemaphoreType.DMA((NBUF,)),
        ],
        compiler_params=pltpu.CompilerParams(use_tc_tiling_on_sc=False,
                                             needs_layout_passes=False),
    )
    out4 = k(xq, _linearize_lut(lut))
    return (out4.reshape(T, 8, S // CHUNK, 8, CHUNK)
            .transpose(2, 4, 0, 1, 3)
            .reshape(S, T, D_MODEL))

# --- scband reference (transcript-rebuilt; emitter-appended) ---
"""Pipeline reference for scband-embed-23012434772472 (READ-ONLY COPY).

The authoritative reference and input builder live on the scoring server;
editing this copy changes nothing except your own understanding.
"""

import jax, jax.numpy as jnp
import numpy as np
import math

D_MODEL = 64
VOCAB = 1000000

def setup_inputs(seed: int = 0) -> dict:
    key = jax.random.key(seed)
    k1, k2 = jax.random.split(key)
    x = jax.random.randint(k1, (4096, 200), 0, VOCAB, dtype=jnp.int64 if jax.config.jax_enable_x64 else jnp.int32)
    lut = jax.random.normal(k2, (VOCAB, D_MODEL), dtype=jnp.float32)
    return {"x": x, "lut": lut}

def reference(x, lut):
    # Embed.forward: self.lut(x) * math.sqrt(self.d_model)
    emb = jnp.take(lut, x, axis=0)
    return emb * math.sqrt(D_MODEL)

if __name__ == "__main__":
    import jax
    _d = setup_inputs()
    print(jax.jit(kernel)(*tuple(_d.values())))

</pallas_src>

<mosaic_0001>
#map = affine_map<(d0, d1) -> (0, 0)>
#map1 = affine_map<(d0, d1) -> (0, 0, 0, 0)>
module attributes {stable_mosaic.version = 14 : i64} {
  func.func @_embed_body(%arg0: i32, %arg1: i32, %arg2: memref<6400x128xi32, #tpu.memory_space<hbm>>, %arg3: memref<1015808x64xf32, #tpu.memory_space<hbm>>, %arg4: memref<1600x32x8x128xf32, #tpu.memory_space<hbm>>, %arg5: memref<200x128xi32, #tpu.memory_space<vmem>>, %arg6: memref<5x128x64xf32, #tpu.memory_space<vmem>>, %arg7: memref<5x8x8x129xf32, #tpu.memory_space<vmem>>, %arg8: memref<5x!tpu.dma_semaphore, #tpu.memory_space<semaphore_mem>>, %arg9: memref<5x!tpu.dma_semaphore, #tpu.memory_space<semaphore_mem>>) attributes {dimension_semantics = [#tpu.dimension_semantics<core_parallel>, #tpu.dimension_semantics<subcore_parallel>], iteration_bounds = array<i64: 2, 16>, scalar_prefetch = 0 : i64, scratch_operands = 5 : i64, tpu.core_type = #tpu.core_type<sc_vector_subcore>, window_params = [{transform_indices = #map}, {transform_indices = #map}, {transform_indices = #map1}]} {
    %mul3A = arith.constant 2 : i32
    %mul3A_0 = arith.muli %arg1, %mul3A : i32
    %add3A = arith.addi %mul3A_0, %arg0 : i32
    %mul3A_1 = arith.constant 200 : i32
    %mul3A_2 = arith.muli %add3A, %mul3A_1 : i32
    "tpu.region"() ({
      %run_scoped3A = tpu.sem_alloc : memref<!tpu.dma_semaphore, #tpu.memory_space<semaphore_mem>>
      %dma_start3A_263 = arith.constant 0 : i32
      %dma_start3A_264 = tpu.memref_slice %arg2[%mul3A_2, %dma_start3A_263] : memref<6400x128xi32, #tpu.memory_space<hbm>> -> memref<200x128xi32, #tpu.memory_space<hbm>>
      %dma_start3A_265 = arith.constant 0 : i32
      %dma_start3A_266 = tpu.memref_slice %arg2[%mul3A_2, %dma_start3A_265] : memref<6400x128xi32, #tpu.memory_space<hbm>> -> memref<200x128xi32, #tpu.memory_space<hbm>>
      tpu.enqueue_dma source(%dma_start3A_266 : memref<200x128xi32, #tpu.memory_space<hbm>>) target(%arg5 : memref<200x128xi32, #tpu.memory_space<vmem>>) target_semaphore(%run_scoped3A : memref<!tpu.dma_semaphore, #tpu.memory_space<semaphore_mem>>)
      %dma_wait3A_267 = arith.constant 0 : i32
      %dma_wait3A_268 = tpu.memref_slice %arg2[%mul3A_2, %dma_wait3A_267] : memref<6400x128xi32, #tpu.memory_space<hbm>> -> memref<200x128xi32, #tpu.memory_space<hbm>>
      %dma_wait3A_269 = arith.constant 0 : i32
      %dma_wait3A_270 = tpu.memref_slice %arg2[%mul3A_2, %dma_wait3A_269] : memref<6400x128xi32, #tpu.memory_space<hbm>> -> memref<200x128xi32, #tpu.memory_space<hbm>>
      tpu.wait_dma2 semaphore(%run_scoped3A : memref<!tpu.dma_semaphore, #tpu.memory_space<semaphore_mem>>) src(%dma_wait3A_270 : memref<200x128xi32, #tpu.memory_space<hbm>>) dst(%arg5 : memref<200x128xi32, #tpu.memory_space<vmem>>)
      tpu.yield
    }) : () -> ()
    %parallel_loop3A = arith.constant 0 : i32
    %parallel_loop3A_3 = arith.constant 200 : i32
    %parallel_loop3A_4 = arith.constant 1 : i32
    scf.for %parallel_loop3A_263 = %parallel_loop3A to %parallel_loop3A_3 step %parallel_loop3A_4  : i32 {
      %parallel_loop3A_264 = arith.index_cast %parallel_loop3A_263 : i32 to index
      %parallel_loop3A_265 = arith.constant 0 : index
      %parallel_loop3A_266 = tpu.vector_load %arg5[%parallel_loop3A_264, %parallel_loop3A_265] {strides = array<i32>} : memref<200x128xi32, #tpu.memory_space<vmem>>, vector<16xi32>,
      %parallel_loop3A_267 = arith.constant 32767 : i32
      %parallel_loop3A_268 = vector.broadcast %parallel_loop3A_267 : i32 to vector<16xi32>
      %parallel_loop3A_269 = arith.andi %parallel_loop3A_266, %parallel_loop3A_268 : vector<16xi32>
      %parallel_loop3A_270 = arith.constant 14 : i32
      %parallel_loop3A_271 = vector.broadcast %parallel_loop3A_270 : i32 to vector<16xi32>
      %parallel_loop3A_272 = arith.shrui %parallel_loop3A_269, %parallel_loop3A_271 : vector<16xi32>
      %parallel_loop3A_273 = arith.constant 16383 : i32
      %parallel_loop3A_274 = vector.broadcast %parallel_loop3A_273 : i32 to vector<16xi32>
      %parallel_loop3A_275 = arith.andi %parallel_loop3A_269, %parallel_loop3A_274 : vector<16xi32>
      %parallel_loop3A_276 = arith.subi %parallel_loop3A_266, %parallel_loop3A_269 : vector<16xi32>
      %parallel_loop3A_277 = arith.constant 2 : i32
      %parallel_loop3A_278 = vector.broadcast %parallel_loop3A_277 : i32 to vector<16xi32>
      %parallel_loop3A_279 = arith.muli %parallel_loop3A_278, %parallel_loop3A_275 : vector<16xi32>
      %parallel_loop3A_280 = arith.addi %parallel_loop3A_276, %parallel_loop3A_279 : vector<16xi32>
      %parallel_loop3A_281 = arith.addi %parallel_loop3A_280, %parallel_loop3A_272 : vector<16xi32>
      %parallel_loop3A_282 = arith.index_cast %parallel_loop3A_263 : i32 to index
      %parallel_loop3A_283 = arith.constant 0 : index
      %parallel_loop3A_284 = tpu.vector_load %arg5[%parallel_loop3A_282, %parallel_loop3A_283] {strides = array<i32>} : memref<200x128xi32, #tpu.memory_space<vmem>>, vector<16xi32>,
      tpu.vector_store %arg5[%parallel_loop3A_282, %parallel_loop3A_283], %parallel_loop3A_281 {strides = array<i32>} : memref<200x128xi32, #tpu.memory_space<vmem>>, vector<16xi32>,
      %parallel_loop3A_285 = arith.index_cast %parallel_loop3A_263 : i32 to index
      %parallel_loop3A_286 = arith.constant 16 : index
      %parallel_loop3A_287 = tpu.vector_load %arg5[%parallel_loop3A_285, %parallel_loop3A_286] {strides = array<i32>} : memref<200x128xi32, #tpu.memory_space<vmem>>, vector<16xi32>,
      %parallel_loop3A_288 = arith.constant 32767 : i32
      %parallel_loop3A_289 = vector.broadcast %parallel_loop3A_288 : i32 to vector<16xi32>
      %parallel_loop3A_290 = arith.andi %parallel_loop3A_287, %parallel_loop3A_289 : vector<16xi32>
      %parallel_loop3A_291 = arith.constant 14 : i32
      %parallel_loop3A_292 = vector.broadcast %parallel_loop3A_291 : i32 to vector<16xi32>
      %parallel_loop3A_293 = arith.shrui %parallel_loop3A_290, %parallel_loop3A_292 : vector<16xi32>
      %parallel_loop3A_294 = arith.constant 16383 : i32
      %parallel_loop3A_295 = vector.broadcast %parallel_loop3A_294 : i32 to vector<16xi32>
      %parallel_loop3A_296 = arith.andi %parallel_loop3A_290, %parallel_loop3A_295 : vector<16xi32>
      %parallel_loop3A_297 = arith.subi %parallel_loop3A_287, %parallel_loop3A_290 : vector<16xi32>
      %parallel_loop3A_298 = arith.constant 2 : i32
      %parallel_loop3A_299 = vector.broadcast %parallel_loop3A_298 : i32 to vector<16xi32>
      %parallel_loop3A_300 = arith.muli %parallel_loop3A_299, %parallel_loop3A_296 : vector<16xi32>
      %parallel_loop3A_301 = arith.addi %parallel_loop3A_297, %parallel_loop3A_300 : vector<16xi32>
      %parallel_loop3A_302 = arith.addi %parallel_loop3A_301, %parallel_loop3A_293 : vector<16xi32>
      %parallel_loop3A_303 = arith.index_cast %parallel_loop3A_263 : i32 to index
      %parallel_loop3A_304 = arith.constant 16 : index
      %parallel_loop3A_305 = tpu.vector_load %arg5[%parallel_loop3A_303, %parallel_loop3A_304] {strides = array<i32>} : memref<200x128xi32, #tpu.memory_space<vmem>>, vector<16xi32>,
      tpu.vector_store %arg5[%parallel_loop3A_303, %parallel_loop3A_304], %parallel_loop3A_302 {strides = array<i32>} : memref<200x128xi32, #tpu.memory_space<vmem>>, vector<16xi32>,
      %parallel_loop3A_306 = arith.index_cast %parallel_loop3A_263 : i32 to index
      %parallel_loop3A_307 = arith.constant 32 : index
      %parallel_loop3A_308 = tpu.vector_load %arg5[%parallel_loop3A_306, %parallel_loop3A_307] {strides = array<i32>} : memref<200x128xi32, #tpu.memory_space<vmem>>, vector<16xi32>,
      %parallel_loop3A_309 = arith.constant 32767 : i32
      %parallel_loop3A_310 = vector.broadcast %parallel_loop3A_309 : i32 to vector<16xi32>
      %parallel_loop3A_311 = arith.andi %parallel_loop3A_308, %parallel_loop3A_310 : vector<16xi32>
      %parallel_loop3A_312 = arith.constant 14 : i32
      %parallel_loop3A_313 = vector.broadcast %parallel_loop3A_312 : i32 to vector<16xi32>
      %parallel_loop3A_314 = arith.shrui %parallel_loop3A_311, %parallel_loop3A_313 : vector<16xi32>
      %parallel_loop3A_315 = arith.constant 16383 : i32
      %parallel_loop3A_316 = vector.broadcast %parallel_loop3A_315 : i32 to vector<16xi32>
      %parallel_loop3A_317 = arith.andi %parallel_loop3A_311, %parallel_loop3A_316 : vector<16xi32>
      %parallel_loop3A_318 = arith.subi %parallel_loop3A_308, %parallel_loop3A_311 : vector<16xi32>
      %parallel_loop3A_319 = arith.constant 2 : i32
      %parallel_loop3A_320 = vector.broadcast %parallel_loop3A_319 : i32 to vector<16xi32>
      %parallel_loop3A_321 = arith.muli %parallel_loop3A_320, %parallel_loop3A_317 : vector<16xi32>
      %parallel_loop3A_322 = arith.addi %parallel_loop3A_318, %parallel_loop3A_321 : vector<16xi32>
      %parallel_loop3A_323 = arith.addi %parallel_loop3A_322, %parallel_loop3A_314 : vector<16xi32>
      %parallel_loop3A_324 = arith.index_cast %parallel_loop3A_263 : i32 to index
      %parallel_loop3A_325 = arith.constant 32 : index
      %parallel_loop3A_326 = tpu.vector_load %arg5[%parallel_loop3A_324, %parallel_loop3A_325] {strides = array<i32>} : memref<200x128xi32, #tpu.memory_space<vmem>>, vector<16xi32>,
      tpu.vector_store %arg5[%parallel_loop3A_324, %parallel_loop3A_325], %parallel_loop3A_323 {strides = array<i32>} : memref<200x128xi32, #tpu.memory_space<vmem>>, vector<16xi32>,
      %parallel_loop3A_327 = arith.index_cast %parallel_loop3A_263 : i32 to index
      %parallel_loop3A_328 = arith.constant 48 : index
      %parallel_loop3A_329 = tpu.vector_load %arg5[%parallel_loop3A_327, %parallel_loop3A_328] {strides = array<i32>} : memref<200x128xi32, #tpu.memory_space<vmem>>, vector<16xi32>,
      %parallel_loop3A_330 = arith.constant 32767 : i32
      %parallel_loop3A_331 = vector.broadcast %parallel_loop3A_330 : i32 to vector<16xi32>
      %parallel_loop3A_332 = arith.andi %parallel_loop3A_329, %parallel_loop3A_331 : vector<16xi32>
      %parallel_loop3A_333 = arith.constant 14 : i32
      %parallel_loop3A_334 = vector.broadcast %parallel_loop3A_333 : i32 to vector<16xi32>
      %parallel_loop3A_335 = arith.shrui %parallel_loop3A_332, %parallel_loop3A_334 : vector<16xi32>
      %parallel_loop3A_336 = arith.constant 16383 : i32
      %parallel_loop3A_337 = vector.broadcast %parallel_loop3A_336 : i32 to vector<16xi32>
      %parallel_loop3A_338 = arith.andi %parallel_loop3A_332, %parallel_loop3A_337 : vector<16xi32>
      %parallel_loop3A_339 = arith.subi %parallel_loop3A_329, %parallel_loop3A_332 : vector<16xi32>
      %parallel_loop3A_340 = arith.constant 2 : i32
      %parallel_loop3A_341 = vector.broadcast %parallel_loop3A_340 : i32 to vector<16xi32>
      %parallel_loop3A_342 = arith.muli %parallel_loop3A_341, %parallel_loop3A_338 : vector<16xi32>
      %parallel_loop3A_343 = arith.addi %parallel_loop3A_339, %parallel_loop3A_342 : vector<16xi32>
      %parallel_loop3A_344 = arith.addi %parallel_loop3A_343, %parallel_loop3A_335 : vector<16xi32>
      %parallel_loop3A_345 = arith.index_cast %parallel_loop3A_263 : i32 to index
      %parallel_loop3A_346 = arith.constant 48 : index
      %parallel_loop3A_347 = tpu.vector_load %arg5[%parallel_loop3A_345, %parallel_loop3A_346] {strides = array<i32>} : memref<200x128xi32, #tpu.memory_space<vmem>>, vector<16xi32>,
      tpu.vector_store %arg5[%parallel_loop3A_345, %parallel_loop3A_346], %parallel_loop3A_344 {strides = array<i32>} : memref<200x128xi32, #tpu.memory_space<vmem>>, vector<16xi32>,
      %parallel_loop3A_348 = arith.index_cast %parallel_loop3A_263 : i32 to index
      %parallel_loop3A_349 = arith.constant 64 : index
      %parallel_loop3A_350 = tpu.vector_load %arg5[%parallel_loop3A_348, %parallel_loop3A_349] {strides = array<i32>} : memref<200x128xi32, #tpu.memory_space<vmem>>, vector<16xi32>,
      %parallel_loop3A_351 = arith.constant 32767 : i32
      %parallel_loop3A_352 = vector.broadcast %parallel_loop3A_351 : i32 to vector<16xi32>
      %parallel_loop3A_353 = arith.andi %parallel_loop3A_350, %parallel_loop3A_352 : vector<16xi32>
      %parallel_loop3A_354 = arith.constant 14 : i32
      %parallel_loop3A_355 = vector.broadcast %parallel_loop3A_354 : i32 to vector<16xi32>
      %parallel_loop3A_356 = arith.shrui %parallel_loop3A_353, %parallel_loop3A_355 : vector<16xi32>
      %parallel_loop3A_357 = arith.constant 16383 : i32
      %parallel_loop3A_358 = vector.broadcast %parallel_loop3A_357 : i32 to vector<16xi32>
      %parallel_loop3A_359 = arith.andi %parallel_loop3A_353, %parallel_loop3A_358 : vector<16xi32>
      %parallel_loop3A_360 = arith.subi %parallel_loop3A_350, %parallel_loop3A_353 : vector<16xi32>
      %parallel_loop3A_361 = arith.constant 2 : i32
      %parallel_loop3A_362 = vector.broadcast %parallel_loop3A_361 : i32 to vector<16xi32>
      %parallel_loop3A_363 = arith.muli %parallel_loop3A_362, %parallel_loop3A_359 : vector<16xi32>
      %parallel_loop3A_364 = arith.addi %parallel_loop3A_360, %parallel_loop3A_363 : vector<16xi32>
      %parallel_loop3A_365 = arith.addi %parallel_loop3A_364, %parallel_loop3A_356 : vector<16xi32>
      %parallel_loop3A_366 = arith.index_cast %parallel_loop3A_263 : i32 to index
      %parallel_loop3A_367 = arith.constant 64 : index
      %parallel_loop3A_368 = tpu.vector_load %arg5[%parallel_loop3A_366, %parallel_loop3A_367] {strides = array<i32>} : memref<200x128xi32, #tpu.memory_space<vmem>>, vector<16xi32>,
      tpu.vector_store %arg5[%parallel_loop3A_366, %parallel_loop3A_367], %parallel_loop3A_365 {strides = array<i32>} : memref<200x128xi32, #tpu.memory_space<vmem>>, vector<16xi32>,
      %parallel_loop3A_369 = arith.index_cast %parallel_loop3A_263 : i32 to index
      %parallel_loop3A_370 = arith.constant 80 : index
      %parallel_loop3A_371 = tpu.vector_load %arg5[%parallel_loop3A_369, %parallel_loop3A_370] {strides = array<i32>} : memref<200x128xi32, #tpu.memory_space<vmem>>, vector<16xi32>,
      %parallel_loop3A_372 = arith.constant 32767 : i32
      %parallel_loop3A_373 = vector.broadcast %parallel_loop3A_372 : i32 to vector<16xi32>
      %parallel_loop3A_374 = arith.andi %parallel_loop3A_371, %parallel_loop3A_373 : vector<16xi32>
      %parallel_loop3A_375 = arith.constant 14 : i32
      %parallel_loop3A_376 = vector.broadcast %parallel_loop3A_375 : i32 to vector<16xi32>
      %parallel_loop3A_377 = arith.shrui %parallel_loop3A_374, %parallel_loop3A_376 : vector<16xi32>
      %parallel_loop3A_378 = arith.constant 16383 : i32
      %parallel_loop3A_379 = vector.broadcast %parallel_loop3A_378 : i32 to vector<16xi32>
      %parallel_loop3A_380 = arith.andi %parallel_loop3A_374, %parallel_loop3A_379 : vector<16xi32>
      %parallel_loop3A_381 = arith.subi %parallel_loop3A_371, %parallel_loop3A_374 : vector<16xi32>
      %parallel_loop3A_382 = arith.constant 2 : i32
      %parallel_loop3A_383 = vector.broadcast %parallel_loop3A_382 : i32 to vector<16xi32>
      %parallel_loop3A_384 = arith.muli %parallel_loop3A_383, %parallel_loop3A_380 : vector<16xi32>
      %parallel_loop3A_385 = arith.addi %parallel_loop3A_381, %parallel_loop3A_384 : vector<16xi32>
      %parallel_loop3A_386 = arith.addi %parallel_loop3A_385, %parallel_loop3A_377 : vector<16xi32>
      %parallel_loop3A_387 = arith.index_cast %parallel_loop3A_263 : i32 to index
      %parallel_loop3A_388 = arith.constant 80 : index
      %parallel_loop3A_389 = tpu.vector_load %arg5[%parallel_loop3A_387, %parallel_loop3A_388] {strides = array<i32>} : memref<200x128xi32, #tpu.memory_space<vmem>>, vector<16xi32>,
      tpu.vector_store %arg5[%parallel_loop3A_387, %parallel_loop3A_388], %parallel_loop3A_386 {strides = array<i32>} : memref<200x128xi32, #tpu.memory_space<vmem>>, vector<16xi32>,
      %parallel_loop3A_390 = arith.index_cast %parallel_loop3A_263 : i32 to index
      %parallel_loop3A_391 = arith.constant 96 : index
      %parallel_loop3A_392 = tpu.vector_load %arg5[%parallel_loop3A_390, %parallel_loop3A_391] {strides = array<i32>} : memref<200x128xi32, #tpu.memory_space<vmem>>, vector<16xi32>,
      %parallel_loop3A_393 = arith.constant 32767 : i32
      %parallel_loop3A_394 = vector.broadcast %parallel_loop3A_393 : i32 to vector<16xi32>
      %parallel_loop3A_395 = arith.andi %parallel_loop3A_392, %parallel_loop3A_394 : vector<16xi32>
      %parallel_loop3A_396 = arith.constant 14 : i32
      %parallel_loop3A_397 = vector.broadcast %parallel_loop3A_396 : i32 to vector<16xi32>
      %parallel_loop3A_398 = arith.shrui %parallel_loop3A_395, %parallel_loop3A_397 : vector<16xi32>
      %parallel_loop3A_399 = arith.constant 16383 : i32
      %parallel_loop3A_400 = vector.broadcast %parallel_loop3A_399 : i32 to vector<16xi32>
      %parallel_loop3A_401 = arith.andi %parallel_loop3A_395, %parallel_loop3A_400 : vector<16xi32>
      %parallel_loop3A_402 = arith.subi %parallel_loop3A_392, %parallel_loop3A_395 : vector<16xi32>
      %parallel_loop3A_403 = arith.constant 2 : i32
      %parallel_loop3A_404 = vector.broadcast %parallel_loop3A_403 : i32 to vector<16xi32>
      %parallel_loop3A_405 = arith.muli %parallel_loop3A_404, %parallel_loop3A_401 : vector<16xi32>
      %parallel_loop3A_406 = arith.addi %parallel_loop3A_402, %parallel_loop3A_405 : vector<16xi32>
      %parallel_loop3A_407 = arith.addi %parallel_loop3A_406, %parallel_loop3A_398 : vector<16xi32>
      %parallel_loop3A_408 = arith.index_cast %parallel_loop3A_263 : i32 to index
      %parallel_loop3A_409 = arith.constant 96 : index
      %parallel_loop3A_410 = tpu.vector_load %arg5[%parallel_loop3A_408, %parallel_loop3A_409] {strides = array<i32>} : memref<200x128xi32, #tpu.memory_space<vmem>>, vector<16xi32>,
      tpu.vector_store %arg5[%parallel_loop3A_408, %parallel_loop3A_409], %parallel_loop3A_407 {strides = array<i32>} : memref<200x128xi32, #tpu.memory_space<vmem>>, vector<16xi32>,
      %parallel_loop3A_411 = arith.index_cast %parallel_loop3A_263 : i32 to index
      %parallel_loop3A_412 = arith.constant 112 : index
      %parallel_loop3A_413 = tpu.vector_load %arg5[%parallel_loop3A_411, %parallel_loop3A_412] {strides = array<i32>} : memref<200x128xi32, #tpu.memory_space<vmem>>, vector<16xi32>,
      %parallel_loop3A_414 = arith.constant 32767 : i32
      %parallel_loop3A_415 = vector.broadcast %parallel_loop3A_414 : i32 to vector<16xi32>
      %parallel_loop3A_416 = arith.andi %parallel_loop3A_413, %parallel_loop3A_415 : vector<16xi32>
      %parallel_loop3A_417 = arith.constant 14 : i32
      %parallel_loop3A_418 = vector.broadcast %parallel_loop3A_417 : i32 to vector<16xi32>
      %parallel_loop3A_419 = arith.shrui %parallel_loop3A_416, %parallel_loop3A_418 : vector<16xi32>
      %parallel_loop3A_420 = arith.constant 16383 : i32
      %parallel_loop3A_421 = vector.broadcast %parallel_loop3A_420 : i32 to vector<16xi32>
      %parallel_loop3A_422 = arith.andi %parallel_loop3A_416, %parallel_loop3A_421 : vector<16xi32>
      %parallel_loop3A_423 = arith.subi %parallel_loop3A_413, %parallel_loop3A_416 : vector<16xi32>
      %parallel_loop3A_424 = arith.constant 2 : i32
      %parallel_loop3A_425 = vector.broadcast %parallel_loop3A_424 : i32 to vector<16xi32>
      %parallel_loop3A_426 = arith.muli %parallel_loop3A_425, %parallel_loop3A_422 : vector<16xi32>
      %parallel_loop3A_427 = arith.addi %parallel_loop3A_423, %parallel_loop3A_426 : vector<16xi32>
      %parallel_loop3A_428 = arith.addi %parallel_loop3A_427, %parallel_loop3A_419 : vector<16xi32>
      %parallel_loop3A_429 = arith.index_cast %parallel_loop3A_263 : i32 to index
      %parallel_loop3A_430 = arith.constant 112 : index
      %parallel_loop3A_431 = tpu.vector_load %arg5[%parallel_loop3A_429, %parallel_loop3A_430] {strides = array<i32>} : memref<200x128xi32, #tpu.memory_space<vmem>>, vector<16xi32>,
      tpu.vector_store %arg5[%parallel_loop3A_429, %parallel_loop3A_430], %parallel_loop3A_428 {strides = array<i32>} : memref<200x128xi32, #tpu.memory_space<vmem>>, vector<16xi32>,
    } {sc.loop_unroll_factor = 2 : i64, sc.parallel_access}
    %dma_start3A = arith.constant 0 : i32
    %dma_start3A_5 = arith.constant 0 : i32
    %dma_start3A_6 = arith.constant 0 : i32
    %dma_start3A_7 = arith.constant 0 : i32
    %dma_start3A_8 = arith.constant 0 : i32
    %dma_start3A_9 = tpu.memref_slice %arg6[%dma_start3A_5, %dma_start3A_7, %dma_start3A_8] : memref<5x128x64xf32, #tpu.memory_space<vmem>> -> memref<1x128x64xf32, #tpu.memory_space<vmem>>
    %dma_start3A_10 = tpu.memref_squeeze %dma_start3A_9 : memref<1x128x64xf32, #tpu.memory_space<vmem>> -> memref<128x64xf32, #tpu.memory_space<vmem>>
    %dma_start3A_11 = arith.constant 0 : i32
    %dma_start3A_12 = tpu.memref_slice %arg5[%dma_start3A, %dma_start3A_11] : memref<200x128xi32, #tpu.memory_space<vmem>> -> memref<1x128xi32, #tpu.memory_space<vmem>>
    %dma_start3A_13 = tpu.memref_squeeze %dma_start3A_12 : memref<1x128xi32, #tpu.memory_space<vmem>> -> memref<128xi32, #tpu.memory_space<vmem>>
    %dma_start3A_14 = arith.constant 0 : i32
    %dma_start3A_15 = arith.constant 0 : i32
    %dma_start3A_16 = tpu.memref_slice %arg3[%dma_start3A_14, %dma_start3A_15] : memref<1015808x64xf32, #tpu.memory_space<hbm>> -> memref<1015808x64xf32, #tpu.memory_space<hbm>>
    %dma_start3A_17 = tpu.memref_slice %arg8[%dma_start3A_6] : memref<5x!tpu.dma_semaphore, #tpu.memory_space<semaphore_mem>> -> memref<1x!tpu.dma_semaphore, #tpu.memory_space<semaphore_mem>>
    %dma_start3A_18 = tpu.memref_squeeze %dma_start3A_17 : memref<1x!tpu.dma_semaphore, #tpu.memory_space<semaphore_mem>> -> memref<!tpu.dma_semaphore, #tpu.memory_space<semaphore_mem>>
    tpu.enqueue_indirect_dma source(%dma_start3A_16 : memref<1015808x64xf32, #tpu.memory_space<hbm>>) target(%dma_start3A_10 : memref<128x64xf32, #tpu.memory_space<vmem>>) offsets(%dma_start3A_13 : memref<128xi32, #tpu.memory_space<vmem>>) semaphore(%dma_start3A_18 : memref<!tpu.dma_semaphore, #tpu.memory_space<semaphore_mem>>)
    %dma_start3A_19 = arith.constant 1 : i32
    %dma_start3A_20 = arith.constant 1 : i32
    %dma_start3A_21 = arith.constant 1 : i32
    %dma_start3A_22 = arith.constant 0 : i32
    %dma_start3A_23 = arith.constant 0 : i32
    %dma_start3A_24 = tpu.memref_slice %arg6[%dma_start3A_20, %dma_start3A_22, %dma_start3A_23] : memref<5x128x64xf32, #tpu.memory_space<vmem>> -> memref<1x128x64xf32, #tpu.memory_space<vmem>>
    %dma_start3A_25 = tpu.memref_squeeze %dma_start3A_24 : memref<1x128x64xf32, #tpu.memory_space<vmem>> -> memref<128x64xf32, #tpu.memory_space<vmem>>
    %dma_start3A_26 = arith.constant 0 : i32
    %dma_start3A_27 = tpu.memref_slice %arg5[%dma_start3A_19, %dma_start3A_26] : memref<200x128xi32, #tpu.memory_space<vmem>> -> memref<1x128xi32, #tpu.memory_space<vmem>>
    %dma_start3A_28 = tpu.memref_squeeze %dma_start3A_27 : memref<1x128xi32, #tpu.memory_space<vmem>> -> memref<128xi32, #tpu.memory_space<vmem>>
    %dma_start3A_29 = arith.constant 0 : i32
    %dma_start3A_30 = arith.constant 0 : i32
    %dma_start3A_31 = tpu.memref_slice %arg3[%dma_start3A_29, %dma_start3A_30] : memref<1015808x64xf32, #tpu.memory_space<hbm>> -> memref<1015808x64xf32, #tpu.memory_space<hbm>>
    %dma_start3A_32 = tpu.memref_slice %arg8[%dma_start3A_21] : memref<5x!tpu.dma_semaphore, #tpu.memory_space<semaphore_mem>> -> memref<1x!tpu.dma_semaphore, #tpu.memory_space<semaphore_mem>>
    %dma_start3A_33 = tpu.memref_squeeze %dma_start3A_32 : memref<1x!tpu.dma_semaphore, #tpu.memory_space<semaphore_mem>> -> memref<!tpu.dma_semaphore, #tpu.memory_space<semaphore_mem>>
    tpu.enqueue_indirect_dma source(%dma_start3A_31 : memref<1015808x64xf32, #tpu.memory_space<hbm>>) target(%dma_start3A_25 : memref<128x64xf32, #tpu.memory_space<vmem>>) offsets(%dma_start3A_28 : memref<128xi32, #tpu.memory_space<vmem>>) semaphore(%dma_start3A_33 : memref<!tpu.dma_semaphore, #tpu.memory_space<semaphore_mem>>)
    %dma_start3A_34 = arith.constant 2 : i32
    %dma_start3A_35 = arith.constant 2 : i32
    %dma_start3A_36 = arith.constant 2 : i32
    %dma_start3A_37 = arith.constant 0 : i32
    %dma_start3A_38 = arith.constant 0 : i32
    %dma_start3A_39 = tpu.memref_slice %arg6[%dma_start3A_35, %dma_start3A_37, %dma_start3A_38] : memref<5x128x64xf32, #tpu.memory_space<vmem>> -> memref<1x128x64xf32, #tpu.memory_space<vmem>>
    %dma_start3A_40 = tpu.memref_squeeze %dma_start3A_39 : memref<1x128x64xf32, #tpu.memory_space<vmem>> -> memref<128x64xf32, #tpu.memory_space<vmem>>
    %dma_start3A_41 = arith.constant 0 : i32
    %dma_start3A_42 = tpu.memref_slice %arg5[%dma_start3A_34, %dma_start3A_41] : memref<200x128xi32, #tpu.memory_space<vmem>> -> memref<1x128xi32, #tpu.memory_space<vmem>>
    %dma_start3A_43 = tpu.memref_squeeze %dma_start3A_42 : memref<1x128xi32, #tpu.memory_space<vmem>> -> memref<128xi32, #tpu.memory_space<vmem>>
    %dma_start3A_44 = arith.constant 0 : i32
    %dma_start3A_45 = arith.constant 0 : i32
    %dma_start3A_46 = tpu.memref_slice %arg3[%dma_start3A_44, %dma_start3A_45] : memref<1015808x64xf32, #tpu.memory_space<hbm>> -> memref<1015808x64xf32, #tpu.memory_space<hbm>>
    %dma_start3A_47 = tpu.memref_slice %arg8[%dma_start3A_36] : memref<5x!tpu.dma_semaphore, #tpu.memory_space<semaphore_mem>> -> memref<1x!tpu.dma_semaphore, #tpu.memory_space<semaphore_mem>>
    %dma_start3A_48 = tpu.memref_squeeze %dma_start3A_47 : memref<1x!tpu.dma_semaphore, #tpu.memory_space<semaphore_mem>> -> memref<!tpu.dma_semaphore, #tpu.memory_space<semaphore_mem>>
    tpu.enqueue_indirect_dma source(%dma_start3A_46 : memref<1015808x64xf32, #tpu.memory_space<hbm>>) target(%dma_start3A_40 : memref<128x64xf32, #tpu.memory_space<vmem>>) offsets(%dma_start3A_43 : memref<128xi32, #tpu.memory_space<vmem>>) semaphore(%dma_start3A_48 : memref<!tpu.dma_semaphore, #tpu.memory_space<semaphore_mem>>)
    %dma_start3A_49 = arith.constant 3 : i32
    %dma_start3A_50 = arith.constant 3 : i32
    %dma_start3A_51 = arith.constant 3 : i32
    %dma_start3A_52 = arith.constant 0 : i32
    %dma_start3A_53 = arith.constant 0 : i32
    %dma_start3A_54 = tpu.memref_slice %arg6[%dma_start3A_50, %dma_start3A_52, %dma_start3A_53] : memref<5x128x64xf32, #tpu.memory_space<vmem>> -> memref<1x128x64xf32, #tpu.memory_space<vmem>>
    %dma_start3A_55 = tpu.memref_squeeze %dma_start3A_54 : memref<1x128x64xf32, #tpu.memory_space<vmem>> -> memref<128x64xf32, #tpu.memory_space<vmem>>
    %dma_start3A_56 = arith.constant 0 : i32
    %dma_start3A_57 = tpu.memref_slice %arg5[%dma_start3A_49, %dma_start3A_56] : memref<200x128xi32, #tpu.memory_space<vmem>> -> memref<1x128xi32, #tpu.memory_space<vmem>>
    %dma_start3A_58 = tpu.memref_squeeze %dma_start3A_57 : memref<1x128xi32, #tpu.memory_space<vmem>> -> memref<128xi32, #tpu.memory_space<vmem>>
    %dma_start3A_59 = arith.constant 0 : i32
    %dma_start3A_60 = arith.constant 0 : i32
    %dma_start3A_61 = tpu.memref_slice %arg3[%dma_start3A_59, %dma_start3A_60] : memref<1015808x64xf32, #tpu.memory_space<hbm>> -> memref<1015808x64xf32, #tpu.memory_space<hbm>>
    %dma_start3A_62 = tpu.memref_slice %arg8[%dma_start3A_51] : memref<5x!tpu.dma_semaphore, #tpu.memory_space<semaphore_mem>> -> memref<1x!tpu.dma_semaphore, #tpu.memory_space<semaphore_mem>>
    %dma_start3A_63 = tpu.memref_squeeze %dma_start3A_62 : memref<1x!tpu.dma_semaphore, #tpu.memory_space<semaphore_mem>> -> memref<!tpu.dma_semaphore, #tpu.memory_space<semaphore_mem>>
    tpu.enqueue_indirect_dma source(%dma_start3A_61 : memref<1015808x64xf32, #tpu.memory_space<hbm>>) target(%dma_start3A_55 : memref<128x64xf32, #tpu.memory_space<vmem>>) offsets(%dma_start3A_58 : memref<128xi32, #tpu.memory_space<vmem>>) semaphore(%dma_start3A_63 : memref<!tpu.dma_semaphore, #tpu.memory_space<semaphore_mem>>)
    %dma_start3A_64 = arith.constant 4 : i32
    %dma_start3A_65 = arith.constant 4 : i32
    %dma_start3A_66 = arith.constant 4 : i32
    %dma_start3A_67 = arith.constant 0 : i32
    %dma_start3A_68 = arith.constant 0 : i32
    %dma_start3A_69 = tpu.memref_slice %arg6[%dma_start3A_65, %dma_start3A_67, %dma_start3A_68] : memref<5x128x64xf32, #tpu.memory_space<vmem>> -> memref<1x128x64xf32, #tpu.memory_space<vmem>>
    %dma_start3A_70 = tpu.memref_squeeze %dma_start3A_69 : memref<1x128x64xf32, #tpu.memory_space<vmem>> -> memref<128x64xf32, #tpu.memory_space<vmem>>
    %dma_start3A_71 = arith.constant 0 : i32
    %dma_start3A_72 = tpu.memref_slice %arg5[%dma_start3A_64, %dma_start3A_71] : memref<200x128xi32, #tpu.memory_space<vmem>> -> memref<1x128xi32, #tpu.memory_space<vmem>>
    %dma_start3A_73 = tpu.memref_squeeze %dma_start3A_72 : memref<1x128xi32, #tpu.memory_space<vmem>> -> memref<128xi32, #tpu.memory_space<vmem>>
    %dma_start3A_74 = arith.constant 0 : i32
    %dma_start3A_75 = arith.constant 0 : i32
    %dma_start3A_76 = tpu.memref_slice %arg3[%dma_start3A_74, %dma_start3A_75] : memref<1015808x64xf32, #tpu.memory_space<hbm>> -> memref<1015808x64xf32, #tpu.memory_space<hbm>>
    %dma_start3A_77 = tpu.memref_slice %arg8[%dma_start3A_66] : memref<5x!tpu.dma_semaphore, #tpu.memory_space<semaphore_mem>> -> memref<1x!tpu.dma_semaphore, #tpu.memory_space<semaphore_mem>>
    %dma_start3A_78 = tpu.memref_squeeze %dma_start3A_77 : memref<1x!tpu.dma_semaphore, #tpu.memory_space<semaphore_mem>> -> memref<!tpu.dma_semaphore, #tpu.memory_space<semaphore_mem>>
    tpu.enqueue_indirect_dma source(%dma_start3A_76 : memref<1015808x64xf32, #tpu.memory_space<hbm>>) target(%dma_start3A_70 : memref<128x64xf32, #tpu.memory_space<vmem>>) offsets(%dma_start3A_73 : memref<128xi32, #tpu.memory_space<vmem>>) semaphore(%dma_start3A_78 : memref<!tpu.dma_semaphore, #tpu.memory_space<semaphore_mem>>)
    %iota3A = tpu.iota {dimensions = array<i32: 0>} : vector<16xi32>
    %add3A_79 = arith.constant 0 : i32
    %add3A_80 = vector.broadcast %add3A_79 : i32 to vector<16xi32>
    %add3A_81 = arith.addi %iota3A, %add3A_80 : vector<16xi32>
    %shift_right_logical3A = arith.constant 3 : i32
    %shift_right_logical3A_82 = vector.broadcast %shift_right_logical3A : i32 to vector<16xi32>
    %shift_right_logical3A_83 = arith.shrui %add3A_81, %shift_right_logical3A_82 : vector<16xi32>
    %add3A_84 = arith.constant 16 : i32
    %add3A_85 = vector.broadcast %add3A_84 : i32 to vector<16xi32>
    %add3A_86 = arith.addi %iota3A, %add3A_85 : vector<16xi32>
    %shift_right_logical3A_87 = arith.constant 3 : i32
    %shift_right_logical3A_88 = vector.broadcast %shift_right_logical3A_87 : i32 to vector<16xi32>
    %shift_right_logical3A_89 = arith.shrui %add3A_86, %shift_right_logical3A_88 : vector<16xi32>
    %add3A_90 = arith.constant 32 : i32
    %add3A_91 = vector.broadcast %add3A_90 : i32 to vector<16xi32>
    %add3A_92 = arith.addi %iota3A, %add3A_91 : vector<16xi32>
    %shift_right_logical3A_93 = arith.constant 3 : i32
    %shift_right_logical3A_94 = vector.broadcast %shift_right_logical3A_93 : i32 to vector<16xi32>
    %shift_right_logical3A_95 = arith.shrui %add3A_92, %shift_right_logical3A_94 : vector<16xi32>
    %add3A_96 = arith.constant 48 : i32
    %add3A_97 = vector.broadcast %add3A_96 : i32 to vector<16xi32>
    %add3A_98 = arith.addi %iota3A, %add3A_97 : vector<16xi32>
    %shift_right_logical3A_99 = arith.constant 3 : i32
    %shift_right_logical3A_100 = vector.broadcast %shift_right_logical3A_99 : i32 to vector<16xi32>
    %shift_right_logical3A_101 = arith.shrui %add3A_98, %shift_right_logical3A_100 : vector<16xi32>
    %add3A_102 = arith.constant 0 : i32
    %add3A_103 = vector.broadcast %add3A_102 : i32 to vector<16xi32>
    %add3A_104 = arith.addi %iota3A, %add3A_103 : vector<16xi32>
    %and3A = arith.constant 7 : i32
    %and3A_105 = vector.broadcast %and3A : i32 to vector<16xi32>
    %and3A_106 = arith.andi %add3A_104, %and3A_105 : vector<16xi32>
    %add3A_107 = arith.constant 16 : i32
    %add3A_108 = vector.broadcast %add3A_107 : i32 to vector<16xi32>
    %add3A_109 = arith.addi %iota3A, %add3A_108 : vector<16xi32>
    %and3A_110 = arith.constant 7 : i32
    %and3A_111 = vector.broadcast %and3A_110 : i32 to vector<16xi32>
    %and3A_112 = arith.andi %add3A_109, %and3A_111 : vector<16xi32>
    %add3A_113 = arith.constant 32 : i32
    %add3A_114 = vector.broadcast %add3A_113 : i32 to vector<16xi32>
    %add3A_115 = arith.addi %iota3A, %add3A_114 : vector<16xi32>
    %and3A_116 = arith.constant 7 : i32
    %and3A_117 = vector.broadcast %and3A_116 : i32 to vector<16xi32>
    %and3A_118 = arith.andi %add3A_115, %and3A_117 : vector<16xi32>
    %add3A_119 = arith.constant 48 : i32
    %add3A_120 = vector.broadcast %add3A_119 : i32 to vector<16xi32>
    %add3A_121 = arith.addi %iota3A, %add3A_120 : vector<16xi32>
    %and3A_122 = arith.constant 7 : i32
    %and3A_123 = vector.broadcast %and3A_122 : i32 to vector<16xi32>
    %and3A_124 = arith.andi %add3A_121, %and3A_123 : vector<16xi32>
    %broadcast_in_dim3A = arith.constant 0 : i32
    %broadcast_in_dim3A_125 = vector.broadcast %broadcast_in_dim3A : i32 to vector<16xi32>
    %broadcast_in_dim3A_126 = arith.constant 1 : i32
    %broadcast_in_dim3A_127 = vector.broadcast %broadcast_in_dim3A_126 : i32 to vector<16xi32>
    %broadcast_in_dim3A_128 = arith.constant 2 : i32
    %broadcast_in_dim3A_129 = vector.broadcast %broadcast_in_dim3A_128 : i32 to vector<16xi32>
    %broadcast_in_dim3A_130 = arith.constant 3 : i32
    %broadcast_in_dim3A_131 = vector.broadcast %broadcast_in_dim3A_130 : i32 to vector<16xi32>
    %broadcast_in_dim3A_132 = arith.constant 4 : i32
    %broadcast_in_dim3A_133 = vector.broadcast %broadcast_in_dim3A_132 : i32 to vector<16xi32>
    %scan3A = arith.constant 0 : i32
    %scan3A_134 = arith.constant 0 : i32
    %scan3A_135 = arith.constant 40 : i32
    %scan3A_136 = arith.addi %scan3A_134, %scan3A_135 : i32
    %scan3A_137 = arith.constant 1 : i32
    scf.for %scan3A_263 = %scan3A_134 to %scan3A_136 step %scan3A_137  : i32 {
      %mul3A_264 = arith.constant 5 : i32
      %mul3A_265 = arith.muli %mul3A_264, %scan3A_263 : i32
      %add3A_266 = arith.constant 0 : i32
      %add3A_267 = arith.addi %mul3A_265, %add3A_266 : i32
      %add3A_268 = arith.addi %mul3A_2, %add3A_267 : i32
      %shift_right_logical3A_269 = arith.constant 5 : i32
      %shift_right_logical3A_270 = arith.shrui %add3A_268, %shift_right_logical3A_269 : i32
      %and3A_271 = arith.constant 31 : i32
      %and3A_272 = arith.andi %add3A_268, %and3A_271 : i32
      %dma_wait3A_273 = arith.constant 0 : i32
      %dma_wait3A_274 = arith.constant 0 : i32
      %dma_wait3A_275 = arith.constant 0 : i32
      %dma_wait3A_276 = arith.constant 0 : i32
      %dma_wait3A_277 = arith.constant 0 : i32
      %dma_wait3A_278 = tpu.memref_slice %arg6[%dma_wait3A_274, %dma_wait3A_276, %dma_wait3A_277] : memref<5x128x64xf32, #tpu.memory_space<vmem>> -> memref<1x128x64xf32, #tpu.memory_space<vmem>>
      %dma_wait3A_279 = tpu.memref_squeeze %dma_wait3A_278 : memref<1x128x64xf32, #tpu.memory_space<vmem>> -> memref<128x64xf32, #tpu.memory_space<vmem>>
      %dma_wait3A_280 = arith.constant 0 : i32
      %dma_wait3A_281 = tpu.memref_slice %arg5[%dma_wait3A_273, %dma_wait3A_280] : memref<200x128xi32, #tpu.memory_space<vmem>> -> memref<1x128xi32, #tpu.memory_space<vmem>>
      %dma_wait3A_282 = tpu.memref_squeeze %dma_wait3A_281 : memref<1x128xi32, #tpu.memory_space<vmem>> -> memref<128xi32, #tpu.memory_space<vmem>>
      %dma_wait3A_283 = arith.constant 0 : i32
      %dma_wait3A_284 = arith.constant 0 : i32
      %dma_wait3A_285 = tpu.memref_slice %arg3[%dma_wait3A_283, %dma_wait3A_284] : memref<1015808x64xf32, #tpu.memory_space<hbm>> -> memref<1015808x64xf32, #tpu.memory_space<hbm>>
      %dma_wait3A_286 = tpu.memref_slice %arg8[%dma_wait3A_275] : memref<5x!tpu.dma_semaphore, #tpu.memory_space<semaphore_mem>> -> memref<1x!tpu.dma_semaphore, #tpu.memory_space<semaphore_mem>>
      %dma_wait3A_287 = tpu.memref_squeeze %dma_wait3A_286 : memref<1x!tpu.dma_semaphore, #tpu.memory_space<semaphore_mem>> -> memref<!tpu.dma_semaphore, #tpu.memory_space<semaphore_mem>>
      tpu.wait_indirect_dma semaphore(%dma_wait3A_287 : memref<!tpu.dma_semaphore, #tpu.memory_space<semaphore_mem>>) src(%dma_wait3A_285 : memref<1015808x64xf32, #tpu.memory_space<hbm>>) dst(%dma_wait3A_279 : memref<128x64xf32, #tpu.memory_space<vmem>>)
      %ge3A = arith.constant 5 : i32
      %ge3A_288 = arith.cmpi sge, %add3A_267, %ge3A : i32
      %convert_element_type3A = arith.extui %ge3A_288 : i1 to i32
      %cond3A = arith.constant 0 : i32
      %cond3A_289 = arith.cmpi ne, %convert_element_type3A, %cond3A : i32
      scf.if %cond3A_289 {
        %dma_wait3A_575 = arith.constant 0 : i32
        %dma_wait3A_576 = arith.constant 0 : i32
        %dma_wait3A_577 = arith.constant 0 : i32
        %dma_wait3A_578 = arith.constant 0 : i32
        %dma_wait3A_579 = arith.constant 0 : i32
        %dma_wait3A_580 = arith.constant 0 : i32
        %dma_wait3A_581 = tpu.memref_slice %arg7[%dma_wait3A_575, %dma_wait3A_578, %dma_wait3A_579, %dma_wait3A_580] : memref<5x8x8x129xf32, #tpu.memory_space<vmem>> -> memref<1x8x8x128xf32, #tpu.memory_space<vmem>>
        %dma_wait3A_582 = tpu.memref_squeeze %dma_wait3A_581 : memref<1x8x8x128xf32, #tpu.memory_space<vmem>> -> memref<8x8x128xf32, #tpu.memory_space<vmem>>
        %dma_wait3A_583 = arith.constant 0 : i32
        %dma_wait3A_584 = arith.constant 0 : i32
        %dma_wait3A_585 = arith.constant 0 : i32
        %dma_wait3A_586 = tpu.memref_slice %arg4[%dma_wait3A_583, %dma_wait3A_576, %dma_wait3A_584, %dma_wait3A_585] : memref<1600x32x8x128xf32, #tpu.memory_space<hbm>> -> memref<8x1x8x128xf32, #tpu.memory_space<hbm>>
        %dma_wait3A_587 = tpu.memref_squeeze %dma_wait3A_586 : memref<8x1x8x128xf32, #tpu.memory_space<hbm>> -> memref<8x8x128xf32, #tpu.memory_space<hbm>>
        %dma_wait3A_588 = tpu.memref_slice %arg9[%dma_wait3A_577] : memref<5x!tpu.dma_semaphore, #tpu.memory_space<semaphore_mem>> -> memref<1x!tpu.dma_semaphore, #tpu.memory_space<semaphore_mem>>
        %dma_wait3A_589 = tpu.memref_squeeze %dma_wait3A_588 : memref<1x!tpu.dma_semaphore, #tpu.memory_space<semaphore_mem>> -> memref<!tpu.dma_semaphore, #tpu.memory_space<semaphore_mem>>
        %dma_wait3A_590 = arith.constant 0 : i32
        %dma_wait3A_591 = arith.constant 0 : i32
        %dma_wait3A_592 = arith.constant 0 : i32
        %dma_wait3A_593 = tpu.memref_slice %arg4[%dma_wait3A_590, %dma_wait3A_576, %dma_wait3A_591, %dma_wait3A_592] : memref<1600x32x8x128xf32, #tpu.memory_space<hbm>> -> memref<8x1x8x128xf32, #tpu.memory_space<hbm>>
        %dma_wait3A_594 = tpu.memref_squeeze %dma_wait3A_593 : memref<8x1x8x128xf32, #tpu.memory_space<hbm>> -> memref<8x8x128xf32, #tpu.memory_space<hbm>>
        %dma_wait3A_595 = arith.constant 0 : i32
        %dma_wait3A_596 = arith.constant 0 : i32
        %dma_wait3A_597 = arith.constant 0 : i32
        %dma_wait3A_598 = tpu.memref_slice %arg7[%dma_wait3A_575, %dma_wait3A_595, %dma_wait3A_596, %dma_wait3A_597] : memref<5x8x8x129xf32, #tpu.memory_space<vmem>> -> memref<1x8x8x128xf32, #tpu.memory_space<vmem>>
        %dma_wait3A_599 = tpu.memref_squeeze %dma_wait3A_598 : memref<1x8x8x128xf32, #tpu.memory_space<vmem>> -> memref<8x8x128xf32, #tpu.memory_space<vmem>>
        tpu.wait_dma2 semaphore(%dma_wait3A_589 : memref<!tpu.dma_semaphore, #tpu.memory_space<semaphore_mem>>) src(%dma_wait3A_599 : memref<8x8x128xf32, #tpu.memory_space<vmem>>) dst(%dma_wait3A_594 : memref<8x8x128xf32, #tpu.memory_space<hbm>>)
      } else {
      }
      %parallel_loop3A_290 = arith.constant 0 : i32
      %parallel_loop3A_291 = arith.constant 128 : i32
      %parallel_loop3A_292 = arith.constant 1 : i32
      scf.for %parallel_loop3A_575 = %parallel_loop3A_290 to %parallel_loop3A_291 step %parallel_loop3A_292  : i32 {
        %parallel_loop3A_576 = vector.broadcast %parallel_loop3A_575 : i32 to vector<16xi32>
        %parallel_loop3A_577 = arith.constant 0 : i32
        %parallel_loop3A_578 = arith.index_cast %parallel_loop3A_577 : i32 to index
        %parallel_loop3A_579 = arith.index_cast %parallel_loop3A_575 : i32 to index
        %parallel_loop3A_580 = arith.constant 0 : index
        %parallel_loop3A_581 = tpu.vector_load %arg6[%parallel_loop3A_578, %parallel_loop3A_579, %parallel_loop3A_580] {strides = array<i32>} : memref<5x128x64xf32, #tpu.memory_space<vmem>>, vector<16xf32>,
        %parallel_loop3A_582 = arith.constant 8.000000e+00 : f32
        %parallel_loop3A_583 = vector.broadcast %parallel_loop3A_582 : f32 to vector<16xf32>
        %parallel_loop3A_584 = arith.mulf %parallel_loop3A_581, %parallel_loop3A_583 : vector<16xf32>
        tpu.vector_store_idx %arg7[%broadcast_in_dim3A_125, %shift_right_logical3A_83, %and3A_106, %parallel_loop3A_576], %parallel_loop3A_584 : memref<5x8x8x129xf32, #tpu.memory_space<vmem>>[vector<16xi32>, vector<16xi32>, vector<16xi32>, vector<16xi32>], vector<16xf32>,
        %parallel_loop3A_585 = arith.constant 0 : i32
        %parallel_loop3A_586 = arith.index_cast %parallel_loop3A_585 : i32 to index
        %parallel_loop3A_587 = arith.index_cast %parallel_loop3A_575 : i32 to index
        %parallel_loop3A_588 = arith.constant 16 : index
        %parallel_loop3A_589 = tpu.vector_load %arg6[%parallel_loop3A_586, %parallel_loop3A_587, %parallel_loop3A_588] {strides = array<i32>} : memref<5x128x64xf32, #tpu.memory_space<vmem>>, vector<16xf32>,
        %parallel_loop3A_590 = arith.constant 8.000000e+00 : f32
        %parallel_loop3A_591 = vector.broadcast %parallel_loop3A_590 : f32 to vector<16xf32>
        %parallel_loop3A_592 = arith.mulf %parallel_loop3A_589, %parallel_loop3A_591 : vector<16xf32>
        tpu.vector_store_idx %arg7[%broadcast_in_dim3A_125, %shift_right_logical3A_89, %and3A_112, %parallel_loop3A_576], %parallel_loop3A_592 : memref<5x8x8x129xf32, #tpu.memory_space<vmem>>[vector<16xi32>, vector<16xi32>, vector<16xi32>, vector<16xi32>], vector<16xf32>,
        %parallel_loop3A_593 = arith.constant 0 : i32
        %parallel_loop3A_594 = arith.index_cast %parallel_loop3A_593 : i32 to index
        %parallel_loop3A_595 = arith.index_cast %parallel_loop3A_575 : i32 to index
        %parallel_loop3A_596 = arith.constant 32 : index
        %parallel_loop3A_597 = tpu.vector_load %arg6[%parallel_loop3A_594, %parallel_loop3A_595, %parallel_loop3A_596] {strides = array<i32>} : memref<5x128x64xf32, #tpu.memory_space<vmem>>, vector<16xf32>,
        %parallel_loop3A_598 = arith.constant 8.000000e+00 : f32
        %parallel_loop3A_599 = vector.broadcast %parallel_loop3A_598 : f32 to vector<16xf32>
        %parallel_loop3A_600 = arith.mulf %parallel_loop3A_597, %parallel_loop3A_599 : vector<16xf32>
        tpu.vector_store_idx %arg7[%broadcast_in_dim3A_125, %shift_right_logical3A_95, %and3A_118, %parallel_loop3A_576], %parallel_loop3A_600 : memref<5x8x8x129xf32, #tpu.memory_space<vmem>>[vector<16xi32>, vector<16xi32>, vector<16xi32>, vector<16xi32>], vector<16xf32>,
        %parallel_loop3A_601 = arith.constant 0 : i32
        %parallel_loop3A_602 = arith.index_cast %parallel_loop3A_601 : i32 to index
        %parallel_loop3A_603 = arith.index_cast %parallel_loop3A_575 : i32 to index
        %parallel_loop3A_604 = arith.constant 48 : index
        %parallel_loop3A_605 = tpu.vector_load %arg6[%parallel_loop3A_602, %parallel_loop3A_603, %parallel_loop3A_604] {strides = array<i32>} : memref<5x128x64xf32, #tpu.memory_space<vmem>>, vector<16xf32>,
        %parallel_loop3A_606 = arith.constant 8.000000e+00 : f32
        %parallel_loop3A_607 = vector.broadcast %parallel_loop3A_606 : f32 to vector<16xf32>
        %parallel_loop3A_608 = arith.mulf %parallel_loop3A_605, %parallel_loop3A_607 : vector<16xf32>
        tpu.vector_store_idx %arg7[%broadcast_in_dim3A_125, %shift_right_logical3A_101, %and3A_124, %parallel_loop3A_576], %parallel_loop3A_608 : memref<5x8x8x129xf32, #tpu.memory_space<vmem>>[vector<16xi32>, vector<16xi32>, vector<16xi32>, vector<16xi32>], vector<16xf32>,
      } {sc.loop_unroll_factor = 4 : i64, sc.parallel_access}
      %mul3A_293 = arith.constant 8 : i32
      %mul3A_294 = arith.muli %shift_right_logical3A_270, %mul3A_293 : i32
      %dma_start3A_295 = arith.constant 0 : i32
      %dma_start3A_296 = arith.constant 0 : i32
      %dma_start3A_297 = arith.constant 0 : i32
      %dma_start3A_298 = arith.constant 0 : i32
      %dma_start3A_299 = arith.constant 0 : i32
      %dma_start3A_300 = tpu.memref_slice %arg7[%dma_start3A_295, %dma_start3A_297, %dma_start3A_298, %dma_start3A_299] : memref<5x8x8x129xf32, #tpu.memory_space<vmem>> -> memref<1x8x8x128xf32, #tpu.memory_space<vmem>>
      %dma_start3A_301 = tpu.memref_squeeze %dma_start3A_300 : memref<1x8x8x128xf32, #tpu.memory_space<vmem>> -> memref<8x8x128xf32, #tpu.memory_space<vmem>>
      %dma_start3A_302 = arith.constant 0 : i32
      %dma_start3A_303 = arith.constant 0 : i32
      %dma_start3A_304 = tpu.memref_slice %arg4[%mul3A_294, %and3A_272, %dma_start3A_302, %dma_start3A_303] : memref<1600x32x8x128xf32, #tpu.memory_space<hbm>> -> memref<8x1x8x128xf32, #tpu.memory_space<hbm>>
      %dma_start3A_305 = tpu.memref_squeeze %dma_start3A_304 : memref<8x1x8x128xf32, #tpu.memory_space<hbm>> -> memref<8x8x128xf32, #tpu.memory_space<hbm>>
      %dma_start3A_306 = tpu.memref_slice %arg9[%dma_start3A_296] : memref<5x!tpu.dma_semaphore, #tpu.memory_space<semaphore_mem>> -> memref<1x!tpu.dma_semaphore, #tpu.memory_space<semaphore_mem>>
      %dma_start3A_307 = tpu.memref_squeeze %dma_start3A_306 : memref<1x!tpu.dma_semaphore, #tpu.memory_space<semaphore_mem>> -> memref<!tpu.dma_semaphore, #tpu.memory_space<semaphore_mem>>
      %dma_start3A_308 = arith.constant 0 : i32
      %dma_start3A_309 = arith.constant 0 : i32
      %dma_start3A_310 = tpu.memref_slice %arg4[%mul3A_294, %and3A_272, %dma_start3A_308, %dma_start3A_309] : memref<1600x32x8x128xf32, #tpu.memory_space<hbm>> -> memref<8x1x8x128xf32, #tpu.memory_space<hbm>>
      %dma_start3A_311 = tpu.memref_squeeze %dma_start3A_310 : memref<8x1x8x128xf32, #tpu.memory_space<hbm>> -> memref<8x8x128xf32, #tpu.memory_space<hbm>>
      %dma_start3A_312 = arith.constant 0 : i32
      %dma_start3A_313 = arith.constant 0 : i32
      %dma_start3A_314 = arith.constant 0 : i32
      %dma_start3A_315 = tpu.memref_slice %arg7[%dma_start3A_295, %dma_start3A_312, %dma_start3A_313, %dma_start3A_314] : memref<5x8x8x129xf32, #tpu.memory_space<vmem>> -> memref<1x8x8x128xf32, #tpu.memory_space<vmem>>
      %dma_start3A_316 = tpu.memref_squeeze %dma_start3A_315 : memref<1x8x8x128xf32, #tpu.memory_space<vmem>> -> memref<8x8x128xf32, #tpu.memory_space<vmem>>
      tpu.enqueue_dma source(%dma_start3A_316 : memref<8x8x128xf32, #tpu.memory_space<vmem>>) target(%dma_start3A_311 : memref<8x8x128xf32, #tpu.memory_space<hbm>>) target_semaphore(%dma_start3A_307 : memref<!tpu.dma_semaphore, #tpu.memory_space<semaphore_mem>>)
      %add3A_317 = arith.constant 5 : i32
      %add3A_318 = arith.addi %add3A_267, %add3A_317 : i32
      %lt3A = arith.constant 200 : i32
      %lt3A_319 = arith.cmpi slt, %add3A_318, %lt3A : i32
      %convert_element_type3A_320 = arith.extui %lt3A_319 : i1 to i32
      %cond3A_321 = arith.constant 0 : i32
      %cond3A_322 = arith.cmpi ne, %convert_element_type3A_320, %cond3A_321 : i32
      scf.if %cond3A_322 {
        %add3A_575 = arith.constant 5 : i32
        %add3A_576 = arith.addi %add3A_267, %add3A_575 : i32
        %dma_start3A_577 = arith.constant 0 : i32
        %dma_start3A_578 = arith.constant 0 : i32
        %dma_start3A_579 = arith.constant 0 : i32
        %dma_start3A_580 = arith.constant 0 : i32
        %dma_start3A_581 = tpu.memref_slice %arg6[%dma_start3A_577, %dma_start3A_579, %dma_start3A_580] : memref<5x128x64xf32, #tpu.memory_space<vmem>> -> memref<1x128x64xf32, #tpu.memory_space<vmem>>
        %dma_start3A_582 = tpu.memref_squeeze %dma_start3A_581 : memref<1x128x64xf32, #tpu.memory_space<vmem>> -> memref<128x64xf32, #tpu.memory_space<vmem>>
        %dma_start3A_583 = arith.constant 0 : i32
        %dma_start3A_584 = tpu.memref_slice %arg5[%add3A_576, %dma_start3A_583] : memref<200x128xi32, #tpu.memory_space<vmem>> -> memref<1x128xi32, #tpu.memory_space<vmem>>
        %dma_start3A_585 = tpu.memref_squeeze %dma_start3A_584 : memref<1x128xi32, #tpu.memory_space<vmem>> -> memref<128xi32, #tpu.memory_space<vmem>>
        %dma_start3A_586 = arith.constant 0 : i32
        %dma_start3A_587 = arith.constant 0 : i32
        %dma_start3A_588 = tpu.memref_slice %arg3[%dma_start3A_586, %dma_start3A_587] : memref<1015808x64xf32, #tpu.memory_space<hbm>> -> memref<1015808x64xf32, #tpu.memory_space<hbm>>
        %dma_start3A_589 = tpu.memref_slice %arg8[%dma_start3A_578] : memref<5x!tpu.dma_semaphore, #tpu.memory_space<semaphore_mem>> -> memref<1x!tpu.dma_semaphore, #tpu.memory_space<semaphore_mem>>
        %dma_start3A_590 = tpu.memref_squeeze %dma_start3A_589 : memref<1x!tpu.dma_semaphore, #tpu.memory_space<semaphore_mem>> -> memref<!tpu.dma_semaphore, #tpu.memory_space<semaphore_mem>>
        tpu.enqueue_indirect_dma source(%dma_start3A_588 : memref<1015808x64xf32, #tpu.memory_space<hbm>>) target(%dma_start3A_582 : memref<128x64xf32, #tpu.memory_space<vmem>>) offsets(%dma_start3A_585 : memref<128xi32, #tpu.memory_space<vmem>>) semaphore(%dma_start3A_590 : memref<!tpu.dma_semaphore, #tpu.memory_space<semaphore_mem>>)
      } else {
      }
      %mul3A_323 = arith.constant 5 : i32
      %mul3A_324 = arith.muli %mul3A_323, %scan3A_263 : i32
      %add3A_325 = arith.constant 1 : i32
      %add3A_326 = arith.addi %mul3A_324, %add3A_325 : i32
      %add3A_327 = arith.addi %mul3A_2, %add3A_326 : i32
      %shift_right_logical3A_328 = arith.constant 5 : i32
      %shift_right_logical3A_329 = arith.shrui %add3A_327, %shift_right_logical3A_328 : i32
      %and3A_330 = arith.constant 31 : i32
      %and3A_331 = arith.andi %add3A_327, %and3A_330 : i32
      %dma_wait3A_332 = arith.constant 1 : i32
      %dma_wait3A_333 = arith.constant 1 : i32
      %dma_wait3A_334 = arith.constant 1 : i32
      %dma_wait3A_335 = arith.constant 0 : i32
      %dma_wait3A_336 = arith.constant 0 : i32
      %dma_wait3A_337 = tpu.memref_slice %arg6[%dma_wait3A_333, %dma_wait3A_335, %dma_wait3A_336] : memref<5x128x64xf32, #tpu.memory_space<vmem>> -> memref<1x128x64xf32, #tpu.memory_space<vmem>>
      %dma_wait3A_338 = tpu.memref_squeeze %dma_wait3A_337 : memref<1x128x64xf32, #tpu.memory_space<vmem>> -> memref<128x64xf32, #tpu.memory_space<vmem>>
      %dma_wait3A_339 = arith.constant 0 : i32
      %dma_wait3A_340 = tpu.memref_slice %arg5[%dma_wait3A_332, %dma_wait3A_339] : memref<200x128xi32, #tpu.memory_space<vmem>> -> memref<1x128xi32, #tpu.memory_space<vmem>>
      %dma_wait3A_341 = tpu.memref_squeeze %dma_wait3A_340 : memref<1x128xi32, #tpu.memory_space<vmem>> -> memref<128xi32, #tpu.memory_space<vmem>>
      %dma_wait3A_342 = arith.constant 0 : i32
      %dma_wait3A_343 = arith.constant 0 : i32
      %dma_wait3A_344 = tpu.memref_slice %arg3[%dma_wait3A_342, %dma_wait3A_343] : memref<1015808x64xf32, #tpu.memory_space<hbm>> -> memref<1015808x64xf32, #tpu.memory_space<hbm>>
      %dma_wait3A_345 = tpu.memref_slice %arg8[%dma_wait3A_334] : memref<5x!tpu.dma_semaphore, #tpu.memory_space<semaphore_mem>> -> memref<1x!tpu.dma_semaphore, #tpu.memory_space<semaphore_mem>>
      %dma_wait3A_346 = tpu.memref_squeeze %dma_wait3A_345 : memref<1x!tpu.dma_semaphore, #tpu.memory_space<semaphore_mem>> -> memref<!tpu.dma_semaphore, #tpu.memory_space<semaphore_mem>>
      tpu.wait_indirect_dma semaphore(%dma_wait3A_346 : memref<!tpu.dma_semaphore, #tpu.memory_space<semaphore_mem>>) src(%dma_wait3A_344 : memref<1015808x64xf32, #tpu.memory_space<hbm>>) dst(%dma_wait3A_338 : memref<128x64xf32, #tpu.memory_space<vmem>>)
      %ge3A_347 = arith.constant 5 : i32
      %ge3A_348 = arith.cmpi sge, %add3A_326, %ge3A_347 : i32
      %convert_element_type3A_349 = arith.extui %ge3A_348 : i1 to i32
      %cond3A_350 = arith.constant 0 : i32
      %cond3A_351 = arith.cmpi ne, %convert_element_type3A_349, %cond3A_350 : i32
      scf.if %cond3A_351 {
        %dma_wait3A_575 = arith.constant 1 : i32
        %dma_wait3A_576 = arith.constant 0 : i32
        %dma_wait3A_577 = arith.constant 1 : i32
        %dma_wait3A_578 = arith.constant 0 : i32
        %dma_wait3A_579 = arith.constant 0 : i32
        %dma_wait3A_580 = arith.constant 0 : i32
        %dma_wait3A_581 = tpu.memref_slice %arg7[%dma_wait3A_575, %dma_wait3A_578, %dma_wait3A_579, %dma_wait3A_580] : memref<5x8x8x129xf32, #tpu.memory_space<vmem>> -> memref<1x8x8x128xf32, #tpu.memory_space<vmem>>
        %dma_wait3A_582 = tpu.memref_squeeze %dma_wait3A_581 : memref<1x8x8x128xf32, #tpu.memory_space<vmem>> -> memref<8x8x128xf32, #tpu.memory_space<vmem>>
        %dma_wait3A_583 = arith.constant 0 : i32
        %dma_wait3A_584 = arith.constant 0 : i32
        %dma_wait3A_585 = arith.constant 0 : i32
        %dma_wait3A_586 = tpu.memref_slice %arg4[%dma_wait3A_583, %dma_wait3A_576, %dma_wait3A_584, %dma_wait3A_585] : memref<1600x32x8x128xf32, #tpu.memory_space<hbm>> -> memref<8x1x8x128xf32, #tpu.memory_space<hbm>>
        %dma_wait3A_587 = tpu.memref_squeeze %dma_wait3A_586 : memref<8x1x8x128xf32, #tpu.memory_space<hbm>> -> memref<8x8x128xf32, #tpu.memory_space<hbm>>
        %dma_wait3A_588 = tpu.memref_slice %arg9[%dma_wait3A_577] : memref<5x!tpu.dma_semaphore, #tpu.memory_space<semaphore_mem>> -> memref<1x!tpu.dma_semaphore, #tpu.memory_space<semaphore_mem>>
        %dma_wait3A_589 = tpu.memref_squeeze %dma_wait3A_588 : memref<1x!tpu.dma_semaphore, #tpu.memory_space<semaphore_mem>> -> memref<!tpu.dma_semaphore, #tpu.memory_space<semaphore_mem>>
        %dma_wait3A_590 = arith.constant 0 : i32
        %dma_wait3A_591 = arith.constant 0 : i32
        %dma_wait3A_592 = arith.constant 0 : i32
        %dma_wait3A_593 = tpu.memref_slice %arg4[%dma_wait3A_590, %dma_wait3A_576, %dma_wait3A_591, %dma_wait3A_592] : memref<1600x32x8x128xf32, #tpu.memory_space<hbm>> -> memref<8x1x8x128xf32, #tpu.memory_space<hbm>>
        %dma_wait3A_594 = tpu.memref_squeeze %dma_wait3A_593 : memref<8x1x8x128xf32, #tpu.memory_space<hbm>> -> memref<8x8x128xf32, #tpu.memory_space<hbm>>
        %dma_wait3A_595 = arith.constant 0 : i32
        %dma_wait3A_596 = arith.constant 0 : i32
        %dma_wait3A_597 = arith.constant 0 : i32
        %dma_wait3A_598 = tpu.memref_slice %arg7[%dma_wait3A_575, %dma_wait3A_595, %dma_wait3A_596, %dma_wait3A_597] : memref<5x8x8x129xf32, #tpu.memory_space<vmem>> -> memref<1x8x8x128xf32, #tpu.memory_space<vmem>>
        %dma_wait3A_599 = tpu.memref_squeeze %dma_wait3A_598 : memref<1x8x8x128xf32, #tpu.memory_space<vmem>> -> memref<8x8x128xf32, #tpu.memory_space<vmem>>
        tpu.wait_dma2 semaphore(%dma_wait3A_589 : memref<!tpu.dma_semaphore, #tpu.memory_space<semaphore_mem>>) src(%dma_wait3A_599 : memref<8x8x128xf32, #tpu.memory_space<vmem>>) dst(%dma_wait3A_594 : memref<8x8x128xf32, #tpu.memory_space<hbm>>)
      } else {
      }
      %parallel_loop3A_352 = arith.constant 0 : i32
      %parallel_loop3A_353 = arith.constant 128 : i32
      %parallel_loop3A_354 = arith.constant 1 : i32
      scf.for %parallel_loop3A_575 = %parallel_loop3A_352 to %parallel_loop3A_353 step %parallel_loop3A_354  : i32 {
        %parallel_loop3A_576 = vector.broadcast %parallel_loop3A_575 : i32 to vector<16xi32>
        %parallel_loop3A_577 = arith.constant 1 : i32
        %parallel_loop3A_578 = arith.index_cast %parallel_loop3A_577 : i32 to index
        %parallel_loop3A_579 = arith.index_cast %parallel_loop3A_575 : i32 to index
        %parallel_loop3A_580 = arith.constant 0 : index
        %parallel_loop3A_581 = tpu.vector_load %arg6[%parallel_loop3A_578, %parallel_loop3A_579, %parallel_loop3A_580] {strides = array<i32>} : memref<5x128x64xf32, #tpu.memory_space<vmem>>, vector<16xf32>,
        %parallel_loop3A_582 = arith.constant 8.000000e+00 : f32
        %parallel_loop3A_583 = vector.broadcast %parallel_loop3A_582 : f32 to vector<16xf32>
        %parallel_loop3A_584 = arith.mulf %parallel_loop3A_581, %parallel_loop3A_583 : vector<16xf32>
        tpu.vector_store_idx %arg7[%broadcast_in_dim3A_127, %shift_right_logical3A_83, %and3A_106, %parallel_loop3A_576], %parallel_loop3A_584 : memref<5x8x8x129xf32, #tpu.memory_space<vmem>>[vector<16xi32>, vector<16xi32>, vector<16xi32>, vector<16xi32>], vector<16xf32>,
        %parallel_loop3A_585 = arith.constant 1 : i32
        %parallel_loop3A_586 = arith.index_cast %parallel_loop3A_585 : i32 to index
        %parallel_loop3A_587 = arith.index_cast %parallel_loop3A_575 : i32 to index
        %parallel_loop3A_588 = arith.constant 16 : index
        %parallel_loop3A_589 = tpu.vector_load %arg6[%parallel_loop3A_586, %parallel_loop3A_587, %parallel_loop3A_588] {strides = array<i32>} : memref<5x128x64xf32, #tpu.memory_space<vmem>>, vector<16xf32>,
        %parallel_loop3A_590 = arith.constant 8.000000e+00 : f32
        %parallel_loop3A_591 = vector.broadcast %parallel_loop3A_590 : f32 to vector<16xf32>
        %parallel_loop3A_592 = arith.mulf %parallel_loop3A_589, %parallel_loop3A_591 : vector<16xf32>
        tpu.vector_store_idx %arg7[%broadcast_in_dim3A_127, %shift_right_logical3A_89, %and3A_112, %parallel_loop3A_576], %parallel_loop3A_592 : memref<5x8x8x129xf32, #tpu.memory_space<vmem>>[vector<16xi32>, vector<16xi32>, vector<16xi32>, vector<16xi32>], vector<16xf32>,
        %parallel_loop3A_593 = arith.constant 1 : i32
        %parallel_loop3A_594 = arith.index_cast %parallel_loop3A_593 : i32 to index
        %parallel_loop3A_595 = arith.index_cast %parallel_loop3A_575 : i32 to index
        %parallel_loop3A_596 = arith.constant 32 : index
        %parallel_loop3A_597 = tpu.vector_load %arg6[%parallel_loop3A_594, %parallel_loop3A_595, %parallel_loop3A_596] {strides = array<i32>} : memref<5x128x64xf32, #tpu.memory_space<vmem>>, vector<16xf32>,
        %parallel_loop3A_598 = arith.constant 8.000000e+00 : f32
        %parallel_loop3A_599 = vector.broadcast %parallel_loop3A_598 : f32 to vector<16xf32>
        %parallel_loop3A_600 = arith.mulf %parallel_loop3A_597, %parallel_loop3A_599 : vector<16xf32>
        tpu.vector_store_idx %arg7[%broadcast_in_dim3A_127, %shift_right_logical3A_95, %and3A_118, %parallel_loop3A_576], %parallel_loop3A_600 : memref<5x8x8x129xf32, #tpu.memory_space<vmem>>[vector<16xi32>, vector<16xi32>, vector<16xi32>, vector<16xi32>], vector<16xf32>,
        %parallel_loop3A_601 = arith.constant 1 : i32
        %parallel_loop3A_602 = arith.index_cast %parallel_loop3A_601 : i32 to index
        %parallel_loop3A_603 = arith.index_cast %parallel_loop3A_575 : i32 to index
        %parallel_loop3A_604 = arith.constant 48 : index
        %parallel_loop3A_605 = tpu.vector_load %arg6[%parallel_loop3A_602, %parallel_loop3A_603, %parallel_loop3A_604] {strides = array<i32>} : memref<5x128x64xf32, #tpu.memory_space<vmem>>, vector<16xf32>,
        %parallel_loop3A_606 = arith.constant 8.000000e+00 : f32
        %parallel_loop3A_607 = vector.broadcast %parallel_loop3A_606 : f32 to vector<16xf32>
        %parallel_loop3A_608 = arith.mulf %parallel_loop3A_605, %parallel_loop3A_607 : vector<16xf32>
        tpu.vector_store_idx %arg7[%broadcast_in_dim3A_127, %shift_right_logical3A_101, %and3A_124, %parallel_loop3A_576], %parallel_loop3A_608 : memref<5x8x8x129xf32, #tpu.memory_space<vmem>>[vector<16xi32>, vector<16xi32>, vector<16xi32>, vector<16xi32>], vector<16xf32>,
      } {sc.loop_unroll_factor = 4 : i64, sc.parallel_access}
      %mul3A_355 = arith.constant 8 : i32
      %mul3A_356 = arith.muli %shift_right_logical3A_329, %mul3A_355 : i32
      %dma_start3A_357 = arith.constant 1 : i32
      %dma_start3A_358 = arith.constant 1 : i32
      %dma_start3A_359 = arith.constant 0 : i32
      %dma_start3A_360 = arith.constant 0 : i32
      %dma_start3A_361 = arith.constant 0 : i32
      %dma_start3A_362 = tpu.memref_slice %arg7[%dma_start3A_357, %dma_start3A_359, %dma_start3A_360, %dma_start3A_361] : memref<5x8x8x129xf32, #tpu.memory_space<vmem>> -> memref<1x8x8x128xf32, #tpu.memory_space<vmem>>
      %dma_start3A_363 = tpu.memref_squeeze %dma_start3A_362 : memref<1x8x8x128xf32, #tpu.memory_space<vmem>> -> memref<8x8x128xf32, #tpu.memory_space<vmem>>
      %dma_start3A_364 = arith.constant 0 : i32
      %dma_start3A_365 = arith.constant 0 : i32
      %dma_start3A_366 = tpu.memref_slice %arg4[%mul3A_356, %and3A_331, %dma_start3A_364, %dma_start3A_365] : memref<1600x32x8x128xf32, #tpu.memory_space<hbm>> -> memref<8x1x8x128xf32, #tpu.memory_space<hbm>>
      %dma_start3A_367 = tpu.memref_squeeze %dma_start3A_366 : memref<8x1x8x128xf32, #tpu.memory_space<hbm>> -> memref<8x8x128xf32, #tpu.memory_space<hbm>>
      %dma_start3A_368 = tpu.memref_slice %arg9[%dma_start3A_358] : memref<5x!tpu.dma_semaphore, #tpu.memory_space<semaphore_mem>> -> memref<1x!tpu.dma_semaphore, #tpu.memory_space<semaphore_mem>>
      %dma_start3A_369 = tpu.memref_squeeze %dma_start3A_368 : memref<1x!tpu.dma_semaphore, #tpu.memory_space<semaphore_mem>> -> memref<!tpu.dma_semaphore, #tpu.memory_space<semaphore_mem>>
      %dma_start3A_370 = arith.constant 0 : i32
      %dma_start3A_371 = arith.constant 0 : i32
      %dma_start3A_372 = tpu.memref_slice %arg4[%mul3A_356, %and3A_331, %dma_start3A_370, %dma_start3A_371] : memref<1600x32x8x128xf32, #tpu.memory_space<hbm>> -> memref<8x1x8x128xf32, #tpu.memory_space<hbm>>
      %dma_start3A_373 = tpu.memref_squeeze %dma_start3A_372 : memref<8x1x8x128xf32, #tpu.memory_space<hbm>> -> memref<8x8x128xf32, #tpu.memory_space<hbm>>
      %dma_start3A_374 = arith.constant 0 : i32
      %dma_start3A_375 = arith.constant 0 : i32
      %dma_start3A_376 = arith.constant 0 : i32
      %dma_start3A_377 = tpu.memref_slice %arg7[%dma_start3A_357, %dma_start3A_374, %dma_start3A_375, %dma_start3A_376] : memref<5x8x8x129xf32, #tpu.memory_space<vmem>> -> memref<1x8x8x128xf32, #tpu.memory_space<vmem>>
      %dma_start3A_378 = tpu.memref_squeeze %dma_start3A_377 : memref<1x8x8x128xf32, #tpu.memory_space<vmem>> -> memref<8x8x128xf32, #tpu.memory_space<vmem>>
      tpu.enqueue_dma source(%dma_start3A_378 : memref<8x8x128xf32, #tpu.memory_space<vmem>>) target(%dma_start3A_373 : memref<8x8x128xf32, #tpu.memory_space<hbm>>) target_semaphore(%dma_start3A_369 : memref<!tpu.dma_semaphore, #tpu.memory_space<semaphore_mem>>)
      %add3A_379 = arith.constant 5 : i32
      %add3A_380 = arith.addi %add3A_326, %add3A_379 : i32
      %lt3A_381 = arith.constant 200 : i32
      %lt3A_382 = arith.cmpi slt, %add3A_380, %lt3A_381 : i32
      %convert_element_type3A_383 = arith.extui %lt3A_382 : i1 to i32
      %cond3A_384 = arith.constant 0 : i32
      %cond3A_385 = arith.cmpi ne, %convert_element_type3A_383, %cond3A_384 : i32
      scf.if %cond3A_385 {
        %add3A_575 = arith.constant 5 : i32
        %add3A_576 = arith.addi %add3A_326, %add3A_575 : i32
        %dma_start3A_577 = arith.constant 1 : i32
        %dma_start3A_578 = arith.constant 1 : i32
        %dma_start3A_579 = arith.constant 0 : i32
        %dma_start3A_580 = arith.constant 0 : i32
        %dma_start3A_581 = tpu.memref_slice %arg6[%dma_start3A_577, %dma_start3A_579, %dma_start3A_580] : memref<5x128x64xf32, #tpu.memory_space<vmem>> -> memref<1x128x64xf32, #tpu.memory_space<vmem>>
        %dma_start3A_582 = tpu.memref_squeeze %dma_start3A_581 : memref<1x128x64xf32, #tpu.memory_space<vmem>> -> memref<128x64xf32, #tpu.memory_space<vmem>>
        %dma_start3A_583 = arith.constant 0 : i32
        %dma_start3A_584 = tpu.memref_slice %arg5[%add3A_576, %dma_start3A_583] : memref<200x128xi32, #tpu.memory_space<vmem>> -> memref<1x128xi32, #tpu.memory_space<vmem>>
        %dma_start3A_585 = tpu.memref_squeeze %dma_start3A_584 : memref<1x128xi32, #tpu.memory_space<vmem>> -> memref<128xi32, #tpu.memory_space<vmem>>
        %dma_start3A_586 = arith.constant 0 : i32
        %dma_start3A_587 = arith.constant 0 : i32
        %dma_start3A_588 = tpu.memref_slice %arg3[%dma_start3A_586, %dma_start3A_587] : memref<1015808x64xf32, #tpu.memory_space<hbm>> -> memref<1015808x64xf32, #tpu.memory_space<hbm>>
        %dma_start3A_589 = tpu.memref_slice %arg8[%dma_start3A_578] : memref<5x!tpu.dma_semaphore, #tpu.memory_space<semaphore_mem>> -> memref<1x!tpu.dma_semaphore, #tpu.memory_space<semaphore_mem>>
        %dma_start3A_590 = tpu.memref_squeeze %dma_start3A_589 : memref<1x!tpu.dma_semaphore, #tpu.memory_space<semaphore_mem>> -> memref<!tpu.dma_semaphore, #tpu.memory_space<semaphore_mem>>
        tpu.enqueue_indirect_dma source(%dma_start3A_588 : memref<1015808x64xf32, #tpu.memory_space<hbm>>) target(%dma_start3A_582 : memref<128x64xf32, #tpu.memory_space<vmem>>) offsets(%dma_start3A_585 : memref<128xi32, #tpu.memory_space<vmem>>) semaphore(%dma_start3A_590 : memref<!tpu.dma_semaphore, #tpu.memory_space<semaphore_mem>>)
      } else {
      }
      %mul3A_386 = arith.constant 5 : i32
      %mul3A_387 = arith.muli %mul3A_386, %scan3A_263 : i32
      %add3A_388 = arith.constant 2 : i32
      %add3A_389 = arith.addi %mul3A_387, %add3A_388 : i32
      %add3A_390 = arith.addi %mul3A_2, %add3A_389 : i32
      %shift_right_logical3A_391 = arith.constant 5 : i32
      %shift_right_logical3A_392 = arith.shrui %add3A_390, %shift_right_logical3A_391 : i32
      %and3A_393 = arith.constant 31 : i32
      %and3A_394 = arith.andi %add3A_390, %and3A_393 : i32
      %dma_wait3A_395 = arith.constant 2 : i32
      %dma_wait3A_396 = arith.constant 2 : i32
      %dma_wait3A_397 = arith.constant 2 : i32
      %dma_wait3A_398 = arith.constant 0 : i32
      %dma_wait3A_399 = arith.constant 0 : i32
      %dma_wait3A_400 = tpu.memref_slice %arg6[%dma_wait3A_396, %dma_wait3A_398, %dma_wait3A_399] : memref<5x128x64xf32, #tpu.memory_space<vmem>> -> memref<1x128x64xf32, #tpu.memory_space<vmem>>
      %dma_wait3A_401 = tpu.memref_squeeze %dma_wait3A_400 : memref<1x128x64xf32, #tpu.memory_space<vmem>> -> memref<128x64xf32, #tpu.memory_space<vmem>>
      %dma_wait3A_402 = arith.constant 0 : i32
      %dma_wait3A_403 = tpu.memref_slice %arg5[%dma_wait3A_395, %dma_wait3A_402] : memref<200x128xi32, #tpu.memory_space<vmem>> -> memref<1x128xi32, #tpu.memory_space<vmem>>
      %dma_wait3A_404 = tpu.memref_squeeze %dma_wait3A_403 : memref<1x128xi32, #tpu.memory_space<vmem>> -> memref<128xi32, #tpu.memory_space<vmem>>
      %dma_wait3A_405 = arith.constant 0 : i32
      %dma_wait3A_406 = arith.constant 0 : i32
      %dma_wait3A_407 = tpu.memref_slice %arg3[%dma_wait3A_405, %dma_wait3A_406] : memref<1015808x64xf32, #tpu.memory_space<hbm>> -> memref<1015808x64xf32, #tpu.memory_space<hbm>>
      %dma_wait3A_408 = tpu.memref_slice %arg8[%dma_wait3A_397] : memref<5x!tpu.dma_semaphore, #tpu.memory_space<semaphore_mem>> -> memref<1x!tpu.dma_semaphore, #tpu.memory_space<semaphore_mem>>
      %dma_wait3A_409 = tpu.memref_squeeze %dma_wait3A_408 : memref<1x!tpu.dma_semaphore, #tpu.memory_space<semaphore_mem>> -> memref<!tpu.dma_semaphore, #tpu.memory_space<semaphore_mem>>
      tpu.wait_indirect_dma semaphore(%dma_wait3A_409 : memref<!tpu.dma_semaphore, #tpu.memory_space<semaphore_mem>>) src(%dma_wait3A_407 : memref<1015808x64xf32, #tpu.memory_space<hbm>>) dst(%dma_wait3A_401 : memref<128x64xf32, #tpu.memory_space<vmem>>)
      %ge3A_410 = arith.constant 5 : i32
      %ge3A_411 = arith.cmpi sge, %add3A_389, %ge3A_410 : i32
      %convert_element_type3A_412 = arith.extui %ge3A_411 : i1 to i32
      %cond3A_413 = arith.constant 0 : i32
      %cond3A_414 = arith.cmpi ne, %convert_element_type3A_412, %cond3A_413 : i32
      scf.if %cond3A_414 {
        %dma_wait3A_575 = arith.constant 2 : i32
        %dma_wait3A_576 = arith.constant 0 : i32
        %dma_wait3A_577 = arith.constant 2 : i32
        %dma_wait3A_578 = arith.constant 0 : i32
        %dma_wait3A_579 = arith.constant 0 : i32
        %dma_wait3A_580 = arith.constant 0 : i32
        %dma_wait3A_581 = tpu.memref_slice %arg7[%dma_wait3A_575, %dma_wait3A_578, %dma_wait3A_579, %dma_wait3A_580] : memref<5x8x8x129xf32, #tpu.memory_space<vmem>> -> memref<1x8x8x128xf32, #tpu.memory_space<vmem>>
        %dma_wait3A_582 = tpu.memref_squeeze %dma_wait3A_581 : memref<1x8x8x128xf32, #tpu.memory_space<vmem>> -> memref<8x8x128xf32, #tpu.memory_space<vmem>>
        %dma_wait3A_583 = arith.constant 0 : i32
        %dma_wait3A_584 = arith.constant 0 : i32
        %dma_wait3A_585 = arith.constant 0 : i32
        %dma_wait3A_586 = tpu.memref_slice %arg4[%dma_wait3A_583, %dma_wait3A_576, %dma_wait3A_584, %dma_wait3A_585] : memref<1600x32x8x128xf32, #tpu.memory_space<hbm>> -> memref<8x1x8x128xf32, #tpu.memory_space<hbm>>
        %dma_wait3A_587 = tpu.memref_squeeze %dma_wait3A_586 : memref<8x1x8x128xf32, #tpu.memory_space<hbm>> -> memref<8x8x128xf32, #tpu.memory_space<hbm>>
        %dma_wait3A_588 = tpu.memref_slice %arg9[%dma_wait3A_577] : memref<5x!tpu.dma_semaphore, #tpu.memory_space<semaphore_mem>> -> memref<1x!tpu.dma_semaphore, #tpu.memory_space<semaphore_mem>>
        %dma_wait3A_589 = tpu.memref_squeeze %dma_wait3A_588 : memref<1x!tpu.dma_semaphore, #tpu.memory_space<semaphore_mem>> -> memref<!tpu.dma_semaphore, #tpu.memory_space<semaphore_mem>>
        %dma_wait3A_590 = arith.constant 0 : i32
        %dma_wait3A_591 = arith.constant 0 : i32
        %dma_wait3A_592 = arith.constant 0 : i32
        %dma_wait3A_593 = tpu.memref_slice %arg4[%dma_wait3A_590, %dma_wait3A_576, %dma_wait3A_591, %dma_wait3A_592] : memref<1600x32x8x128xf32, #tpu.memory_space<hbm>> -> memref<8x1x8x128xf32, #tpu.memory_space<hbm>>
        %dma_wait3A_594 = tpu.memref_squeeze %dma_wait3A_593 : memref<8x1x8x128xf32, #tpu.memory_space<hbm>> -> memref<8x8x128xf32, #tpu.memory_space<hbm>>
        %dma_wait3A_595 = arith.constant 0 : i32
        %dma_wait3A_596 = arith.constant 0 : i32
        %dma_wait3A_597 = arith.constant 0 : i32
        %dma_wait3A_598 = tpu.memref_slice %arg7[%dma_wait3A_575, %dma_wait3A_595, %dma_wait3A_596, %dma_wait3A_597] : memref<5x8x8x129xf32, #tpu.memory_space<vmem>> -> memref<1x8x8x128xf32, #tpu.memory_space<vmem>>
        %dma_wait3A_599 = tpu.memref_squeeze %dma_wait3A_598 : memref<1x8x8x128xf32, #tpu.memory_space<vmem>> -> memref<8x8x128xf32, #tpu.memory_space<vmem>>
        tpu.wait_dma2 semaphore(%dma_wait3A_589 : memref<!tpu.dma_semaphore, #tpu.memory_space<semaphore_mem>>) src(%dma_wait3A_599 : memref<8x8x128xf32, #tpu.memory_space<vmem>>) dst(%dma_wait3A_594 : memref<8x8x128xf32, #tpu.memory_space<hbm>>)
      } else {
      }
      %parallel_loop3A_415 = arith.constant 0 : i32
      %parallel_loop3A_416 = arith.constant 128 : i32
      %parallel_loop3A_417 = arith.constant 1 : i32
      scf.for %parallel_loop3A_575 = %parallel_loop3A_415 to %parallel_loop3A_416 step %parallel_loop3A_417  : i32 {
        %parallel_loop3A_576 = vector.broadcast %parallel_loop3A_575 : i32 to vector<16xi32>
        %parallel_loop3A_577 = arith.constant 2 : i32
        %parallel_loop3A_578 = arith.index_cast %parallel_loop3A_577 : i32 to index
        %parallel_loop3A_579 = arith.index_cast %parallel_loop3A_575 : i32 to index
        %parallel_loop3A_580 = arith.constant 0 : index
        %parallel_loop3A_581 = tpu.vector_load %arg6[%parallel_loop3A_578, %parallel_loop3A_579, %parallel_loop3A_580] {strides = array<i32>} : memref<5x128x64xf32, #tpu.memory_space<vmem>>, vector<16xf32>,
        %parallel_loop3A_582 = arith.constant 8.000000e+00 : f32
        %parallel_loop3A_583 = vector.broadcast %parallel_loop3A_582 : f32 to vector<16xf32>
        %parallel_loop3A_584 = arith.mulf %parallel_loop3A_581, %parallel_loop3A_583 : vector<16xf32>
        tpu.vector_store_idx %arg7[%broadcast_in_dim3A_129, %shift_right_logical3A_83, %and3A_106, %parallel_loop3A_576], %parallel_loop3A_584 : memref<5x8x8x129xf32, #tpu.memory_space<vmem>>[vector<16xi32>, vector<16xi32>, vector<16xi32>, vector<16xi32>], vector<16xf32>,
        %parallel_loop3A_585 = arith.constant 2 : i32
        %parallel_loop3A_586 = arith.index_cast %parallel_loop3A_585 : i32 to index
        %parallel_loop3A_587 = arith.index_cast %parallel_loop3A_575 : i32 to index
        %parallel_loop3A_588 = arith.constant 16 : index
        %parallel_loop3A_589 = tpu.vector_load %arg6[%parallel_loop3A_586, %parallel_loop3A_587, %parallel_loop3A_588] {strides = array<i32>} : memref<5x128x64xf32, #tpu.memory_space<vmem>>, vector<16xf32>,
        %parallel_loop3A_590 = arith.constant 8.000000e+00 : f32
        %parallel_loop3A_591 = vector.broadcast %parallel_loop3A_590 : f32 to vector<16xf32>
        %parallel_loop3A_592 = arith.mulf %parallel_loop3A_589, %parallel_loop3A_591 : vector<16xf32>
        tpu.vector_store_idx %arg7[%broadcast_in_dim3A_129, %shift_right_logical3A_89, %and3A_112, %parallel_loop3A_576], %parallel_loop3A_592 : memref<5x8x8x129xf32, #tpu.memory_space<vmem>>[vector<16xi32>, vector<16xi32>, vector<16xi32>, vector<16xi32>], vector<16xf32>,
        %parallel_loop3A_593 = arith.constant 2 : i32
        %parallel_loop3A_594 = arith.index_cast %parallel_loop3A_593 : i32 to index
        %parallel_loop3A_595 = arith.index_cast %parallel_loop3A_575 : i32 to index
        %parallel_loop3A_596 = arith.constant 32 : index
        %parallel_loop3A_597 = tpu.vector_load %arg6[%parallel_loop3A_594, %parallel_loop3A_595, %parallel_loop3A_596] {strides = array<i32>} : memref<5x128x64xf32, #tpu.memory_space<vmem>>, vector<16xf32>,
        %parallel_loop3A_598 = arith.constant 8.000000e+00 : f32
        %parallel_loop3A_599 = vector.broadcast %parallel_loop3A_598 : f32 to vector<16xf32>
        %parallel_loop3A_600 = arith.mulf %parallel_loop3A_597, %parallel_loop3A_599 : vector<16xf32>
        tpu.vector_store_idx %arg7[%broadcast_in_dim3A_129, %shift_right_logical3A_95, %and3A_118, %parallel_loop3A_576], %parallel_loop3A_600 : memref<5x8x8x129xf32, #tpu.memory_space<vmem>>[vector<16xi32>, vector<16xi32>, vector<16xi32>, vector<16xi32>], vector<16xf32>,
        %parallel_loop3A_601 = arith.constant 2 : i32
        %parallel_loop3A_602 = arith.index_cast %parallel_loop3A_601 : i32 to index
        %parallel_loop3A_603 = arith.index_cast %parallel_loop3A_575 : i32 to index
        %parallel_loop3A_604 = arith.constant 48 : index
        %parallel_loop3A_605 = tpu.vector_load %arg6[%parallel_loop3A_602, %parallel_loop3A_603, %parallel_loop3A_604] {strides = array<i32>} : memref<5x128x64xf32, #tpu.memory_space<vmem>>, vector<16xf32>,
        %parallel_loop3A_606 = arith.constant 8.000000e+00 : f32
        %parallel_loop3A_607 = vector.broadcast %parallel_loop3A_606 : f32 to vector<16xf32>
        %parallel_loop3A_608 = arith.mulf %parallel_loop3A_605, %parallel_loop3A_607 : vector<16xf32>
        tpu.vector_store_idx %arg7[%broadcast_in_dim3A_129, %shift_right_logical3A_101, %and3A_124, %parallel_loop3A_576], %parallel_loop3A_608 : memref<5x8x8x129xf32, #tpu.memory_space<vmem>>[vector<16xi32>, vector<16xi32>, vector<16xi32>, vector<16xi32>], vector<16xf32>,
      } {sc.loop_unroll_factor = 4 : i64, sc.parallel_access}
      %mul3A_418 = arith.constant 8 : i32
      %mul3A_419 = arith.muli %shift_right_logical3A_392, %mul3A_418 : i32
      %dma_start3A_420 = arith.constant 2 : i32
      %dma_start3A_421 = arith.constant 2 : i32
      %dma_start3A_422 = arith.constant 0 : i32
      %dma_start3A_423 = arith.constant 0 : i32
      %dma_start3A_424 = arith.constant 0 : i32
      %dma_start3A_425 = tpu.memref_slice %arg7[%dma_start3A_420, %dma_start3A_422, %dma_start3A_423, %dma_start3A_424] : memref<5x8x8x129xf32, #tpu.memory_space<vmem>> -> memref<1x8x8x128xf32, #tpu.memory_space<vmem>>
      %dma_start3A_426 = tpu.memref_squeeze %dma_start3A_425 : memref<1x8x8x128xf32, #tpu.memory_space<vmem>> -> memref<8x8x128xf32, #tpu.memory_space<vmem>>
      %dma_start3A_427 = arith.constant 0 : i32
      %dma_start3A_428 = arith.constant 0 : i32
      %dma_start3A_429 = tpu.memref_slice %arg4[%mul3A_419, %and3A_394, %dma_start3A_427, %dma_start3A_428] : memref<1600x32x8x128xf32, #tpu.memory_space<hbm>> -> memref<8x1x8x128xf32, #tpu.memory_space<hbm>>
      %dma_start3A_430 = tpu.memref_squeeze %dma_start3A_429 : memref<8x1x8x128xf32, #tpu.memory_space<hbm>> -> memref<8x8x128xf32, #tpu.memory_space<hbm>>
      %dma_start3A_431 = tpu.memref_slice %arg9[%dma_start3A_421] : memref<5x!tpu.dma_semaphore, #tpu.memory_space<semaphore_mem>> -> memref<1x!tpu.dma_semaphore, #tpu.memory_space<semaphore_mem>>
      %dma_start3A_432 = tpu.memref_squeeze %dma_start3A_431 : memref<1x!tpu.dma_semaphore, #tpu.memory_space<semaphore_mem>> -> memref<!tpu.dma_semaphore, #tpu.memory_space<semaphore_mem>>
      %dma_start3A_433 = arith.constant 0 : i32
      %dma_start3A_434 = arith.constant 0 : i32
      %dma_start3A_435 = tpu.memref_slice %arg4[%mul3A_419, %and3A_394, %dma_start3A_433, %dma_start3A_434] : memref<1600x32x8x128xf32, #tpu.memory_space<hbm>> -> memref<8x1x8x128xf32, #tpu.memory_space<hbm>>
      %dma_start3A_436 = tpu.memref_squeeze %dma_start3A_435 : memref<8x1x8x128xf32, #tpu.memory_space<hbm>> -> memref<8x8x128xf32, #tpu.memory_space<hbm>>
      %dma_start3A_437 = arith.constant 0 : i32
      %dma_start3A_438 = arith.constant 0 : i32
      %dma_start3A_439 = arith.constant 0 : i32
      %dma_start3A_440 = tpu.memref_slice %arg7[%dma_start3A_420, %dma_start3A_437, %dma_start3A_438, %dma_start3A_439] : memref<5x8x8x129xf32, #tpu.memory_space<vmem>> -> memref<1x8x8x128xf32, #tpu.memory_space<vmem>>
      %dma_start3A_441 = tpu.memref_squeeze %dma_start3A_440 : memref<1x8x8x128xf32, #tpu.memory_space<vmem>> -> memref<8x8x128xf32, #tpu.memory_space<vmem>>
      tpu.enqueue_dma source(%dma_start3A_441 : memref<8x8x128xf32, #tpu.memory_space<vmem>>) target(%dma_start3A_436 : memref<8x8x128xf32, #tpu.memory_space<hbm>>) target_semaphore(%dma_start3A_432 : memref<!tpu.dma_semaphore, #tpu.memory_space<semaphore_mem>>)
      %add3A_442 = arith.constant 5 : i32
      %add3A_443 = arith.addi %add3A_389, %add3A_442 : i32
      %lt3A_444 = arith.constant 200 : i32
      %lt3A_445 = arith.cmpi slt, %add3A_443, %lt3A_444 : i32
      %convert_element_type3A_446 = arith.extui %lt3A_445 : i1 to i32
      %cond3A_447 = arith.constant 0 : i32
      %cond3A_448 = arith.cmpi ne, %convert_element_type3A_446, %cond3A_447 : i32
      scf.if %cond3A_448 {
        %add3A_575 = arith.constant 5 : i32
        %add3A_576 = arith.addi %add3A_389, %add3A_575 : i32
        %dma_start3A_577 = arith.constant 2 : i32
        %dma_start3A_578 = arith.constant 2 : i32
        %dma_start3A_579 = arith.constant 0 : i32
        %dma_start3A_580 = arith.constant 0 : i32
        %dma_start3A_581 = tpu.memref_slice %arg6[%dma_start3A_577, %dma_start3A_579, %dma_start3A_580] : memref<5x128x64xf32, #tpu.memory_space<vmem>> -> memref<1x128x64xf32, #tpu.memory_space<vmem>>
        %dma_start3A_582 = tpu.memref_squeeze %dma_start3A_581 : memref<1x128x64xf32, #tpu.memory_space<vmem>> -> memref<128x64xf32, #tpu.memory_space<vmem>>
        %dma_start3A_583 = arith.constant 0 : i32
        %dma_start3A_584 = tpu.memref_slice %arg5[%add3A_576, %dma_start3A_583] : memref<200x128xi32, #tpu.memory_space<vmem>> -> memref<1x128xi32, #tpu.memory_space<vmem>>
        %dma_start3A_585 = tpu.memref_squeeze %dma_start3A_584 : memref<1x128xi32, #tpu.memory_space<vmem>> -> memref<128xi32, #tpu.memory_space<vmem>>
        %dma_start3A_586 = arith.constant 0 : i32
        %dma_start3A_587 = arith.constant 0 : i32
        %dma_start3A_588 = tpu.memref_slice %arg3[%dma_start3A_586, %dma_start3A_587] : memref<1015808x64xf32, #tpu.memory_space<hbm>> -> memref<1015808x64xf32, #tpu.memory_space<hbm>>
        %dma_start3A_589 = tpu.memref_slice %arg8[%dma_start3A_578] : memref<5x!tpu.dma_semaphore, #tpu.memory_space<semaphore_mem>> -> memref<1x!tpu.dma_semaphore, #tpu.memory_space<semaphore_mem>>
        %dma_start3A_590 = tpu.memref_squeeze %dma_start3A_589 : memref<1x!tpu.dma_semaphore, #tpu.memory_space<semaphore_mem>> -> memref<!tpu.dma_semaphore, #tpu.memory_space<semaphore_mem>>
        tpu.enqueue_indirect_dma source(%dma_start3A_588 : memref<1015808x64xf32, #tpu.memory_space<hbm>>) target(%dma_start3A_582 : memref<128x64xf32, #tpu.memory_space<vmem>>) offsets(%dma_start3A_585 : memref<128xi32, #tpu.memory_space<vmem>>) semaphore(%dma_start3A_590 : memref<!tpu.dma_semaphore, #tpu.memory_space<semaphore_mem>>)
      } else {
      }
      %mul3A_449 = arith.constant 5 : i32
      %mul3A_450 = arith.muli %mul3A_449, %scan3A_263 : i32
      %add3A_451 = arith.constant 3 : i32
      %add3A_452 = arith.addi %mul3A_450, %add3A_451 : i32
      %add3A_453 = arith.addi %mul3A_2, %add3A_452 : i32
      %shift_right_logical3A_454 = arith.constant 5 : i32
      %shift_right_logical3A_455 = arith.shrui %add3A_453, %shift_right_logical3A_454 : i32
      %and3A_456 = arith.constant 31 : i32
      %and3A_457 = arith.andi %add3A_453, %and3A_456 : i32
      %dma_wait3A_458 = arith.constant 3 : i32
      %dma_wait3A_459 = arith.constant 3 : i32
      %dma_wait3A_460 = arith.constant 3 : i32
      %dma_wait3A_461 = arith.constant 0 : i32
      %dma_wait3A_462 = arith.constant 0 : i32
      %dma_wait3A_463 = tpu.memref_slice %arg6[%dma_wait3A_459, %dma_wait3A_461, %dma_wait3A_462] : memref<5x128x64xf32, #tpu.memory_space<vmem>> -> memref<1x128x64xf32, #tpu.memory_space<vmem>>
      %dma_wait3A_464 = tpu.memref_squeeze %dma_wait3A_463 : memref<1x128x64xf32, #tpu.memory_space<vmem>> -> memref<128x64xf32, #tpu.memory_space<vmem>>
      %dma_wait3A_465 = arith.constant 0 : i32
      %dma_wait3A_466 = tpu.memref_slice %arg5[%dma_wait3A_458, %dma_wait3A_465] : memref<200x128xi32, #tpu.memory_space<vmem>> -> memref<1x128xi32, #tpu.memory_space<vmem>>
      %dma_wait3A_467 = tpu.memref_squeeze %dma_wait3A_466 : memref<1x128xi32, #tpu.memory_space<vmem>> -> memref<128xi32, #tpu.memory_space<vmem>>
      %dma_wait3A_468 = arith.constant 0 : i32
      %dma_wait3A_469 = arith.constant 0 : i32
      %dma_wait3A_470 = tpu.memref_slice %arg3[%dma_wait3A_468, %dma_wait3A_469] : memref<1015808x64xf32, #tpu.memory_space<hbm>> -> memref<1015808x64xf32, #tpu.memory_space<hbm>>
      %dma_wait3A_471 = tpu.memref_slice %arg8[%dma_wait3A_460] : memref<5x!tpu.dma_semaphore, #tpu.memory_space<semaphore_mem>> -> memref<1x!tpu.dma_semaphore, #tpu.memory_space<semaphore_mem>>
      %dma_wait3A_472 = tpu.memref_squeeze %dma_wait3A_471 : memref<1x!tpu.dma_semaphore, #tpu.memory_space<semaphore_mem>> -> memref<!tpu.dma_semaphore, #tpu.memory_space<semaphore_mem>>
      tpu.wait_indirect_dma semaphore(%dma_wait3A_472 : memref<!tpu.dma_semaphore, #tpu.memory_space<semaphore_mem>>) src(%dma_wait3A_470 : memref<1015808x64xf32, #tpu.memory_space<hbm>>) dst(%dma_wait3A_464 : memref<128x64xf32, #tpu.memory_space<vmem>>)
      %ge3A_473 = arith.constant 5 : i32
      %ge3A_474 = arith.cmpi sge, %add3A_452, %ge3A_473 : i32
      %convert_element_type3A_475 = arith.extui %ge3A_474 : i1 to i32
      %cond3A_476 = arith.constant 0 : i32
      %cond3A_477 = arith.cmpi ne, %convert_element_type3A_475, %cond3A_476 : i32
      scf.if %cond3A_477 {
        %dma_wait3A_575 = arith.constant 3 : i32
        %dma_wait3A_576 = arith.constant 0 : i32
        %dma_wait3A_577 = arith.constant 3 : i32
        %dma_wait3A_578 = arith.constant 0 : i32
        %dma_wait3A_579 = arith.constant 0 : i32
        %dma_wait3A_580 = arith.constant 0 : i32
        %dma_wait3A_581 = tpu.memref_slice %arg7[%dma_wait3A_575, %dma_wait3A_578, %dma_wait3A_579, %dma_wait3A_580] : memref<5x8x8x129xf32, #tpu.memory_space<vmem>> -> memref<1x8x8x128xf32, #tpu.memory_space<vmem>>
        %dma_wait3A_582 = tpu.memref_squeeze %dma_wait3A_581 : memref<1x8x8x128xf32, #tpu.memory_space<vmem>> -> memref<8x8x128xf32, #tpu.memory_space<vmem>>
        %dma_wait3A_583 = arith.constant 0 : i32
        %dma_wait3A_584 = arith.constant 0 : i32
        %dma_wait3A_585 = arith.constant 0 : i32
        %dma_wait3A_586 = tpu.memref_slice %arg4[%dma_wait3A_583, %dma_wait3A_576, %dma_wait3A_584, %dma_wait3A_585] : memref<1600x32x8x128xf32, #tpu.memory_space<hbm>> -> memref<8x1x8x128xf32, #tpu.memory_space<hbm>>
        %dma_wait3A_587 = tpu.memref_squeeze %dma_wait3A_586 : memref<8x1x8x128xf32, #tpu.memory_space<hbm>> -> memref<8x8x128xf32, #tpu.memory_space<hbm>>
        %dma_wait3A_588 = tpu.memref_slice %arg9[%dma_wait3A_577] : memref<5x!tpu.dma_semaphore, #tpu.memory_space<semaphore_mem>> -> memref<1x!tpu.dma_semaphore, #tpu.memory_space<semaphore_mem>>
        %dma_wait3A_589 = tpu.memref_squeeze %dma_wait3A_588 : memref<1x!tpu.dma_semaphore, #tpu.memory_space<semaphore_mem>> -> memref<!tpu.dma_semaphore, #tpu.memory_space<semaphore_mem>>
        %dma_wait3A_590 = arith.constant 0 : i32
        %dma_wait3A_591 = arith.constant 0 : i32
        %dma_wait3A_592 = arith.constant 0 : i32
        %dma_wait3A_593 = tpu.memref_slice %arg4[%dma_wait3A_590, %dma_wait3A_576, %dma_wait3A_591, %dma_wait3A_592] : memref<1600x32x8x128xf32, #tpu.memory_space<hbm>> -> memref<8x1x8x128xf32, #tpu.memory_space<hbm>>
        %dma_wait3A_594 = tpu.memref_squeeze %dma_wait3A_593 : memref<8x1x8x128xf32, #tpu.memory_space<hbm>> -> memref<8x8x128xf32, #tpu.memory_space<hbm>>
        %dma_wait3A_595 = arith.constant 0 : i32
        %dma_wait3A_596 = arith.constant 0 : i32
        %dma_wait3A_597 = arith.constant 0 : i32
        %dma_wait3A_598 = tpu.memref_slice %arg7[%dma_wait3A_575, %dma_wait3A_595, %dma_wait3A_596, %dma_wait3A_597] : memref<5x8x8x129xf32, #tpu.memory_space<vmem>> -> memref<1x8x8x128xf32, #tpu.memory_space<vmem>>
        %dma_wait3A_599 = tpu.memref_squeeze %dma_wait3A_598 : memref<1x8x8x128xf32, #tpu.memory_space<vmem>> -> memref<8x8x128xf32, #tpu.memory_space<vmem>>
        tpu.wait_dma2 semaphore(%dma_wait3A_589 : memref<!tpu.dma_semaphore, #tpu.memory_space<semaphore_mem>>) src(%dma_wait3A_599 : memref<8x8x128xf32, #tpu.memory_space<vmem>>) dst(%dma_wait3A_594 : memref<8x8x128xf32, #tpu.memory_space<hbm>>)
      } else {
      }
      %parallel_loop3A_478 = arith.constant 0 : i32
      %parallel_loop3A_479 = arith.constant 128 : i32
      %parallel_loop3A_480 = arith.constant 1 : i32
      scf.for %parallel_loop3A_575 = %parallel_loop3A_478 to %parallel_loop3A_479 step %parallel_loop3A_480  : i32 {
        %parallel_loop3A_576 = vector.broadcast %parallel_loop3A_575 : i32 to vector<16xi32>
        %parallel_loop3A_577 = arith.constant 3 : i32
        %parallel_loop3A_578 = arith.index_cast %parallel_loop3A_577 : i32 to index
        %parallel_loop3A_579 = arith.index_cast %parallel_loop3A_575 : i32 to index
        %parallel_loop3A_580 = arith.constant 0 : index
        %parallel_loop3A_581 = tpu.vector_load %arg6[%parallel_loop3A_578, %parallel_loop3A_579, %parallel_loop3A_580] {strides = array<i32>} : memref<5x128x64xf32, #tpu.memory_space<vmem>>, vector<16xf32>,
        %parallel_loop3A_582 = arith.constant 8.000000e+00 : f32
        %parallel_loop3A_583 = vector.broadcast %parallel_loop3A_582 : f32 to vector<16xf32>
        %parallel_loop3A_584 = arith.mulf %parallel_loop3A_581, %parallel_loop3A_583 : vector<16xf32>
        tpu.vector_store_idx %arg7[%broadcast_in_dim3A_131, %shift_right_logical3A_83, %and3A_106, %parallel_loop3A_576], %parallel_loop3A_584 : memref<5x8x8x129xf32, #tpu.memory_space<vmem>>[vector<16xi32>, vector<16xi32>, vector<16xi32>, vector<16xi32>], vector<16xf32>,
        %parallel_loop3A_585 = arith.constant 3 : i32
        %parallel_loop3A_586 = arith.index_cast %parallel_loop3A_585 : i32 to index
        %parallel_loop3A_587 = arith.index_cast %parallel_loop3A_575 : i32 to index
        %parallel_loop3A_588 = arith.constant 16 : index
        %parallel_loop3A_589 = tpu.vector_load %arg6[%parallel_loop3A_586, %parallel_loop3A_587, %parallel_loop3A_588] {strides = array<i32>} : memref<5x128x64xf32, #tpu.memory_space<vmem>>, vector<16xf32>,
        %parallel_loop3A_590 = arith.constant 8.000000e+00 : f32
        %parallel_loop3A_591 = vector.broadcast %parallel_loop3A_590 : f32 to vector<16xf32>
        %parallel_loop3A_592 = arith.mulf %parallel_loop3A_589, %parallel_loop3A_591 : vector<16xf32>
        tpu.vector_store_idx %arg7[%broadcast_in_dim3A_131, %shift_right_logical3A_89, %and3A_112, %parallel_loop3A_576], %parallel_loop3A_592 : memref<5x8x8x129xf32, #tpu.memory_space<vmem>>[vector<16xi32>, vector<16xi32>, vector<16xi32>, vector<16xi32>], vector<16xf32>,
        %parallel_loop3A_593 = arith.constant 3 : i32
        %parallel_loop3A_594 = arith.index_cast %parallel_loop3A_593 : i32 to index
        %parallel_loop3A_595 = arith.index_cast %parallel_loop3A_575 : i32 to index
        %parallel_loop3A_596 = arith.constant 32 : index
        %parallel_loop3A_597 = tpu.vector_load %arg6[%parallel_loop3A_594, %parallel_loop3A_595, %parallel_loop3A_596] {strides = array<i32>} : memref<5x128x64xf32, #tpu.memory_space<vmem>>, vector<16xf32>,
        %parallel_loop3A_598 = arith.constant 8.000000e+00 : f32
        %parallel_loop3A_599 = vector.broadcast %parallel_loop3A_598 : f32 to vector<16xf32>
        %parallel_loop3A_600 = arith.mulf %parallel_loop3A_597, %parallel_loop3A_599 : vector<16xf32>
        tpu.vector_store_idx %arg7[%broadcast_in_dim3A_131, %shift_right_logical3A_95, %and3A_118, %parallel_loop3A_576], %parallel_loop3A_600 : memref<5x8x8x129xf32, #tpu.memory_space<vmem>>[vector<16xi32>, vector<16xi32>, vector<16xi32>, vector<16xi32>], vector<16xf32>,
        %parallel_loop3A_601 = arith.constant 3 : i32
        %parallel_loop3A_602 = arith.index_cast %parallel_loop3A_601 : i32 to index
        %parallel_loop3A_603 = arith.index_cast %parallel_loop3A_575 : i32 to index
        %parallel_loop3A_604 = arith.constant 48 : index
        %parallel_loop3A_605 = tpu.vector_load %arg6[%parallel_loop3A_602, %parallel_loop3A_603, %parallel_loop3A_604] {strides = array<i32>} : memref<5x128x64xf32, #tpu.memory_space<vmem>>, vector<16xf32>,
        %parallel_loop3A_606 = arith.constant 8.000000e+00 : f32
        %parallel_loop3A_607 = vector.broadcast %parallel_loop3A_606 : f32 to vector<16xf32>
        %parallel_loop3A_608 = arith.mulf %parallel_loop3A_605, %parallel_loop3A_607 : vector<16xf32>
        tpu.vector_store_idx %arg7[%broadcast_in_dim3A_131, %shift_right_logical3A_101, %and3A_124, %parallel_loop3A_576], %parallel_loop3A_608 : memref<5x8x8x129xf32, #tpu.memory_space<vmem>>[vector<16xi32>, vector<16xi32>, vector<16xi32>, vector<16xi32>], vector<16xf32>,
      } {sc.loop_unroll_factor = 4 : i64, sc.parallel_access}
      %mul3A_481 = arith.constant 8 : i32
      %mul3A_482 = arith.muli %shift_right_logical3A_455, %mul3A_481 : i32
      %dma_start3A_483 = arith.constant 3 : i32
      %dma_start3A_484 = arith.constant 3 : i32
      %dma_start3A_485 = arith.constant 0 : i32
      %dma_start3A_486 = arith.constant 0 : i32
      %dma_start3A_487 = arith.constant 0 : i32
      %dma_start3A_488 = tpu.memref_slice %arg7[%dma_start3A_483, %dma_start3A_485, %dma_start3A_486, %dma_start3A_487] : memref<5x8x8x129xf32, #tpu.memory_space<vmem>> -> memref<1x8x8x128xf32, #tpu.memory_space<vmem>>
      %dma_start3A_489 = tpu.memref_squeeze %dma_start3A_488 : memref<1x8x8x128xf32, #tpu.memory_space<vmem>> -> memref<8x8x128xf32, #tpu.memory_space<vmem>>
      %dma_start3A_490 = arith.constant 0 : i32
      %dma_start3A_491 = arith.constant 0 : i32
      %dma_start3A_492 = tpu.memref_slice %arg4[%mul3A_482, %and3A_457, %dma_start3A_490, %dma_start3A_491] : memref<1600x32x8x128xf32, #tpu.memory_space<hbm>> -> memref<8x1x8x128xf32, #tpu.memory_space<hbm>>
      %dma_start3A_493 = tpu.memref_squeeze %dma_start3A_492 : memref<8x1x8x128xf32, #tpu.memory_space<hbm>> -> memref<8x8x128xf32, #tpu.memory_space<hbm>>
      %dma_start3A_494 = tpu.memref_slice %arg9[%dma_start3A_484] : memref<5x!tpu.dma_semaphore, #tpu.memory_space<semaphore_mem>> -> memref<1x!tpu.dma_semaphore, #tpu.memory_space<semaphore_mem>>
      %dma_start3A_495 = tpu.memref_squeeze %dma_start3A_494 : memref<1x!tpu.dma_semaphore, #tpu.memory_space<semaphore_mem>> -> memref<!tpu.dma_semaphore, #tpu.memory_space<semaphore_mem>>
      %dma_start3A_496 = arith.constant 0 : i32
      %dma_start3A_497 = arith.constant 0 : i32
      %dma_start3A_498 = tpu.memref_slice %arg4[%mul3A_482, %and3A_457, %dma_start3A_496, %dma_start3A_497] : memref<1600x32x8x128xf32, #tpu.memory_space<hbm>> -> memref<8x1x8x128xf32, #tpu.memory_space<hbm>>
      %dma_start3A_499 = tpu.memref_squeeze %dma_start3A_498 : memref<8x1x8x128xf32, #tpu.memory_space<hbm>> -> memref<8x8x128xf32, #tpu.memory_space<hbm>>
      %dma_start3A_500 = arith.constant 0 : i32
      %dma_start3A_501 = arith.constant 0 : i32
      %dma_start3A_502 = arith.constant 0 : i32
      %dma_start3A_503 = tpu.memref_slice %arg7[%dma_start3A_483, %dma_start3A_500, %dma_start3A_501, %dma_start3A_502] : memref<5x8x8x129xf32, #tpu.memory_space<vmem>> -> memref<1x8x8x128xf32, #tpu.memory_space<vmem>>
      %dma_start3A_504 = tpu.memref_squeeze %dma_start3A_503 : memref<1x8x8x128xf32, #tpu.memory_space<vmem>> -> memref<8x8x128xf32, #tpu.memory_space<vmem>>
      tpu.enqueue_dma source(%dma_start3A_504 : memref<8x8x128xf32, #tpu.memory_space<vmem>>) target(%dma_start3A_499 : memref<8x8x128xf32, #tpu.memory_space<hbm>>) target_semaphore(%dma_start3A_495 : memref<!tpu.dma_semaphore, #tpu.memory_space<semaphore_mem>>)
      %add3A_505 = arith.constant 5 : i32
      %add3A_506 = arith.addi %add3A_452, %add3A_505 : i32
      %lt3A_507 = arith.constant 200 : i32
      %lt3A_508 = arith.cmpi slt, %add3A_506, %lt3A_507 : i32
      %convert_element_type3A_509 = arith.extui %lt3A_508 : i1 to i32
      %cond3A_510 = arith.constant 0 : i32
      %cond3A_511 = arith.cmpi ne, %convert_element_type3A_509, %cond3A_510 : i32
      scf.if %cond3A_511 {
        %add3A_575 = arith.constant 5 : i32
        %add3A_576 = arith.addi %add3A_452, %add3A_575 : i32
        %dma_start3A_577 = arith.constant 3 : i32
        %dma_start3A_578 = arith.constant 3 : i32
        %dma_start3A_579 = arith.constant 0 : i32
        %dma_start3A_580 = arith.constant 0 : i32
        %dma_start3A_581 = tpu.memref_slice %arg6[%dma_start3A_577, %dma_start3A_579, %dma_start3A_580] : memref<5x128x64xf32, #tpu.memory_space<vmem>> -> memref<1x128x64xf32, #tpu.memory_space<vmem>>
        %dma_start3A_582 = tpu.memref_squeeze %dma_start3A_581 : memref<1x128x64xf32, #tpu.memory_space<vmem>> -> memref<128x64xf32, #tpu.memory_space<vmem>>
        %dma_start3A_583 = arith.constant 0 : i32
        %dma_start3A_584 = tpu.memref_slice %arg5[%add3A_576, %dma_start3A_583] : memref<200x128xi32, #tpu.memory_space<vmem>> -> memref<1x128xi32, #tpu.memory_space<vmem>>
        %dma_start3A_585 = tpu.memref_squeeze %dma_start3A_584 : memref<1x128xi32, #tpu.memory_space<vmem>> -> memref<128xi32, #tpu.memory_space<vmem>>
        %dma_start3A_586 = arith.constant 0 : i32
        %dma_start3A_587 = arith.constant 0 : i32
        %dma_start3A_588 = tpu.memref_slice %arg3[%dma_start3A_586, %dma_start3A_587] : memref<1015808x64xf32, #tpu.memory_space<hbm>> -> memref<1015808x64xf32, #tpu.memory_space<hbm>>
        %dma_start3A_589 = tpu.memref_slice %arg8[%dma_start3A_578] : memref<5x!tpu.dma_semaphore, #tpu.memory_space<semaphore_mem>> -> memref<1x!tpu.dma_semaphore, #tpu.memory_space<semaphore_mem>>
        %dma_start3A_590 = tpu.memref_squeeze %dma_start3A_589 : memref<1x!tpu.dma_semaphore, #tpu.memory_space<semaphore_mem>> -> memref<!tpu.dma_semaphore, #tpu.memory_space<semaphore_mem>>
        tpu.enqueue_indirect_dma source(%dma_start3A_588 : memref<1015808x64xf32, #tpu.memory_space<hbm>>) target(%dma_start3A_582 : memref<128x64xf32, #tpu.memory_space<vmem>>) offsets(%dma_start3A_585 : memref<128xi32, #tpu.memory_space<vmem>>) semaphore(%dma_start3A_590 : memref<!tpu.dma_semaphore, #tpu.memory_space<semaphore_mem>>)
      } else {
      }
      %mul3A_512 = arith.constant 5 : i32
      %mul3A_513 = arith.muli %mul3A_512, %scan3A_263 : i32
      %add3A_514 = arith.constant 4 : i32
      %add3A_515 = arith.addi %mul3A_513, %add3A_514 : i32
      %add3A_516 = arith.addi %mul3A_2, %add3A_515 : i32
      %shift_right_logical3A_517 = arith.constant 5 : i32
      %shift_right_logical3A_518 = arith.shrui %add3A_516, %shift_right_logical3A_517 : i32
      %and3A_519 = arith.constant 31 : i32
      %and3A_520 = arith.andi %add3A_516, %and3A_519 : i32
      %dma_wait3A_521 = arith.constant 4 : i32
      %dma_wait3A_522 = arith.constant 4 : i32
      %dma_wait3A_523 = arith.constant 4 : i32
      %dma_wait3A_524 = arith.constant 0 : i32
      %dma_wait3A_525 = arith.constant 0 : i32
      %dma_wait3A_526 = tpu.memref_slice %arg6[%dma_wait3A_522, %dma_wait3A_524, %dma_wait3A_525] : memref<5x128x64xf32, #tpu.memory_space<vmem>> -> memref<1x128x64xf32, #tpu.memory_space<vmem>>
      %dma_wait3A_527 = tpu.memref_squeeze %dma_wait3A_526 : memref<1x128x64xf32, #tpu.memory_space<vmem>> -> memref<128x64xf32, #tpu.memory_space<vmem>>
      %dma_wait3A_528 = arith.constant 0 : i32
      %dma_wait3A_529 = tpu.memref_slice %arg5[%dma_wait3A_521, %dma_wait3A_528] : memref<200x128xi32, #tpu.memory_space<vmem>> -> memref<1x128xi32, #tpu.memory_space<vmem>>
      %dma_wait3A_530 = tpu.memref_squeeze %dma_wait3A_529 : memref<1x128xi32, #tpu.memory_space<vmem>> -> memref<128xi32, #tpu.memory_space<vmem>>
      %dma_wait3A_531 = arith.constant 0 : i32
      %dma_wait3A_532 = arith.constant 0 : i32
      %dma_wait3A_533 = tpu.memref_slice %arg3[%dma_wait3A_531, %dma_wait3A_532] : memref<1015808x64xf32, #tpu.memory_space<hbm>> -> memref<1015808x64xf32, #tpu.memory_space<hbm>>
      %dma_wait3A_534 = tpu.memref_slice %arg8[%dma_wait3A_523] : memref<5x!tpu.dma_semaphore, #tpu.memory_space<semaphore_mem>> -> memref<1x!tpu.dma_semaphore, #tpu.memory_space<semaphore_mem>>
      %dma_wait3A_535 = tpu.memref_squeeze %dma_wait3A_534 : memref<1x!tpu.dma_semaphore, #tpu.memory_space<semaphore_mem>> -> memref<!tpu.dma_semaphore, #tpu.memory_space<semaphore_mem>>
      tpu.wait_indirect_dma semaphore(%dma_wait3A_535 : memref<!tpu.dma_semaphore, #tpu.memory_space<semaphore_mem>>) src(%dma_wait3A_533 : memref<1015808x64xf32, #tpu.memory_space<hbm>>) dst(%dma_wait3A_527 : memref<128x64xf32, #tpu.memory_space<vmem>>)
      %ge3A_536 = arith.constant 5 : i32
      %ge3A_537 = arith.cmpi sge, %add3A_515, %ge3A_536 : i32
      %convert_element_type3A_538 = arith.extui %ge3A_537 : i1 to i32
      %cond3A_539 = arith.constant 0 : i32
      %cond3A_540 = arith.cmpi ne, %convert_element_type3A_538, %cond3A_539 : i32
      scf.if %cond3A_540 {
        %dma_wait3A_575 = arith.constant 4 : i32
        %dma_wait3A_576 = arith.constant 0 : i32
        %dma_wait3A_577 = arith.constant 4 : i32
        %dma_wait3A_578 = arith.constant 0 : i32
        %dma_wait3A_579 = arith.constant 0 : i32
        %dma_wait3A_580 = arith.constant 0 : i32
        %dma_wait3A_581 = tpu.memref_slice %arg7[%dma_wait3A_575, %dma_wait3A_578, %dma_wait3A_579, %dma_wait3A_580] : memref<5x8x8x129xf32, #tpu.memory_space<vmem>> -> memref<1x8x8x128xf32, #tpu.memory_space<vmem>>
        %dma_wait3A_582 = tpu.memref_squeeze %dma_wait3A_581 : memref<1x8x8x128xf32, #tpu.memory_space<vmem>> -> memref<8x8x128xf32, #tpu.memory_space<vmem>>
        %dma_wait3A_583 = arith.constant 0 : i32
        %dma_wait3A_584 = arith.constant 0 : i32
        %dma_wait3A_585 = arith.constant 0 : i32
        %dma_wait3A_586 = tpu.memref_slice %arg4[%dma_wait3A_583, %dma_wait3A_576, %dma_wait3A_584, %dma_wait3A_585] : memref<1600x32x8x128xf32, #tpu.memory_space<hbm>> -> memref<8x1x8x128xf32, #tpu.memory_space<hbm>>
        %dma_wait3A_587 = tpu.memref_squeeze %dma_wait3A_586 : memref<8x1x8x128xf32, #tpu.memory_space<hbm>> -> memref<8x8x128xf32, #tpu.memory_space<hbm>>
        %dma_wait3A_588 = tpu.memref_slice %arg9[%dma_wait3A_577] : memref<5x!tpu.dma_semaphore, #tpu.memory_space<semaphore_mem>> -> memref<1x!tpu.dma_semaphore, #tpu.memory_space<semaphore_mem>>
        %dma_wait3A_589 = tpu.memref_squeeze %dma_wait3A_588 : memref<1x!tpu.dma_semaphore, #tpu.memory_space<semaphore_mem>> -> memref<!tpu.dma_semaphore, #tpu.memory_space<semaphore_mem>>
        %dma_wait3A_590 = arith.constant 0 : i32
        %dma_wait3A_591 = arith.constant 0 : i32
        %dma_wait3A_592 = arith.constant 0 : i32
        %dma_wait3A_593 = tpu.memref_slice %arg4[%dma_wait3A_590, %dma_wait3A_576, %dma_wait3A_591, %dma_wait3A_592] : memref<1600x32x8x128xf32, #tpu.memory_space<hbm>> -> memref<8x1x8x128xf32, #tpu.memory_space<hbm>>
        %dma_wait3A_594 = tpu.memref_squeeze %dma_wait3A_593 : memref<8x1x8x128xf32, #tpu.memory_space<hbm>> -> memref<8x8x128xf32, #tpu.memory_space<hbm>>
        %dma_wait3A_595 = arith.constant 0 : i32
        %dma_wait3A_596 = arith.constant 0 : i32
        %dma_wait3A_597 = arith.constant 0 : i32
        %dma_wait3A_598 = tpu.memref_slice %arg7[%dma_wait3A_575, %dma_wait3A_595, %dma_wait3A_596, %dma_wait3A_597] : memref<5x8x8x129xf32, #tpu.memory_space<vmem>> -> memref<1x8x8x128xf32, #tpu.memory_space<vmem>>
        %dma_wait3A_599 = tpu.memref_squeeze %dma_wait3A_598 : memref<1x8x8x128xf32, #tpu.memory_space<vmem>> -> memref<8x8x128xf32, #tpu.memory_space<vmem>>
        tpu.wait_dma2 semaphore(%dma_wait3A_589 : memref<!tpu.dma_semaphore, #tpu.memory_space<semaphore_mem>>) src(%dma_wait3A_599 : memref<8x8x128xf32, #tpu.memory_space<vmem>>) dst(%dma_wait3A_594 : memref<8x8x128xf32, #tpu.memory_space<hbm>>)
      } else {
      }
      %parallel_loop3A_541 = arith.constant 0 : i32
      %parallel_loop3A_542 = arith.constant 128 : i32
      %parallel_loop3A_543 = arith.constant 1 : i32
      scf.for %parallel_loop3A_575 = %parallel_loop3A_541 to %parallel_loop3A_542 step %parallel_loop3A_543  : i32 {
        %parallel_loop3A_576 = vector.broadcast %parallel_loop3A_575 : i32 to vector<16xi32>
        %parallel_loop3A_577 = arith.constant 4 : i32
        %parallel_loop3A_578 = arith.index_cast %parallel_loop3A_577 : i32 to index
        %parallel_loop3A_579 = arith.index_cast %parallel_loop3A_575 : i32 to index
        %parallel_loop3A_580 = arith.constant 0 : index
        %parallel_loop3A_581 = tpu.vector_load %arg6[%parallel_loop3A_578, %parallel_loop3A_579, %parallel_loop3A_580] {strides = array<i32>} : memref<5x128x64xf32, #tpu.memory_space<vmem>>, vector<16xf32>,
        %parallel_loop3A_582 = arith.constant 8.000000e+00 : f32
        %parallel_loop3A_583 = vector.broadcast %parallel_loop3A_582 : f32 to vector<16xf32>
        %parallel_loop3A_584 = arith.mulf %parallel_loop3A_581, %parallel_loop3A_583 : vector<16xf32>
        tpu.vector_store_idx %arg7[%broadcast_in_dim3A_133, %shift_right_logical3A_83, %and3A_106, %parallel_loop3A_576], %parallel_loop3A_584 : memref<5x8x8x129xf32, #tpu.memory_space<vmem>>[vector<16xi32>, vector<16xi32>, vector<16xi32>, vector<16xi32>], vector<16xf32>,
        %parallel_loop3A_585 = arith.constant 4 : i32
        %parallel_loop3A_586 = arith.index_cast %parallel_loop3A_585 : i32 to index
        %parallel_loop3A_587 = arith.index_cast %parallel_loop3A_575 : i32 to index
        %parallel_loop3A_588 = arith.constant 16 : index
        %parallel_loop3A_589 = tpu.vector_load %arg6[%parallel_loop3A_586, %parallel_loop3A_587, %parallel_loop3A_588] {strides = array<i32>} : memref<5x128x64xf32, #tpu.memory_space<vmem>>, vector<16xf32>,
        %parallel_loop3A_590 = arith.constant 8.000000e+00 : f32
        %parallel_loop3A_591 = vector.broadcast %parallel_loop3A_590 : f32 to vector<16xf32>
        %parallel_loop3A_592 = arith.mulf %parallel_loop3A_589, %parallel_loop3A_591 : vector<16xf32>
        tpu.vector_store_idx %arg7[%broadcast_in_dim3A_133, %shift_right_logical3A_89, %and3A_112, %parallel_loop3A_576], %parallel_loop3A_592 : memref<5x8x8x129xf32, #tpu.memory_space<vmem>>[vector<16xi32>, vector<16xi32>, vector<16xi32>, vector<16xi32>], vector<16xf32>,
        %parallel_loop3A_593 = arith.constant 4 : i32
        %parallel_loop3A_594 = arith.index_cast %parallel_loop3A_593 : i32 to index
        %parallel_loop3A_595 = arith.index_cast %parallel_loop3A_575 : i32 to index
        %parallel_loop3A_596 = arith.constant 32 : index
        %parallel_loop3A_597 = tpu.vector_load %arg6[%parallel_loop3A_594, %parallel_loop3A_595, %parallel_loop3A_596] {strides = array<i32>} : memref<5x128x64xf32, #tpu.memory_space<vmem>>, vector<16xf32>,
        %parallel_loop3A_598 = arith.constant 8.000000e+00 : f32
        %parallel_loop3A_599 = vector.broadcast %parallel_loop3A_598 : f32 to vector<16xf32>
        %parallel_loop3A_600 = arith.mulf %parallel_loop3A_597, %parallel_loop3A_599 : vector<16xf32>
        tpu.vector_store_idx %arg7[%broadcast_in_dim3A_133, %shift_right_logical3A_95, %and3A_118, %parallel_loop3A_576], %parallel_loop3A_600 : memref<5x8x8x129xf32, #tpu.memory_space<vmem>>[vector<16xi32>, vector<16xi32>, vector<16xi32>, vector<16xi32>], vector<16xf32>,
        %parallel_loop3A_601 = arith.constant 4 : i32
        %parallel_loop3A_602 = arith.index_cast %parallel_loop3A_601 : i32 to index
        %parallel_loop3A_603 = arith.index_cast %parallel_loop3A_575 : i32 to index
        %parallel_loop3A_604 = arith.constant 48 : index
        %parallel_loop3A_605 = tpu.vector_load %arg6[%parallel_loop3A_602, %parallel_loop3A_603, %parallel_loop3A_604] {strides = array<i32>} : memref<5x128x64xf32, #tpu.memory_space<vmem>>, vector<16xf32>,
        %parallel_loop3A_606 = arith.constant 8.000000e+00 : f32
        %parallel_loop3A_607 = vector.broadcast %parallel_loop3A_606 : f32 to vector<16xf32>
        %parallel_loop3A_608 = arith.mulf %parallel_loop3A_605, %parallel_loop3A_607 : vector<16xf32>
        tpu.vector_store_idx %arg7[%broadcast_in_dim3A_133, %shift_right_logical3A_101, %and3A_124, %parallel_loop3A_576], %parallel_loop3A_608 : memref<5x8x8x129xf32, #tpu.memory_space<vmem>>[vector<16xi32>, vector<16xi32>, vector<16xi32>, vector<16xi32>], vector<16xf32>,
      } {sc.loop_unroll_factor = 4 : i64, sc.parallel_access}
      %mul3A_544 = arith.constant 8 : i32
      %mul3A_545 = arith.muli %shift_right_logical3A_518, %mul3A_544 : i32
      %dma_start3A_546 = arith.constant 4 : i32
      %dma_start3A_547 = arith.constant 4 : i32
      %dma_start3A_548 = arith.constant 0 : i32
      %dma_start3A_549 = arith.constant 0 : i32
      %dma_start3A_550 = arith.constant 0 : i32
      %dma_start3A_551 = tpu.memref_slice %arg7[%dma_start3A_546, %dma_start3A_548, %dma_start3A_549, %dma_start3A_550] : memref<5x8x8x129xf32, #tpu.memory_space<vmem>> -> memref<1x8x8x128xf32, #tpu.memory_space<vmem>>
      %dma_start3A_552 = tpu.memref_squeeze %dma_start3A_551 : memref<1x8x8x128xf32, #tpu.memory_space<vmem>> -> memref<8x8x128xf32, #tpu.memory_space<vmem>>
      %dma_start3A_553 = arith.constant 0 : i32
      %dma_start3A_554 = arith.constant 0 : i32
      %dma_start3A_555 = tpu.memref_slice %arg4[%mul3A_545, %and3A_520, %dma_start3A_553, %dma_start3A_554] : memref<1600x32x8x128xf32, #tpu.memory_space<hbm>> -> memref<8x1x8x128xf32, #tpu.memory_space<hbm>>
      %dma_start3A_556 = tpu.memref_squeeze %dma_start3A_555 : memref<8x1x8x128xf32, #tpu.memory_space<hbm>> -> memref<8x8x128xf32, #tpu.memory_space<hbm>>
      %dma_start3A_557 = tpu.memref_slice %arg9[%dma_start3A_547] : memref<5x!tpu.dma_semaphore, #tpu.memory_space<semaphore_mem>> -> memref<1x!tpu.dma_semaphore, #tpu.memory_space<semaphore_mem>>
      %dma_start3A_558 = tpu.memref_squeeze %dma_start3A_557 : memref<1x!tpu.dma_semaphore, #tpu.memory_space<semaphore_mem>> -> memref<!tpu.dma_semaphore, #tpu.memory_space<semaphore_mem>>
      %dma_start3A_559 = arith.constant 0 : i32
      %dma_start3A_560 = arith.constant 0 : i32
      %dma_start3A_561 = tpu.memref_slice %arg4[%mul3A_545, %and3A_520, %dma_start3A_559, %dma_start3A_560] : memref<1600x32x8x128xf32, #tpu.memory_space<hbm>> -> memref<8x1x8x128xf32, #tpu.memory_space<hbm>>
      %dma_start3A_562 = tpu.memref_squeeze %dma_start3A_561 : memref<8x1x8x128xf32, #tpu.memory_space<hbm>> -> memref<8x8x128xf32, #tpu.memory_space<hbm>>
      %dma_start3A_563 = arith.constant 0 : i32
      %dma_start3A_564 = arith.constant 0 : i32
      %dma_start3A_565 = arith.constant 0 : i32
      %dma_start3A_566 = tpu.memref_slice %arg7[%dma_start3A_546, %dma_start3A_563, %dma_start3A_564, %dma_start3A_565] : memref<5x8x8x129xf32, #tpu.memory_space<vmem>> -> memref<1x8x8x128xf32, #tpu.memory_space<vmem>>
      %dma_start3A_567 = tpu.memref_squeeze %dma_start3A_566 : memref<1x8x8x128xf32, #tpu.memory_space<vmem>> -> memref<8x8x128xf32, #tpu.memory_space<vmem>>
      tpu.enqueue_dma source(%dma_start3A_567 : memref<8x8x128xf32, #tpu.memory_space<vmem>>) target(%dma_start3A_562 : memref<8x8x128xf32, #tpu.memory_space<hbm>>) target_semaphore(%dma_start3A_558 : memref<!tpu.dma_semaphore, #tpu.memory_space<semaphore_mem>>)
      %add3A_568 = arith.constant 5 : i32
      %add3A_569 = arith.addi %add3A_515, %add3A_568 : i32
      %lt3A_570 = arith.constant 200 : i32
      %lt3A_571 = arith.cmpi slt, %add3A_569, %lt3A_570 : i32
      %convert_element_type3A_572 = arith.extui %lt3A_571 : i1 to i32
      %cond3A_573 = arith.constant 0 : i32
      %cond3A_574 = arith.cmpi ne, %convert_element_type3A_572, %cond3A_573 : i32
      scf.if %cond3A_574 {
        %add3A_575 = arith.constant 5 : i32
        %add3A_576 = arith.addi %add3A_515, %add3A_575 : i32
        %dma_start3A_577 = arith.constant 4 : i32
        %dma_start3A_578 = arith.constant 4 : i32
        %dma_start3A_579 = arith.constant 0 : i32
        %dma_start3A_580 = arith.constant 0 : i32
        %dma_start3A_581 = tpu.memref_slice %arg6[%dma_start3A_577, %dma_start3A_579, %dma_start3A_580] : memref<5x128x64xf32, #tpu.memory_space<vmem>> -> memref<1x128x64xf32, #tpu.memory_space<vmem>>
        %dma_start3A_582 = tpu.memref_squeeze %dma_start3A_581 : memref<1x128x64xf32, #tpu.memory_space<vmem>> -> memref<128x64xf32, #tpu.memory_space<vmem>>
        %dma_start3A_583 = arith.constant 0 : i32
        %dma_start3A_584 = tpu.memref_slice %arg5[%add3A_576, %dma_start3A_583] : memref<200x128xi32, #tpu.memory_space<vmem>> -> memref<1x128xi32, #tpu.memory_space<vmem>>
        %dma_start3A_585 = tpu.memref_squeeze %dma_start3A_584 : memref<1x128xi32, #tpu.memory_space<vmem>> -> memref<128xi32, #tpu.memory_space<vmem>>
        %dma_start3A_586 = arith.constant 0 : i32
        %dma_start3A_587 = arith.constant 0 : i32
        %dma_start3A_588 = tpu.memref_slice %arg3[%dma_start3A_586, %dma_start3A_587] : memref<1015808x64xf32, #tpu.memory_space<hbm>> -> memref<1015808x64xf32, #tpu.memory_space<hbm>>
        %dma_start3A_589 = tpu.memref_slice %arg8[%dma_start3A_578] : memref<5x!tpu.dma_semaphore, #tpu.memory_space<semaphore_mem>> -> memref<1x!tpu.dma_semaphore, #tpu.memory_space<semaphore_mem>>
        %dma_start3A_590 = tpu.memref_squeeze %dma_start3A_589 : memref<1x!tpu.dma_semaphore, #tpu.memory_space<semaphore_mem>> -> memref<!tpu.dma_semaphore, #tpu.memory_space<semaphore_mem>>
        tpu.enqueue_indirect_dma source(%dma_start3A_588 : memref<1015808x64xf32, #tpu.memory_space<hbm>>) target(%dma_start3A_582 : memref<128x64xf32, #tpu.memory_space<vmem>>) offsets(%dma_start3A_585 : memref<128xi32, #tpu.memory_space<vmem>>) semaphore(%dma_start3A_590 : memref<!tpu.dma_semaphore, #tpu.memory_space<semaphore_mem>>)
      } else {
      }
    }
    %scan3A_138 = arith.constant 40 : i32
    %dma_wait3A = arith.constant 0 : i32
    %dma_wait3A_139 = arith.constant 0 : i32
    %dma_wait3A_140 = arith.constant 0 : i32
    %dma_wait3A_141 = arith.constant 0 : i32
    %dma_wait3A_142 = arith.constant 0 : i32
    %dma_wait3A_143 = arith.constant 0 : i32
    %dma_wait3A_144 = tpu.memref_slice %arg7[%dma_wait3A, %dma_wait3A_141, %dma_wait3A_142, %dma_wait3A_143] : memref<5x8x8x129xf32, #tpu.memory_space<vmem>> -> memref<1x8x8x128xf32, #tpu.memory_space<vmem>>
    %dma_wait3A_145 = tpu.memref_squeeze %dma_wait3A_144 : memref<1x8x8x128xf32, #tpu.memory_space<vmem>> -> memref<8x8x128xf32, #tpu.memory_space<vmem>>
    %dma_wait3A_146 = arith.constant 0 : i32
    %dma_wait3A_147 = arith.constant 0 : i32
    %dma_wait3A_148 = arith.constant 0 : i32
    %dma_wait3A_149 = tpu.memref_slice %arg4[%dma_wait3A_146, %dma_wait3A_139, %dma_wait3A_147, %dma_wait3A_148] : memref<1600x32x8x128xf32, #tpu.memory_space<hbm>> -> memref<8x1x8x128xf32, #tpu.memory_space<hbm>>
    %dma_wait3A_150 = tpu.memref_squeeze %dma_wait3A_149 : memref<8x1x8x128xf32, #tpu.memory_space<hbm>> -> memref<8x8x128xf32, #tpu.memory_space<hbm>>
    %dma_wait3A_151 = tpu.memref_slice %arg9[%dma_wait3A_140] : memref<5x!tpu.dma_semaphore, #tpu.memory_space<semaphore_mem>> -> memref<1x!tpu.dma_semaphore, #tpu.memory_space<semaphore_mem>>
    %dma_wait3A_152 = tpu.memref_squeeze %dma_wait3A_151 : memref<1x!tpu.dma_semaphore, #tpu.memory_space<semaphore_mem>> -> memref<!tpu.dma_semaphore, #tpu.memory_space<semaphore_mem>>
    %dma_wait3A_153 = arith.constant 0 : i32
    %dma_wait3A_154 = arith.constant 0 : i32
    %dma_wait3A_155 = arith.constant 0 : i32
    %dma_wait3A_156 = tpu.memref_slice %arg4[%dma_wait3A_153, %dma_wait3A_139, %dma_wait3A_154, %dma_wait3A_155] : memref<1600x32x8x128xf32, #tpu.memory_space<hbm>> -> memref<8x1x8x128xf32, #tpu.memory_space<hbm>>
    %dma_wait3A_157 = tpu.memref_squeeze %dma_wait3A_156 : memref<8x1x8x128xf32, #tpu.memory_space<hbm>> -> memref<8x8x128xf32, #tpu.memory_space<hbm>>
    %dma_wait3A_158 = arith.constant 0 : i32
    %dma_wait3A_159 = arith.constant 0 : i32
    %dma_wait3A_160 = arith.constant 0 : i32
    %dma_wait3A_161 = tpu.memref_slice %arg7[%dma_wait3A, %dma_wait3A_158, %dma_wait3A_159, %dma_wait3A_160] : memref<5x8x8x129xf32, #tpu.memory_space<vmem>> -> memref<1x8x8x128xf32, #tpu.memory_space<vmem>>
    %dma_wait3A_162 = tpu.memref_squeeze %dma_wait3A_161 : memref<1x8x8x128xf32, #tpu.memory_space<vmem>> -> memref<8x8x128xf32, #tpu.memory_space<vmem>>
    tpu.wait_dma2 semaphore(%dma_wait3A_152 : memref<!tpu.dma_semaphore, #tpu.memory_space<semaphore_mem>>) src(%dma_wait3A_162 : memref<8x8x128xf32, #tpu.memory_space<vmem>>) dst(%dma_wait3A_157 : memref<8x8x128xf32, #tpu.memory_space<hbm>>)
    %dma_wait3A_163 = arith.constant 1 : i32
    %dma_wait3A_164 = arith.constant 0 : i32
    %dma_wait3A_165 = arith.constant 1 : i32
    %dma_wait3A_166 = arith.constant 0 : i32
    %dma_wait3A_167 = arith.constant 0 : i32
    %dma_wait3A_168 = arith.constant 0 : i32
    %dma_wait3A_169 = tpu.memref_slice %arg7[%dma_wait3A_163, %dma_wait3A_166, %dma_wait3A_167, %dma_wait3A_168] : memref<5x8x8x129xf32, #tpu.memory_space<vmem>> -> memref<1x8x8x128xf32, #tpu.memory_space<vmem>>
    %dma_wait3A_170 = tpu.memref_squeeze %dma_wait3A_169 : memref<1x8x8x128xf32, #tpu.memory_space<vmem>> -> memref<8x8x128xf32, #tpu.memory_space<vmem>>
    %dma_wait3A_171 = arith.constant 0 : i32
    %dma_wait3A_172 = arith.constant 0 : i32
    %dma_wait3A_173 = arith.constant 0 : i32
    %dma_wait3A_174 = tpu.memref_slice %arg4[%dma_wait3A_171, %dma_wait3A_164, %dma_wait3A_172, %dma_wait3A_173] : memref<1600x32x8x128xf32, #tpu.memory_space<hbm>> -> memref<8x1x8x128xf32, #tpu.memory_space<hbm>>
    %dma_wait3A_175 = tpu.memref_squeeze %dma_wait3A_174 : memref<8x1x8x128xf32, #tpu.memory_space<hbm>> -> memref<8x8x128xf32, #tpu.memory_space<hbm>>
    %dma_wait3A_176 = tpu.memref_slice %arg9[%dma_wait3A_165] : memref<5x!tpu.dma_semaphore, #tpu.memory_space<semaphore_mem>> -> memref<1x!tpu.dma_semaphore, #tpu.memory_space<semaphore_mem>>
    %dma_wait3A_177 = tpu.memref_squeeze %dma_wait3A_176 : memref<1x!tpu.dma_semaphore, #tpu.memory_space<semaphore_mem>> -> memref<!tpu.dma_semaphore, #tpu.memory_space<semaphore_mem>>
    %dma_wait3A_178 = arith.constant 0 : i32
    %dma_wait3A_179 = arith.constant 0 : i32
    %dma_wait3A_180 = arith.constant 0 : i32
    %dma_wait3A_181 = tpu.memref_slice %arg4[%dma_wait3A_178, %dma_wait3A_164, %dma_wait3A_179, %dma_wait3A_180] : memref<1600x32x8x128xf32, #tpu.memory_space<hbm>> -> memref<8x1x8x128xf32, #tpu.memory_space<hbm>>
    %dma_wait3A_182 = tpu.memref_squeeze %dma_wait3A_181 : memref<8x1x8x128xf32, #tpu.memory_space<hbm>> -> memref<8x8x128xf32, #tpu.memory_space<hbm>>
    %dma_wait3A_183 = arith.constant 0 : i32
    %dma_wait3A_184 = arith.constant 0 : i32
    %dma_wait3A_185 = arith.constant 0 : i32
    %dma_wait3A_186 = tpu.memref_slice %arg7[%dma_wait3A_163, %dma_wait3A_183, %dma_wait3A_184, %dma_wait3A_185] : memref<5x8x8x129xf32, #tpu.memory_space<vmem>> -> memref<1x8x8x128xf32, #tpu.memory_space<vmem>>
    %dma_wait3A_187 = tpu.memref_squeeze %dma_wait3A_186 : memref<1x8x8x128xf32, #tpu.memory_space<vmem>> -> memref<8x8x128xf32, #tpu.memory_space<vmem>>
    tpu.wait_dma2 semaphore(%dma_wait3A_177 : memref<!tpu.dma_semaphore, #tpu.memory_space<semaphore_mem>>) src(%dma_wait3A_187 : memref<8x8x128xf32, #tpu.memory_space<vmem>>) dst(%dma_wait3A_182 : memref<8x8x128xf32, #tpu.memory_space<hbm>>)
    %dma_wait3A_188 = arith.constant 2 : i32
    %dma_wait3A_189 = arith.constant 0 : i32
    %dma_wait3A_190 = arith.constant 2 : i32
    %dma_wait3A_191 = arith.constant 0 : i32
    %dma_wait3A_192 = arith.constant 0 : i32
    %dma_wait3A_193 = arith.constant 0 : i32
    %dma_wait3A_194 = tpu.memref_slice %arg7[%dma_wait3A_188, %dma_wait3A_191, %dma_wait3A_192, %dma_wait3A_193] : memref<5x8x8x129xf32, #tpu.memory_space<vmem>> -> memref<1x8x8x128xf32, #tpu.memory_space<vmem>>
    %dma_wait3A_195 = tpu.memref_squeeze %dma_wait3A_194 : memref<1x8x8x128xf32, #tpu.memory_space<vmem>> -> memref<8x8x128xf32, #tpu.memory_space<vmem>>
    %dma_wait3A_196 = arith.constant 0 : i32
    %dma_wait3A_197 = arith.constant 0 : i32
    %dma_wait3A_198 = arith.constant 0 : i32
    %dma_wait3A_199 = tpu.memref_slice %arg4[%dma_wait3A_196, %dma_wait3A_189, %dma_wait3A_197, %dma_wait3A_198] : memref<1600x32x8x128xf32, #tpu.memory_space<hbm>> -> memref<8x1x8x128xf32, #tpu.memory_space<hbm>>
    %dma_wait3A_200 = tpu.memref_squeeze %dma_wait3A_199 : memref<8x1x8x128xf32, #tpu.memory_space<hbm>> -> memref<8x8x128xf32, #tpu.memory_space<hbm>>
    %dma_wait3A_201 = tpu.memref_slice %arg9[%dma_wait3A_190] : memref<5x!tpu.dma_semaphore, #tpu.memory_space<semaphore_mem>> -> memref<1x!tpu.dma_semaphore, #tpu.memory_space<semaphore_mem>>
    %dma_wait3A_202 = tpu.memref_squeeze %dma_wait3A_201 : memref<1x!tpu.dma_semaphore, #tpu.memory_space<semaphore_mem>> -> memref<!tpu.dma_semaphore, #tpu.memory_space<semaphore_mem>>
    %dma_wait3A_203 = arith.constant 0 : i32
    %dma_wait3A_204 = arith.constant 0 : i32
    %dma_wait3A_205 = arith.constant 0 : i32
    %dma_wait3A_206 = tpu.memref_slice %arg4[%dma_wait3A_203, %dma_wait3A_189, %dma_wait3A_204, %dma_wait3A_205] : memref<1600x32x8x128xf32, #tpu.memory_space<hbm>> -> memref<8x1x8x128xf32, #tpu.memory_space<hbm>>
    %dma_wait3A_207 = tpu.memref_squeeze %dma_wait3A_206 : memref<8x1x8x128xf32, #tpu.memory_space<hbm>> -> memref<8x8x128xf32, #tpu.memory_space<hbm>>
    %dma_wait3A_208 = arith.constant 0 : i32
    %dma_wait3A_209 = arith.constant 0 : i32
    %dma_wait3A_210 = arith.constant 0 : i32
    %dma_wait3A_211 = tpu.memref_slice %arg7[%dma_wait3A_188, %dma_wait3A_208, %dma_wait3A_209, %dma_wait3A_210] : memref<5x8x8x129xf32, #tpu.memory_space<vmem>> -> memref<1x8x8x128xf32, #tpu.memory_space<vmem>>
    %dma_wait3A_212 = tpu.memref_squeeze %dma_wait3A_211 : memref<1x8x8x128xf32, #tpu.memory_space<vmem>> -> memref<8x8x128xf32, #tpu.memory_space<vmem>>
    tpu.wait_dma2 semaphore(%dma_wait3A_202 : memref<!tpu.dma_semaphore, #tpu.memory_space<semaphore_mem>>) src(%dma_wait3A_212 : memref<8x8x128xf32, #tpu.memory_space<vmem>>) dst(%dma_wait3A_207 : memref<8x8x128xf32, #tpu.memory_space<hbm>>)
    %dma_wait3A_213 = arith.constant 3 : i32
    %dma_wait3A_214 = arith.constant 0 : i32
    %dma_wait3A_215 = arith.constant 3 : i32
    %dma_wait3A_216 = arith.constant 0 : i32
    %dma_wait3A_217 = arith.constant 0 : i32
    %dma_wait3A_218 = arith.constant 0 : i32
    %dma_wait3A_219 = tpu.memref_slice %arg7[%dma_wait3A_213, %dma_wait3A_216, %dma_wait3A_217, %dma_wait3A_218] : memref<5x8x8x129xf32, #tpu.memory_space<vmem>> -> memref<1x8x8x128xf32, #tpu.memory_space<vmem>>
    %dma_wait3A_220 = tpu.memref_squeeze %dma_wait3A_219 : memref<1x8x8x128xf32, #tpu.memory_space<vmem>> -> memref<8x8x128xf32, #tpu.memory_space<vmem>>
    %dma_wait3A_221 = arith.constant 0 : i32
    %dma_wait3A_222 = arith.constant 0 : i32
    %dma_wait3A_223 = arith.constant 0 : i32
    %dma_wait3A_224 = tpu.memref_slice %arg4[%dma_wait3A_221, %dma_wait3A_214, %dma_wait3A_222, %dma_wait3A_223] : memref<1600x32x8x128xf32, #tpu.memory_space<hbm>> -> memref<8x1x8x128xf32, #tpu.memory_space<hbm>>
    %dma_wait3A_225 = tpu.memref_squeeze %dma_wait3A_224 : memref<8x1x8x128xf32, #tpu.memory_space<hbm>> -> memref<8x8x128xf32, #tpu.memory_space<hbm>>
    %dma_wait3A_226 = tpu.memref_slice %arg9[%dma_wait3A_215] : memref<5x!tpu.dma_semaphore, #tpu.memory_space<semaphore_mem>> -> memref<1x!tpu.dma_semaphore, #tpu.memory_space<semaphore_mem>>
    %dma_wait3A_227 = tpu.memref_squeeze %dma_wait3A_226 : memref<1x!tpu.dma_semaphore, #tpu.memory_space<semaphore_mem>> -> memref<!tpu.dma_semaphore, #tpu.memory_space<semaphore_mem>>
    %dma_wait3A_228 = arith.constant 0 : i32
    %dma_wait3A_229 = arith.constant 0 : i32
    %dma_wait3A_230 = arith.constant 0 : i32
    %dma_wait3A_231 = tpu.memref_slice %arg4[%dma_wait3A_228, %dma_wait3A_214, %dma_wait3A_229, %dma_wait3A_230] : memref<1600x32x8x128xf32, #tpu.memory_space<hbm>> -> memref<8x1x8x128xf32, #tpu.memory_space<hbm>>
    %dma_wait3A_232 = tpu.memref_squeeze %dma_wait3A_231 : memref<8x1x8x128xf32, #tpu.memory_space<hbm>> -> memref<8x8x128xf32, #tpu.memory_space<hbm>>
    %dma_wait3A_233 = arith.constant 0 : i32
    %dma_wait3A_234 = arith.constant 0 : i32
    %dma_wait3A_235 = arith.constant 0 : i32
    %dma_wait3A_236 = tpu.memref_slice %arg7[%dma_wait3A_213, %dma_wait3A_233, %dma_wait3A_234, %dma_wait3A_235] : memref<5x8x8x129xf32, #tpu.memory_space<vmem>> -> memref<1x8x8x128xf32, #tpu.memory_space<vmem>>
    %dma_wait3A_237 = tpu.memref_squeeze %dma_wait3A_236 : memref<1x8x8x128xf32, #tpu.memory_space<vmem>> -> memref<8x8x128xf32, #tpu.memory_space<vmem>>
    tpu.wait_dma2 semaphore(%dma_wait3A_227 : memref<!tpu.dma_semaphore, #tpu.memory_space<semaphore_mem>>) src(%dma_wait3A_237 : memref<8x8x128xf32, #tpu.memory_space<vmem>>) dst(%dma_wait3A_232 : memref<8x8x128xf32, #tpu.memory_space<hbm>>)
    %dma_wait3A_238 = arith.constant 4 : i32
    %dma_wait3A_239 = arith.constant 0 : i32
    %dma_wait3A_240 = arith.constant 4 : i32
    %dma_wait3A_241 = arith.constant 0 : i32
    %dma_wait3A_242 = arith.constant 0 : i32
    %dma_wait3A_243 = arith.constant 0 : i32
    %dma_wait3A_244 = tpu.memref_slice %arg7[%dma_wait3A_238, %dma_wait3A_241, %dma_wait3A_242, %dma_wait3A_243] : memref<5x8x8x129xf32, #tpu.memory_space<vmem>> -> memref<1x8x8x128xf32, #tpu.memory_space<vmem>>
    %dma_wait3A_245 = tpu.memref_squeeze %dma_wait3A_244 : memref<1x8x8x128xf32, #tpu.memory_space<vmem>> -> memref<8x8x128xf32, #tpu.memory_space<vmem>>
    %dma_wait3A_246 = arith.constant 0 : i32
    %dma_wait3A_247 = arith.constant 0 : i32
    %dma_wait3A_248 = arith.constant 0 : i32
    %dma_wait3A_249 = tpu.memref_slice %arg4[%dma_wait3A_246, %dma_wait3A_239, %dma_wait3A_247, %dma_wait3A_248] : memref<1600x32x8x128xf32, #tpu.memory_space<hbm>> -> memref<8x1x8x128xf32, #tpu.memory_space<hbm>>
    %dma_wait3A_250 = tpu.memref_squeeze %dma_wait3A_249 : memref<8x1x8x128xf32, #tpu.memory_space<hbm>> -> memref<8x8x128xf32, #tpu.memory_space<hbm>>
    %dma_wait3A_251 = tpu.memref_slice %arg9[%dma_wait3A_240] : memref<5x!tpu.dma_semaphore, #tpu.memory_space<semaphore_mem>> -> memref<1x!tpu.dma_semaphore, #tpu.memory_space<semaphore_mem>>
    %dma_wait3A_252 = tpu.memref_squeeze %dma_wait3A_251 : memref<1x!tpu.dma_semaphore, #tpu.memory_space<semaphore_mem>> -> memref<!tpu.dma_semaphore, #tpu.memory_space<semaphore_mem>>
    %dma_wait3A_253 = arith.constant 0 : i32
    %dma_wait3A_254 = arith.constant 0 : i32
    %dma_wait3A_255 = arith.constant 0 : i32
    %dma_wait3A_256 = tpu.memref_slice %arg4[%dma_wait3A_253, %dma_wait3A_239, %dma_wait3A_254, %dma_wait3A_255] : memref<1600x32x8x128xf32, #tpu.memory_space<hbm>> -> memref<8x1x8x128xf32, #tpu.memory_space<hbm>>
    %dma_wait3A_257 = tpu.memref_squeeze %dma_wait3A_256 : memref<8x1x8x128xf32, #tpu.memory_space<hbm>> -> memref<8x8x128xf32, #tpu.memory_space<hbm>>
    %dma_wait3A_258 = arith.constant 0 : i32
    %dma_wait3A_259 = arith.constant 0 : i32
    %dma_wait3A_260 = arith.constant 0 : i32
    %dma_wait3A_261 = tpu.memref_slice %arg7[%dma_wait3A_238, %dma_wait3A_258, %dma_wait3A_259, %dma_wait3A_260] : memref<5x8x8x129xf32, #tpu.memory_space<vmem>> -> memref<1x8x8x128xf32, #tpu.memory_space<vmem>>
    %dma_wait3A_262 = tpu.memref_squeeze %dma_wait3A_261 : memref<1x8x8x128xf32, #tpu.memory_space<vmem>> -> memref<8x8x128xf32, #tpu.memory_space<vmem>>
    tpu.wait_dma2 semaphore(%dma_wait3A_252 : memref<!tpu.dma_semaphore, #tpu.memory_space<semaphore_mem>>) src(%dma_wait3A_262 : memref<8x8x128xf32, #tpu.memory_space<vmem>>) dst(%dma_wait3A_257 : memref<8x8x128xf32, #tpu.memory_space<hbm>>)
    return
  }
}

module attributes {stable_mosaic.version = 14 : i64} {
  func.func @_lut_transpose_body(%arg0: i32, %arg1: memref<64x16384xf32, #tpu.memory_space<vmem>>, %arg2: memref<64x16384xf32, #tpu.memory_space<vmem>>, %arg3: memref<16384x128xf32, #tpu.memory_space<vmem>>) attributes {dimension_semantics = [#tpu.dimension_semantics<arbitrary>], iteration_bounds = array<i64: 31>, scalar_prefetch = 0 : i64, scratch_operands = 0 : i64, tpu.core_type = #tpu.core_type<tc>, window_params = [{transform_indices = @transform_0, window_bounds = array<i64: 64, 16384>}, {transform_indices = @transform_1, window_bounds = array<i64: 64, 16384>}, {transform_indices = @transform_2, window_bounds = array<i64: 16384, 128>}]} {
    %get3A = arith.constant 0 : index
    %get3A_0 = arith.constant 0 : index
    %get3A_1 = vector.load %arg1[%get3A, %get3A_0] : memref<64x16384xf32, #tpu.memory_space<vmem>>, vector<64x16384xf32>
    %get3A_2 = arith.constant 0 : index
    %get3A_3 = arith.constant 0 : index
    %get3A_4 = vector.load %arg2[%get3A_2, %get3A_3] : memref<64x16384xf32, #tpu.memory_space<vmem>>, vector<64x16384xf32>
    %concatenate3A = tpu.concatenate %get3A_1, %get3A_4 in 0 : vector<64x16384xf32>, vector<64x16384xf32> -> vector<128x16384xf32>
    %transpose3A = tpu.transpose %concatenate3A, [1, 0] : vector<128x16384xf32> -> vector<16384x128xf32>
    %swap3A = arith.constant 0 : index
    %swap3A_5 = arith.constant 0 : index
    %swap3A_6 = vector.load %arg3[%swap3A, %swap3A_5] : memref<16384x128xf32, #tpu.memory_space<vmem>>, vector<16384x128xf32>
    tpu.vector_store %arg3[%swap3A, %swap3A_5], %transpose3A {strides = array<i32>} : memref<16384x128xf32, #tpu.memory_space<vmem>>, vector<16384x128xf32>,
    return
  }
  func.func @transform_0(%arg0: i32) -> (i32, i32) {
    %mul3A = arith.constant 2 : i32
    %mul3A_0 = arith.muli %mul3A, %arg0 : i32
    %c0_i32 = arith.constant 0 : i32
    %c0_i32_1 = arith.constant 0 : i32
    return %c0_i32, %mul3A_0 : i32, i32
  }
  func.func @transform_1(%arg0: i32) -> (i32, i32) {
    %mul3A = arith.constant 2 : i32
    %mul3A_0 = arith.muli %mul3A, %arg0 : i32
    %add3A = arith.constant 1 : i32
    %add3A_1 = arith.addi %mul3A_0, %add3A : i32
    %min3A = arith.constant 61 : i32
    %min3A_2 = arith.minsi %add3A_1, %min3A : i32
    %c0_i32 = arith.constant 0 : i32
    %c0_i32_3 = arith.constant 0 : i32
    return %c0_i32, %min3A_2 : i32, i32
  }
  func.func @transform_2(%arg0: i32) -> (i32, i32) {
    %c0_i32 = arith.constant 0 : i32
    %c0_i32_0 = arith.constant 0 : i32
    return %arg0, %c0_i32 : i32, i32
  }
}

</mosaic_0001>

<sc_bundles>
// kernel: kernel.4.cloned.1.call-start
scs
__scs_entry_jumppad:
0x0: {  	(pc) =	sbr.rel $0x88, $3  }
0x1: {  	(tag) =	ssettag $0x0;
	lr =	simm.s32 $0x1  }
0x2: {  	[smem:$0x3F9F] =	sst lr;
	_ =	strace $0xD0000000  }
0x3: {  	_ = 	snop  }
0x4: {  	_ = 	snop  }
0x5: {  	_ = 	snop  }
0x6: {  	_ = 	snop  }
0x7: {  	_ = 	snop  }
__scs_overlays_trampoline_lowered:
0x8: {  	[smem:$0x3FAE] =	sst s0  }
0x9: {  	[smem:$0x3FAF] =	sst s1  }
0xa: {  	[smem:$0x3FB0] =	sst s2  }
0xb: {  	[smem:$0x3FB1] =	sst s3  }
0xc: {  	[smem:$0x3FB2] =	sst s4  }
0xd: {  	[smem:$0x3FB3] =	sst s5  }
0xe: {  	[smem:$0x3FB4] =	sst s6  }
0xf: {  	[smem:$0x3FB5] =	sst s7  }
0x10: {  	[smem:$0x3FB6] =	sst s8  }
0x11: {  	[smem:$0x3FB7] =	sst s9;
	s0 =	simm.s32 @!p0 $0x0  }
0x12: {  	s1 =	sld [smem:$0x3F9D];
	s0 =	simm.s32 @p0 $0x1  }
0x13: {  	[smem:$0x3FB8] =	sst s0;
	s0 =	simm.s32 @!p1 $0x0  }
0x14: {  	s2 =	sld [smem:$0x3F9C];
	s0 =	simm.s32 @p1 $0x1  }
0x15: {  	[smem:$0x3FB9] =	sst s0;
	s0 =	simm.s32 @!p2 $0x0  }
0x16: {  	s3 =	sld [smem:$0x3FDB];
	s0 =	simm.s32 @p2 $0x1  }
0x17: {  	s4 =	simm.s32 $0x1BF5;
	[smem:$0x3FBB] =	sst s0  }
0x18: {  	s0 =	sld [smem:$0x3F9E];
	_ =	swait.ge [sflag:s4], $0x0  }
0x19: {  	s7 =	sld [smem:$0x3F9F]  }
0x1a: {  	s8 =	sadd.s32 $0xFFFFE003, lr  }
0x1b: {  	s9 =	sadd.s32 $0xFFFFFEF7, lr;
	s5 =	simm.s32 $0xFFFFFFFF;
	p2 =	slt.u32 s8, $0xFFFFF086  }
0x1c: {  	p1 =	slt.u32 s9, $0xF7A;
	s5 =	simm.s32 @!p2 $0x0  }
0x1d: {  	s5 =	simm.s32 @p1 $0x1;
	p0 =	seq.s32 s7, s2  }
0x1e: {  	s7 =	smul.u32 @!p0 $0xF7A, s2;
	p2 =	seq.s32 @!p0 s5, $0x0  }
0x1f: {  	s9 =	smul.u32 $0xF7A, s1;
	s8 =	simm.s32 @!p0 $0x1BF5;
	p2 =	por !p2, p0  }
0x20: {  	[sflag:s8] =	ssyncset.s32 @!p0 $0xFFFFF086;
	s6 =	sadd.s32 @!p0 s3, s7;
	s7 =	simm.s32 @!p0 $0x108  }
0x21: {  	s3 =	sadd.s32 s3, s9;
	s6 =	sadd.s32 @!p0 $0x88, s6;
	s7 =	simm.s32 @p2 $0x1082  }
0x22: {  	[simem:s7], [sflag:s8] =	dma.local @!p0 [hbm:s6], $0xF7A  }
0x23: {  	s9 =	sor.u32 $0xD0000000, s2;
	s6 =	simm.s32 $0x108;
	_ =	swait.ge @!p0 [sflag:s8], $0x0  }
0x24: {  	s3 =	sadd.s32 $0x88, s3;
	s6 =	simm.s32 @!p1 $0x1082;
	[sflag:s4] =	ssyncset.s32 $0xFFFFF086  }
0x25: {  	[simem:s6], [sflag:s4] =	dma.local [hbm:s3], $0xF7A  }
0x26: {  	[smem:$0x3F9F] =	sst s1;
	(tag) =	ssettag s2;
	_ =	strace s9  }
0x27: {  	s1 =	sld [smem:$0x3FAF]  }
0x28: {  	s2 =	sld [smem:$0x3FB0]  }
0x29: {  	s4 =	sld [smem:$0x3FB2]  }
0x2a: {  	p0 =	seq.s32 s5, $0x0;
	s5 =	sld [smem:$0x3FB3]  }
0x2b: {  	s6 =	sld [smem:$0x3FB4]  }
0x2c: {  	s7 =	sld [smem:$0x3FB5]  }
0x2d: {  	s3 =	simm.s32 $0x108;
	s8 =	sld [smem:$0x3FB6]  }
0x2e: {  	s3 =	simm.s32 @!p0 $0x1082;
	s9 =	sld [smem:$0x3FB7]  }
0x2f: {  	lr =	sadd.s32 s0, s3;
	s0 =	sld [smem:$0x3FAE]  }
0x30: {  	s3 =	sld [smem:$0x3FB1]  }
0x31: {  	[smem:$0x3FBA] =	sst s10  }
0x32: {  	s10 =	sld [smem:$0x3FB8];
	_ =	sdelay $0x3  }
0x33: {  	p0 =	seq.s32 s10, $0x1;
	s10 =	sld [smem:$0x3FBA];
	_ =	sdelay $0x3  }
0x34: {  	[smem:$0x3FBA] =	sst s10  }
0x35: {  	s10 =	sld [smem:$0x3FB9];
	_ =	sdelay $0x3  }
0x36: {  	p1 =	seq.s32 s10, $0x1;
	s10 =	sld [smem:$0x3FBA];
	_ =	sdelay $0x3  }
0x37: {  	[smem:$0x3FBA] =	sst s10  }
0x38: {  	s10 =	sld [smem:$0x3FBB]  }
0x39: {  	_ = 	snop;
	(pc) =	sbr.ind lr, $3  }
0x3a: {  	_ = 	snop  }
0x3b: {  	_ = 	snop  }
0x3c: {  	p2 =	seq.s32 s10, $0x1;
	s10 =	sld [smem:$0x3FBA]  }
0x3d: {  	_ =	shalt  }
0x3e: {  	_ =	shalt  }
0x3f: {  	_ =	shalt  }
0x40: {  	_ =	shalt  }
0x41: {  	_ =	shalt  }
0x42: {  	_ =	shalt  }
0x43: {  	_ =	shalt  }
0x44: {  	_ =	shalt  }
0x45: {  	_ =	shalt  }
0x46: {  	_ =	shalt  }
0x47: {  	_ =	shalt  }
0x48: {  	_ =	shalt  }
0x49: {  	_ =	shalt  }
0x4a: {  	_ =	shalt  }
0x4b: {  	_ =	shalt  }
0x4c: {  	_ =	shalt  }
0x4d: {  	_ =	shalt  }
0x4e: {  	_ =	shalt  }
0x4f: {  	_ =	shalt  }
0x50: {  	_ =	shalt  }
0x51: {  	_ =	shalt  }
0x52: {  	_ =	shalt  }
0x53: {  	_ =	shalt  }
0x54: {  	_ =	shalt  }
0x55: {  	_ =	shalt  }
0x56: {  	_ =	shalt  }
0x57: {  	_ =	shalt  }
0x58: {  	_ =	shalt  }
0x59: {  	_ =	shalt  }
0x5a: {  	_ =	shalt  }
0x5b: {  	_ =	shalt  }
0x5c: {  	_ =	shalt  }
0x5d: {  	_ =	shalt  }
0x5e: {  	_ =	shalt  }
0x5f: {  	_ =	shalt  }
0x60: {  	_ =	shalt  }
0x61: {  	_ =	shalt  }
0x62: {  	_ =	shalt  }
0x63: {  	_ =	shalt  }
0x64: {  	_ =	shalt  }
0x65: {  	_ =	shalt  }
0x66: {  	_ =	shalt  }
0x67: {  	_ =	shalt  }
0x68: {  	_ =	shalt  }
0x69: {  	_ =	shalt  }
0x6a: {  	_ =	shalt  }
0x6b: {  	_ =	shalt  }
0x6c: {  	_ =	shalt  }
0x6d: {  	_ =	shalt  }
0x6e: {  	_ =	shalt  }
0x6f: {  	_ =	shalt  }
0x70: {  	_ =	shalt  }
0x71: {  	_ =	shalt  }
0x72: {  	_ =	shalt  }
0x73: {  	_ =	shalt  }
0x74: {  	_ =	shalt  }
0x75: {  	_ =	shalt  }
0x76: {  	_ =	shalt  }
0x77: {  	_ =	shalt  }
0x78: {  	_ =	shalt  }
0x79: {  	_ =	shalt  }
0x7a: {  	_ =	shalt  }
0x7b: {  	_ =	shalt  }
0x7c: {  	_ =	shalt  }
0x7d: {  	_ =	shalt  }
0x7e: {  	_ =	shalt  }
0x7f: {  	_ =	shalt  }
0x80: {  	_ =	shalt  }
0x81: {  	_ =	shalt  }
0x82: {  	_ =	shalt  }
0x83: {  	_ =	shalt  }
0x84: {  	_ =	shalt  }
0x85: {  	_ =	shalt  }
0x86: {  	_ =	shalt  }
0x87: {  	_ =	shalt  }
.Lfunc_end0:
.L_simem_size_0:
called_computation_lowered:
.L_overlay_start_0:
0x88: {  	s2 =	sld [smem:$0x3FD9]  }
0x89: {  	s3 =	sld [smem:$0x3FFE];
	_ =	sdelay $0x1  }
0x8a: {  	s1 =	srdreg.scid  }
0x8b: {  	s0 =	sand.u32 $0x1, s1  }
0x8c: {  	s17 =	sshll.u32 s0, $0xA;
	s2 =	sadd.s32 s3, s2  }
0x8d: {  	s2 =	sadd.s32 s2, s17  }
0x8e: {  	[smem:$0x3FC6] =	sst s2  }
0x8f: {  	_ = 	snop  }
0x90: {  	s2 =	sld [smem:$0x3FD0];
	(tm) =	ssettm $0x1  }
0x91: {  	s18 =	sld [smem:$0x3FFB];
	_ =	sdelay $0x3  }
0x92: {  	_ =	strace s18  }
0x93: {  	s3 =	sld [smem:$0x3FFC];
	_ =	sdelay $0x3  }
0x94: {  	_ =	strace s3  }
0x95: {  	s3 =	sld [smem:$0x3FFD];
	_ =	sdelay $0x3  }
0x96: {  	_ =	strace s3  }
0x97: {  	_ =	strace $0x8FFFFFFF  }
0x98: {  	s19 =	sld [smem:$0x3FDB];
	_ =	sdelay $0x1  }
0x99: {  	s4 =	simm.s32 $_scs_section_size  }
0x9a: {  	s5 =	simm.s32 $_size__tile_overlayer_lowered;
	s6 =	simm.s32 $_tile_overlayer_lowered  }
0x9b: {  	s22 =	simm.s32 $0x1BFF;
	s21 =	sshll.u32 s6, $0x1;
	s3 =	sadd.s32 s4, s19  }
0x9c: {  	s7 =	simm.s32 $0x0;
	s20 =	sshll.u32 s5, $0x1;
	s5 =	sadd.s32 s21, s3  }
0x9d: {  	[timem:s7], [sflag:s22] =	dma.local [hbm:s5], s20  }
0x9e: {  	_ =	swait.ge [sflag:s22], s20  }
0x9f: {  	s4 =	ssub.s32 $0x0, s20;
	[sflag:s22] =	ssyncset.done $0x0  }
0xa0: {  	[sflag:s22] =	ssyncadd.s32 s4;
	_ =	sdelay $0x1  }
0xa1: {  	s23 =	simm.s32 $0x1B8B  }
0xa2: {  	_ =	swait.ge [sflag:s23], $0x1  }
0xa3: {  	[sflag:s23] =	ssyncset.done $0x0  }
0xa4: {  	s25 =	simm.s32 $0x1B8E;
	s24 =	sld [smem:$0x3FFE];
	[sflag:s23] =	ssyncadd.s32 $0xFFFFFFFF  }
0xa5: {  	s26 =	simm.s32 $execute0_lowered;
	[smem:$0x3FD2] =	sst s25  }
0xa6: {  	s5 =	sshll.u32 s26, $0x1;
	_ =	strace $0x80000046;
	[dreg:$0x1] =	wrdreg $0xFFFFFFFF  }
0xa7: {  	s28 =	simm.s32 $_size_execute0_lowered;
	s3 =	sadd.s32 s3, s5;
	[dreg:$0x0] =	wrdreg $0x0  }
0xa8: {  	s5 =	sshll.u32 s28, $0x1;
	[dreg:$0x2] =	wrdreg s3  }
0xa9: {  	[dreg:$0x3] =	wrdreg s5  }
0xaa: {  	[dreg:$0x4] =	wrdreg $0xC0  }
0xab: {  	_ =	task [dreg:s7], $0x5FFFF  }
0xac: {  	[dreg:$0x1] =	wrdreg $0xFFFFFFFF  }
0xad: {  	[dreg:$0x0] =	wrdreg $0x60  }
0xae: {  	[dreg:$0x2] =	wrdreg s24  }
0xaf: {  	[dreg:$0x3] =	wrdreg s2  }
0xb0: {  	[dreg:$0x4] =	wrdreg $0x9  }
0xb1: {  	_ =	task.clear_ibuf [dreg:s7], $0x5FFFF;
	_ =	strace $0x90000046  }
0xb2: {  	s29 =	simm.s32 $0x9;
	_ =	strace $0x80000048  }
0xb3: {  	_ =	swait.ge [sflag:s29], $0x1  }
0xb4: {  	[sflag:s29] =	ssyncadd.s32 $0xFFFFFFFF  }
0xb5: {  	_ =	strace $0x90000048  }
0xb6: {  	_ =	sfence  }
0xb7: {  	s30 =	sld [smem:$0x0];
	_ =	sdelay $0x2  }
0xb8: {  	s31 =	sshll.u32 s1, $0xD;
	s1 =	sshrl.u32 s1, $0x2  }
0xb9: {  	s3 =	sand.u32 $0x4000, s31;
	s1 =	sadd.s32 s1, s30  }
0xba: {  	s0 =	sor.u32 s3, s0;
	s1 =	sshll.u32 s1, $0x11  }
0xbb: {  	s0 =	sor.u32 s1, s0  }
0xbc: {  	s0 =	sadd.s32 $0x8F2B, s0  }
0xbd: {  	[sflag:s0] =	ssyncadd.remote.s32 $0x1  }
0xbe: {  	_ =	sfence.sel $0xFFFF  }
0xbf: {  	[dreg:$0x0] =	wrdreg $0xFFFFFFFF;
	(pc) =	sbr.abs _section_cstart, $3  }
0xc0: {  	[dreg:$0x1] =	wrdreg $0xFFFFFFFF  }
0xc1: {  	_ =	task.clear_ibuf [dreg:s7], $0x2FFFF;
	_ =	strace $0x9FFFFFFF  }
0xc2: {  	(tm) =	ssettm $0x7FFFFFFF  }
0xc3: {  	_ =	shalt  }
tec
execute0_lowered:
.L_overlay_start_1:
0x0: {  	(tag) =	ssettag $0x1  }
0x1: {  	s0 =	rddreg [dreg:$0x0]  }
0x2: {  	s1 =	srdreg.scid;
	s3 =	stileid.u32  }
0x3: {  	s2 =	rddreg [dreg:$0x1];
	s13 =	simm.s32 $0x80;
	s21 =	simm.s32 $0xE400  }
0x4: {  	s22 =	simm.s32 $0x1;
	s23 =	simm.s32 $0x10400;
	s24 =	simm.s32 $0x2  }
0x5: {  	v0 =	vlaneseq.u32;
	s25 =	simm.s32 $0x3;
	s28 =	simm.s32 $0x5;
	s30 =	simm.s32 $0x7  }
0x6: {  	s31 =	simm.s32 $0x8;
	s1 =	sand.u32 $0x1, s1;
	s4 =	sshll.u32 s3, $0x1;
	v0 =	vmul.u32 $0x88, v0  }
0x7: {  	s14 =	simm.s32 $0x0;
	s3 =	simm.s32 $0x0;
	s4 =	sor.u32 s1, s4  }
0x8: {  	[smem:$0x7FF] =	sst s3;
	s1 =	ssub.s32 $0x2, s1;
	s5 =	smul.u32 $0xC80, s4;
	v1 =	vadd.s32 $0x880, v0  }
0x9: {  	_ =	strace $0x80000047;
	s7 =	sshrl.u32 s1, $0x1;
	s4 =	smul.u32 $0xC8, s4;
	v2 =	vadd.s32 $0x1100, v0;
	v3 =	vadd.s32 $0x1980, v0;
	v4 =	vadd.s32 $0x2200, v0  }
.Ltmp0:
0xa: {  	v5 =	vadd.s32 $0x2A80, v0;
	v6 =	vadd.s32 $0x3300, v0;
	v7 =	vadd.s32 $0x3B80, v0;
	s26 =	ssub.s32 s1, s7;
	s1 =	simm.s32 $0x9;
	(pc) =	sbr.rel .LBB2_1-.Ltmp0, $4  }
0xb: {  	v8 =	vadd.s32 $0x4400, v0;
	v9 =	vadd.s32 $0x4C80, v0;
	v10 =	vadd.s32 $0x5500, v0;
	s6 =	sadd.s32 s5, s0;
	s5 =	sadd.s32 $0x19400, s0;
	s7 =	sor.u32 $0x1, s4  }
0xc: {  	v11 =	vadd.s32 $0x5D80, v0;
	v12 =	vadd.s32 $0x6600, v0;
	v13 =	vadd.s32 $0x6E80, v0;
	s8 =	sor.u32 $0x2, s4;
	s9 =	sor.u32 $0x3, s4;
	s0 =	smax.u32 s26, $0x1  }
0xd: {  	v14 =	vadd.s32 $0x7700, v0;
	v15 =	vadd.s32 $0x7F80, v0;
	v16 =	vor.u32 $0x8800, v0;
	s10 =	sor.u32 $0x4, s4;
	s29 =	sadd.s32 $0x400, s6;
	[dreg:$0x4] =	wrdreg s0  }
0xe: {  	v17 =	vadd.s32 $0x9080, v0;
	v18 =	vadd.s32 $0x9900, v0;
	v19 =	vadd.s32 $0xA180, v0;
	s26 =	simm.s32 $0x4;
	s0 =	simm.s32 $0xA;
	[dreg:$0x3] =	wrdreg s29  }
.LBB2_26:
0xf: {  	s6 =	simm.s32 $0x6  }
0x10: {  	_ =	swait.ge [sflag:s6], $0x2000  }
0x11: {  	[sflag:s6] =	ssyncset.done $0x0  }
0x12: {  	[sflag:s6] =	ssyncadd.s32 $0xFFFFE000  }
0x13: {  	_ =	swait.ge [sflag:s30], $0x2000  }
0x14: {  	[sflag:s30] =	ssyncset.done $0x0  }
0x15: {  	[sflag:s30] =	ssyncadd.s32 $0xFFFFE000  }
0x16: {  	_ =	swait.ge [sflag:s31], $0x2000  }
0x17: {  	[sflag:s31] =	ssyncset.done $0x0  }
0x18: {  	[sflag:s31] =	ssyncadd.s32 $0xFFFFE000  }
0x19: {  	_ =	swait.ge [sflag:s1], $0x2000  }
0x1a: {  	[sflag:s1] =	ssyncset.done $0x0  }
0x1b: {  	[sflag:s1] =	ssyncadd.s32 $0xFFFFE000  }
0x1c: {  	_ =	swait.ge [sflag:s0], $0x2000  }
0x1d: {  	s14 =	sadd.s32 $0x1, s14;
	s29 =	rddreg [dreg:$0x4]  }
0x1e: {  	p0 =	sne.s32 s14, s29  }
.Ltmp1:
0x1f: {  	_ = 	snop;
	(pc) =	sbr.rel @!p0 .LBB2_27-.Ltmp1, $3  }
0x20: {  	_ =	sdelay $0x1  }
0x21: {  	[sflag:s0] =	ssyncset.done $0x0  }
0x22: {  	[sflag:s0] =	ssyncadd.s32 $0xFFFFE000  }
.LBB2_1:
0x23: {  	s6 =	rddreg [dreg:$0x3];
	s29 =	simm.s32 $0xB  }
0x24: {  	[tilespmem:s3], [sflag:$0xB] =	stream.linear.gather [hbm4b:s6+s3], $0x6400, $0x38;
	[tilespmem:$0x1AE00] =	vst v63  }
0x25: {  	_ =	swait.ge [sflag:s29], $0x6400  }
0x26: {  	[sflag:s29] =	ssyncset.done $0x0  }
0x27: {  	[sflag:s29] =	ssyncadd.s32 $0xFFFF9C00  }
0x28: {  	v20 =	vld [tilespmem:s13+$0x70];
	_ =	sdelay $0x1  }
0x29: {  	v21 =	vld [tilespmem:s13+$0xFFFFFF90]  }
0x2a: {  	v22 =	vld [tilespmem:s13+$0xFFFFFFA0]  }
0x2b: {  	v23 =	vld [tilespmem:s13+$0xFFFFFFB0]  }
0x2c: {  	v24 =	vld [tilespmem:s13+$0xFFFFFFC0];
	v26 =	vshll.u32 v20, $0x1  }
0x2d: {  	v25 =	vld [tilespmem:s13+$0xFFFFFFD0];
	v28 =	vshrl.u32 v20, $0xE;
	v20 =	vand.u32 $0xFFFF8000, v20;
	v26 =	vand.u32 $0x7FFE, v26  }
0x2e: {  	v27 =	vld [tilespmem:s13+$0xFFFFFFE0];
	v28 =	vand.u32 $0x1, v28;
	v20 =	vor.u32 v20, v26  }
0x2f: {  	v30 =	vld [tilespmem:s13+$0xFFFFFFF0];
	v29 =	vshll.u32 v21, $0x1;
	v20 =	vor.u32 v28, v20  }
0x30: {  	v32 =	vld [tilespmem:s13+$0x0];
	v26 =	vshll.u32 v22, $0x1;
	[tilespmem:$0x1FFF0] =	vst v20;
	v20 =	vand.u32 $0x7FFE, v29  }
0x31: {  	v28 =	vshll.u32 v24, $0x1;
	[tilespmem:$0x1FFA0] =	vst v20;
	v20 =	vand.u32 $0x7FFE, v26  }
0x32: {  	[tilespmem:$0x1FFB0] =	vst v20;
	v20 =	vand.u32 $0x7FFE, v28  }
0x33: {  	v29 =	vld [tilespmem:s13+$0x10];
	[tilespmem:$0x1FFC0] =	vst v20;
	v20 =	vshrl.u32 v21, $0xE  }
0x34: {  	v31 =	vshll.u32 v23, $0x1;
	v33 =	vshll.u32 v25, $0x1;
	v34 =	vld [tilespmem:s13+$0x20];
	[tilespmem:$0x1FFD0] =	vst v20  }
0x35: {  	v55 =	vshll.u32 v27, $0x1;
	v56 =	vshll.u32 v30, $0x1;
	v20 =	vshrl.u32 v22, $0xE;
	v38 =	vld [tilespmem:s13+$0x30]  }
0x36: {  	v57 =	vshll.u32 v32, $0x1;
	v41 =	vshrl.u32 v23, $0xE;
	v23 =	vand.u32 $0xFFFF8000, v23;
	v40 =	vld [tilespmem:s13+$0x40];
	[tilespmem:$0x1FFE0] =	vst v20  }
0x37: {  	v51 =	vshrl.u32 v24, $0xE;
	v53 =	vshrl.u32 v25, $0xE;
	v25 =	vand.u32 $0xFFFF8000, v25;
	v43 =	vld [tilespmem:s13+$0x50]  }
0x38: {  	v31 =	vand.u32 $0x7FFE, v31;
	v42 =	vand.u32 $0x7FFE, v56;
	v44 =	vand.u32 $0x7FFE, v57;
	v45 =	vld [tilespmem:s13+$0x60]  }
0x39: {  	v31 =	vor.u32 v23, v31;
	v24 =	vand.u32 $0xFFFF8000, v24;
	v26 =	vand.u32 $0x7FFE, v55  }
0x3a: {  	v28 =	vand.u32 $0x7FFE, v33;
	v21 =	vand.u32 $0xFFFF8000, v21;
	v58 =	vshll.u32 v29, $0x1  }
0x3b: {  	v22 =	vand.u32 $0xFFFF8000, v22;
	v47 =	vand.u32 $0x7FFE, v58;
	v59 =	vshll.u32 v34, $0x1  }
0x3c: {  	v58 =	vshrl.u32 v30, $0xE;
	v39 =	vshrl.u32 v34, $0xE;
	v62 =	vshll.u32 v43, $0x1  }
0x3d: {  	v46 =	vld [tilespmem:s13+$0xFFFFFF80];
	v20 =	vand.u32 $0xFFFF8000, v34;
	v63 =	vshll.u32 v45, $0x1;
	v54 =	vand.u32 $0x7FFE, v62  }
0x3e: {  	v57 =	vand.u32 $0x7FFE, v63;
	v62 =	vshrl.u32 v29, $0xE;
	v63 =	vand.u32 $0xFFFF8000, v29;
	v29 =	vld [tilespmem:$0x1FFA0]  }
0x3f: {  	v48 =	vand.u32 $0x7FFE, v59;
	v60 =	vshll.u32 v38, $0x1;
	v61 =	vshll.u32 v40, $0x1  }
0x40: {  	v59 =	vand.u32 $0xFFFF8000, v30;
	v37 =	vshrl.u32 v38, $0xE;
	v38 =	vand.u32 $0xFFFF8000, v38  }
0x41: {  	v50 =	vshrl.u32 v40, $0xE;
	v40 =	vand.u32 $0xFFFF8000, v40;
	v39 =	vand.u32 $0x1, v39  }
0x42: {  	v49 =	vand.u32 $0x7FFE, v60;
	v52 =	vand.u32 $0x7FFE, v61;
	v55 =	vshrl.u32 v46, $0xE  }
0x43: {  	v56 =	vshll.u32 v46, $0x1;
	v33 =	vand.u32 $0xFFFF8000, v46;
	v34 =	vor.u32 v21, v29;
	v21 =	vld [tilespmem:$0x1FFB0]  }
0x44: {  	v60 =	vshrl.u32 v32, $0xE;
	v61 =	vand.u32 $0xFFFF8000, v32;
	v36 =	vshrl.u32 v43, $0xE  }
0x45: {  	v35 =	vand.u32 $0x7FFE, v56;
	v56 =	vshrl.u32 v27, $0xE;
	v27 =	vand.u32 $0xFFFF8000, v27  }
0x46: {  	v29 =	vor.u32 v25, v28;
	v28 =	vor.u32 v27, v26;
	v27 =	vor.u32 v59, v42;
	v59 =	vld [tilespmem:$0x1FFD0]  }
0x47: {  	v43 =	vand.u32 $0xFFFF8000, v43;
	v46 =	vand.u32 $0x1, v41;
	v26 =	vor.u32 v61, v44;
	v61 =	vld [tilespmem:$0x1FFE0]  }
0x48: {  	v23 =	vor.u32 v38, v49;
	v32 =	vor.u32 v33, v35;
	v33 =	vor.u32 v22, v21;
	v21 =	vld [tilespmem:$0x1FFC0]  }
0x49: {  	v41 =	vand.u32 $0x1, v60;
	v38 =	vand.u32 $0x1, v37;
	v37 =	vand.u32 $0x1, v50  }
0x4a: {  	v36 =	vand.u32 $0x1, v36;
	v35 =	vshrl.u32 v45, $0xE;
	v25 =	vor.u32 v63, v47;
	v63 =	vld [tilespmem:$0x1FFF0]  }
0x4b: {  	v45 =	vand.u32 $0xFFFF8000, v45;
	v35 =	vand.u32 $0x1, v35;
	v44 =	vand.u32 $0x1, v53  }
0x4c: {  	v42 =	vand.u32 $0x1, v58;
	v22 =	vor.u32 v40, v52;
	v49 =	vand.u32 $0x1, v59  }
0x4d: {  	v47 =	vand.u32 $0x1, v61;
	v40 =	vand.u32 $0x1, v62;
	v30 =	vor.u32 v24, v21  }
0x4e: {  	v24 =	vor.u32 v20, v48;
	v21 =	vor.u32 v43, v54;
	v20 =	vor.u32 v45, v57  }
0x4f: {  	s16 =	simm.s32 $0x180;
	s15 =	simm.s32 $0x80;
	s6 =	simm.s32 $0x0;
	[tilespmem:s13+$0x70] =	vst v63;
	v48 =	vand.u32 $0x1, v55;
	v45 =	vand.u32 $0x1, v51;
	v43 =	vand.u32 $0x1, v56  }
.LBB2_2:
0x50: {  	v50 =	vld [tilespmem:s16+$0x70]  }
0x51: {  	v52 =	vld [tilespmem:s16+$0xFFFFFF90]  }
0x52: {  	v32 =	vor.u32 v48, v32;
	v24 =	vor.u32 v39, v24;
	v39 =	vld [tilespmem:s16+$0x0]  }
0x53: {  	v34 =	vor.u32 v49, v34;
	v25 =	vor.u32 v40, v25;
	v40 =	vld [tilespmem:s16+$0x20];
	[tilespmem:s15+$0xFFFFFF80] =	vst v32  }
0x54: {  	v33 =	vor.u32 v47, v33;
	v32 =	vld [tilespmem:s16+$0xFFFFFFA0];
	[tilespmem:s15+$0xFFFFFF90] =	vst v34  }
0x55: {  	v31 =	vor.u32 v46, v31;
	v34 =	vld [tilespmem:s16+$0xFFFFFFB0];
	[tilespmem:s15+$0xFFFFFFA0] =	vst v33  }
0x56: {  	v30 =	vor.u32 v45, v30;
	v29 =	vor.u32 v44, v29;
	v33 =	vld [tilespmem:s16+$0xFFFFFFC0];
	[tilespmem:s15+$0xFFFFFFB0] =	vst v31  }
0x57: {  	v28 =	vor.u32 v43, v28;
	v27 =	vor.u32 v42, v27;
	v26 =	vor.u32 v41, v26;
	v31 =	vld [tilespmem:s16+$0xFFFFFFD0];
	[tilespmem:s15+$0xFFFFFFC0] =	vst v30  }
0x58: {  	v23 =	vor.u32 v38, v23;
	v21 =	vor.u32 v36, v21;
	v20 =	vor.u32 v35, v20;
	v30 =	vld [tilespmem:s16+$0xFFFFFFE0];
	[tilespmem:s15+$0xFFFFFFD0] =	vst v29  }
0x59: {  	v53 =	vshll.u32 v50, $0x1;
	v54 =	vshrl.u32 v50, $0xE;
	v29 =	vshll.u32 v52, $0x1;
	v38 =	vld [tilespmem:s16+$0xFFFFFFF0];
	[tilespmem:s15+$0xFFFFFFE0] =	vst v28  }
0x5a: {  	v55 =	vand.u32 $0xFFFF8000, v50;
	v35 =	vand.u32 $0x7FFE, v53;
	[tilespmem:s15+$0xFFFFFFF0] =	vst v27;
	v27 =	vand.u32 $0x7FFE, v29  }
0x5b: {  	v36 =	vand.u32 $0x1, v54;
	v35 =	vor.u32 v55, v35;
	v28 =	vshll.u32 v32, $0x1;
	[tilespmem:$0x1FF50] =	vst v27  }
0x5c: {  	v35 =	vor.u32 v36, v35;
	v27 =	vand.u32 $0x7FFE, v28;
	v36 =	vld [tilespmem:s16+$0x10];
	[tilespmem:s15+$0x0] =	vst v26  }
0x5d: {  	[tilespmem:$0x1FF60] =	vst v27  }
0x5e: {  	v22 =	vor.u32 v37, v22;
	v60 =	vshll.u32 v39, $0x1;
	v62 =	vshll.u32 v40, $0x1;
	v42 =	vld [tilespmem:s16+$0x30];
	[tilespmem:s15+$0x10] =	vst v25  }
0x5f: {  	v43 =	vand.u32 $0x7FFE, v60;
	v49 =	vand.u32 $0x7FFE, v62;
	v62 =	vshrl.u32 v39, $0xE;
	v44 =	vld [tilespmem:s16+$0x40];
	[tilespmem:s15+$0x20] =	vst v24  }
0x60: {  	v39 =	vand.u32 $0xFFFF8000, v39;
	v56 =	vshll.u32 v34, $0x1;
	v26 =	vshrl.u32 v52, $0xE;
	v46 =	vld [tilespmem:s16+$0x50];
	[tilespmem:s15+$0x30] =	vst v23  }
0x61: {  	v45 =	vshrl.u32 v34, $0xE;
	v29 =	vshll.u32 v33, $0x1;
	[tilespmem:s16+$0x70] =	vst v35;
	v27 =	vand.u32 $0x7FFE, v56;
	v47 =	vld [tilespmem:s16+$0x60]  }
0x62: {  	v25 =	vand.u32 $0xFFFF8000, v52;
	v41 =	vshrl.u32 v33, $0xE;
	v52 =	vand.u32 $0xFFFF8000, v33;
	[tilespmem:s15+$0x40] =	vst v22;
	v22 =	vld [tilespmem:s16+$0xFFFFFF80]  }
0x63: {  	v29 =	vand.u32 $0x7FFE, v29;
	v57 =	vshll.u32 v31, $0x1;
	v24 =	vshrl.u32 v32, $0xE  }
0x64: {  	[tilespmem:$0x1FF70] =	vst v27;
	v54 =	vshrl.u32 v31, $0xE;
	v28 =	vand.u32 $0x7FFE, v57;
	v58 =	vshll.u32 v30, $0x1  }
0x65: {  	[tilespmem:$0x1FF90] =	vst v24;
	v24 =	vand.u32 $0xFFFF8000, v32;
	v60 =	vand.u32 $0xFFFF8000, v30;
	v27 =	vand.u32 $0x7FFE, v58  }
0x66: {  	v59 =	vshll.u32 v38, $0x1;
	[tilespmem:s15+$0x50] =	vst v21;
	v21 =	vand.u32 $0xFFFF8000, v34;
	v58 =	vand.u32 $0xFFFF8000, v31  }
0x67: {  	[tilespmem:$0x1FF80] =	vst v26;
	v26 =	vand.u32 $0x7FFE, v59;
	v61 =	vshll.u32 v36, $0x1;
	v53 =	vshll.u32 v22, $0x1  }
0x68: {  	v56 =	vshrl.u32 v22, $0xE;
	v22 =	vand.u32 $0xFFFF8000, v22;
	v32 =	vand.u32 $0x7FFE, v53  }
0x69: {  	v59 =	vshrl.u32 v30, $0xE;
	v30 =	vor.u32 v52, v29;
	v32 =	vor.u32 v22, v32;
	v22 =	vld [tilespmem:$0x1FF50]  }
0x6a: {  	v29 =	vor.u32 v58, v28;
	v28 =	vor.u32 v60, v27;
	v48 =	vand.u32 $0x7FFE, v61  }
0x6b: {  	v63 =	vshll.u32 v42, $0x1;
	v61 =	vshrl.u32 v38, $0xE;
	v38 =	vand.u32 $0xFFFF8000, v38  }
0x6c: {  	v23 =	vand.u32 $0x7FFE, v63;
	v37 =	vshll.u32 v44, $0x1;
	v63 =	vshrl.u32 v36, $0xE  }
0x6d: {  	v36 =	vand.u32 $0xFFFF8000, v36;
	v27 =	vor.u32 v38, v26;
	v26 =	vor.u32 v39, v43  }
0x6e: {  	[tilespmem:s15+$0x60] =	vst v20;
	v43 =	vand.u32 $0x1, v59;
	v20 =	vand.u32 $0x7FFE, v37;
	v34 =	vor.u32 v25, v22;
	v22 =	vld [tilespmem:$0x1FF60]  }
0x6f: {  	v50 =	vshll.u32 v46, $0x1;
	v37 =	vshrl.u32 v44, $0xE;
	v44 =	vand.u32 $0xFFFF8000, v44  }
0x70: {  	v55 =	vand.u32 $0x7FFE, v50;
	v51 =	vshll.u32 v47, $0x1;
	v50 =	vshrl.u32 v46, $0xE  }
0x71: {  	v46 =	vand.u32 $0xFFFF8000, v46;
	v35 =	vshrl.u32 v47, $0xE;
	v47 =	vand.u32 $0xFFFF8000, v47  }
0x72: {  	v58 =	vld [tilespmem:$0x1FF80];
	v37 =	vand.u32 $0x1, v37;
	v57 =	vand.u32 $0x7FFE, v51;
	v53 =	vshrl.u32 v40, $0xE  }
0x73: {  	v51 =	vshrl.u32 v42, $0xE;
	v42 =	vand.u32 $0xFFFF8000, v42;
	v33 =	vor.u32 v24, v22;
	v22 =	vld [tilespmem:$0x1FF70]  }
0x74: {  	s6 =	sadd.s32 $0x2, s6;
	v60 =	vld [tilespmem:$0x1FF90];
	v40 =	vand.u32 $0xFFFF8000, v40;
	v35 =	vand.u32 $0x1, v35;
	v23 =	vor.u32 v42, v23  }
0x75: {  	p0 =	slt.u32 s6, $0xC6;
	v42 =	vand.u32 $0x1, v61;
	v39 =	vand.u32 $0x1, v53;
	v38 =	vand.u32 $0x1, v51  }
.Ltmp2:
0x76: {  	v25 =	vor.u32 v36, v48;
	v48 =	vand.u32 $0x1, v56;
	v36 =	vand.u32 $0x1, v50;
	(pc) =	sbr.rel @p0 .LBB2_2-.Ltmp2, $4  }
0x77: {  	v24 =	vor.u32 v40, v49;
	v49 =	vand.u32 $0x1, v58;
	v40 =	vand.u32 $0x1, v63  }
0x78: {  	v31 =	vor.u32 v21, v22;
	v22 =	vor.u32 v44, v20;
	v21 =	vor.u32 v46, v55  }
0x79: {  	v20 =	vor.u32 v47, v57;
	v47 =	vand.u32 $0x1, v60;
	v46 =	vand.u32 $0x1, v45  }
0x7a: {  	s15 =	smov.u32 s16;
	s16 =	sadd.s32 $0x100, s16;
	v45 =	vand.u32 $0x1, v41;
	v44 =	vand.u32 $0x1, v54;
	v41 =	vand.u32 $0x1, v62  }
0x7b: {  	v32 =	vor.u32 v48, v32  }
0x7c: {  	v34 =	vor.u32 v49, v34;
	[tilespmem:s15+$0xFFFFFF80] =	vst v32  }
0x7d: {  	v63 =	vor.u32 v47, v33;
	[tilespmem:s15+$0xFFFFFF90] =	vst v34  }
0x7e: {  	v31 =	vor.u32 v46, v31;
	[tilespmem:s15+$0xFFFFFFA0] =	vst v63  }
0x7f: {  	v30 =	vor.u32 v45, v30;
	[tilespmem:s15+$0xFFFFFFB0] =	vst v31  }
0x80: {  	v29 =	vor.u32 v44, v29;
	[tilespmem:s15+$0xFFFFFFC0] =	vst v30  }
0x81: {  	v28 =	vor.u32 v43, v28;
	[tilespmem:s15+$0xFFFFFFD0] =	vst v29  }
0x82: {  	v27 =	vor.u32 v42, v27;
	[tilespmem:s15+$0xFFFFFFE0] =	vst v28  }
0x83: {  	v26 =	vor.u32 v41, v26;
	[tilespmem:s15+$0xFFFFFFF0] =	vst v27  }
0x84: {  	v25 =	vor.u32 v40, v25;
	[tilespmem:s15+$0x0] =	vst v26  }
0x85: {  	v24 =	vor.u32 v39, v24;
	[tilespmem:s15+$0x10] =	vst v25  }
0x86: {  	v23 =	vor.u32 v38, v23;
	[tilespmem:s15+$0x20] =	vst v24  }
0x87: {  	v22 =	vor.u32 v37, v22;
	[tilespmem:s15+$0x30] =	vst v23  }
0x88: {  	v21 =	vor.u32 v36, v21;
	[tilespmem:s15+$0x40] =	vst v22  }
0x89: {  	v20 =	vor.u32 v35, v20;
	[tilespmem:s15+$0x50] =	vst v21  }
0x8a: {  	s6 =	simm.s32 $0x6400;
	[tilespmem:s15+$0x60] =	vst v20;
	s15 =	simm.s32 $0x0  }
0x8b: {  	[tilespmem:s6], [sflag:$0x1] =	stream.indirect.gather [hbm4b:s5+s13], $0x40, s15, s13, $0xb8;
	[tilespmem:$0x1AE00] =	vst v63  }
0x8c: {  	s17 =	simm.s32 $0x8400  }
0x8d: {  	[tilespmem:s17], [sflag:$0x2] =	stream.indirect.gather [hbm4b:s5+s13], $0x40, s13, s13, $0xb8;
	[tilespmem:$0x1AE00] =	vst v63  }
0x8e: {  	s18 =	simm.s32 $0x100;
	s11 =	simm.s32 $0xA400  }
0x8f: {  	[tilespmem:s11], [sflag:$0x3] =	stream.indirect.gather [hbm4b:s5+s13], $0x40, s18, s13, $0xb8;
	[tilespmem:$0x1AE00] =	vst v63  }
0x90: {  	s19 =	simm.s32 $0x180;
	s20 =	simm.s32 $0xC400  }
0x91: {  	[tilespmem:s20], [sflag:$0x4] =	stream.indirect.gather [hbm4b:s5+s13], $0x40, s19, s13, $0xb8;
	[tilespmem:$0x1AE00] =	vst v63  }
0x92: {  	s29 =	simm.s32 $0x200;
	s16 =	simm.s32 $0x0  }
0x93: {  	[tilespmem:s21], [sflag:$0x5] =	stream.indirect.gather [hbm4b:s5+s13], $0x40, s29, s13, $0xb8;
	[tilespmem:$0x1AE00] =	vst v63  }
.LBB2_4:
0x94: {  	_ =	swait.ge [sflag:s22], $0x2000  }
0x95: {  	p0 =	seq.s32 s16, $0x0;
	[sflag:s22] =	ssyncset.done $0x0  }
0x96: {  	s6 =	simm.s32 @!p0 $0x6;
	[sflag:s22] =	ssyncadd.s32 $0xFFFFE000  }
0x97: {  	_ =	swait.ge @!p0 [sflag:s6], $0x2000  }
0x98: {  	[sflag:s6] =	ssyncset.done @!p0 $0x0  }
0x99: {  	s11 =	simm.s32 $0x6480;
	s20 =	simm.s32 $0x3;
	[sflag:s6] =	ssyncadd.s32 @!p0 $0xFFFFE000  }
0x9a: {  	v20 =	vmov s20;
	v21 =	vld [tilespmem:s11+$0x40]  }
0x9b: {  	v25 =	vand.u32 $0x7F, v20  }
0x9c: {  	v20 =	vadd.s32 v0, v25  }
0x9d: {  	v22 =	vmov s15;
	s29 =	simm.s32 $0x1;
	s12 =	simm.s32 $0x2;
	v23 =	vld [tilespmem:s11+$0xFFFFFF80]  }
0x9e: {  	v24 =	vand.u32 $0x7C, v22;
	v22 =	vmov s29;
	v27 =	vmov s12;
	v26 =	vld [tilespmem:s11+$0xFFFFFFC0]  }
0x9f: {  	v28 =	vadd.s32 v0, v24;
	v31 =	vand.u32 $0x7D, v22;
	v22 =	vld [tilespmem:s11+$0x0];
	v21 =	vmul.f32 $8.000000000e+00, v21  }
0xa0: {  	v33 =	vand.u32 $0x7E, v27;
	v29 =	vadd.s32 v0, v31  }
0xa1: {  	v27 =	vadd.s32 v0, v33;
	[tilespmem:v20+s23+$0x0] =	vst.idx.msk $0xffff, v21  }
0xa2: {  	v20 =	vmul.f32 $8.000000000e+00, v23;
	v21 =	vld [tilespmem:s11+$0x50]  }
0xa3: {  	v23 =	vmul.f32 $8.000000000e+00, v26  }
0xa4: {  	[tilespmem:v28+s23+$0x0] =	vst.idx.msk $0xffff, v20;
	v20 =	vmul.f32 $8.000000000e+00, v22;
	v22 =	vadd.s32 v1, v25  }
0xa5: {  	[tilespmem:v29+s23+$0x0] =	vst.idx.msk $0xffff, v23;
	v26 =	vld [tilespmem:s11+$0xFFFFFF90]  }
0xa6: {  	v23 =	vld [tilespmem:s11+$0xFFFFFFD0];
	[tilespmem:v27+s23+$0x0] =	vst.idx.msk $0xffff, v20  }
0xa7: {  	v27 =	vld [tilespmem:s11+$0x10];
	v20 =	vmul.f32 $8.000000000e+00, v21  }
0xa8: {  	s17 =	simm.s32 $0x7;
	s18 =	simm.s32 $0x6580;
	s12 =	simm.s32 $0x4;
	v28 =	vadd.s32 v1, v31  }
0xa9: {  	v30 =	vld [tilespmem:s18+$0x40];
	v29 =	vadd.s32 v1, v33;
	v21 =	vmov s12;
	[tilespmem:v22+s23+$0x0] =	vst.idx.msk $0xffff, v20;
	v22 =	vmov s17  }
0xaa: {  	v32 =	vadd.s32 v1, v24;
	v20 =	vand.u32 $0x7C, v21;
	v21 =	vand.u32 $0x7F, v22;
	v34 =	vld [tilespmem:s11+$0x60]  }
0xab: {  	s19 =	simm.s32 $0x5;
	v38 =	vadd.s32 v2, v25;
	v35 =	vld [tilespmem:s18+$0xFFFFFF80];
	v22 =	vmul.f32 $8.000000000e+00, v23;
	v36 =	vadd.s32 v0, v21  }
0xac: {  	s20 =	simm.s32 $0x6;
	v37 =	vld [tilespmem:s18+$0xFFFFFFC0];
	v26 =	vmul.f32 $8.000000000e+00, v26;
	v23 =	vmul.f32 $8.000000000e+00, v27;
	v27 =	vmov s19  }
0xad: {  	v39 =	vadd.s32 v0, v20;
	[tilespmem:v28+s23+$0x0] =	vst.idx.msk $0xffff, v22;
	v28 =	vmov s20;
	v22 =	vand.u32 $0x7D, v27;
	v27 =	vld [tilespmem:s18+$0x0]  }
0xae: {  	[tilespmem:v29+s23+$0x0] =	vst.idx.msk $0xffff, v23;
	v29 =	vadd.s32 v0, v22;
	v23 =	vand.u32 $0x7E, v28;
	v28 =	vmul.f32 $8.000000000e+00, v30;
	v30 =	vld [tilespmem:s11+$0xFFFFFFE0]  }
0xaf: {  	[tilespmem:v32+s23+$0x0] =	vst.idx.msk $0xffff, v26;
	v26 =	vadd.s32 v0, v23;
	v58 =	vld [tilespmem:s11+$0x20];
	v34 =	vmul.f32 $8.000000000e+00, v34  }
0xb0: {  	v59 =	vadd.s32 v2, v31;
	v35 =	vmul.f32 $8.000000000e+00, v35;
	[tilespmem:v36+s23+$0x0] =	vst.idx.msk $0xffff, v28;
	v28 =	vld [tilespmem:s11+$0xFFFFFFA0]  }
0xb1: {  	v41 =	vadd.s32 v2, v33;
	v37 =	vmul.f32 $8.000000000e+00, v37;
	v40 =	vld [tilespmem:s18+$0x50];
	[tilespmem:v38+s23+$0x0] =	vst.idx.msk $0xffff, v34  }
0xb2: {  	v60 =	vadd.s32 v2, v24;
	[tilespmem:v39+s23+$0x0] =	vst.idx.msk $0xffff, v35;
	v27 =	vmul.f32 $8.000000000e+00, v27;
	v38 =	vld [tilespmem:s11+$0x70]  }
0xb3: {  	v61 =	vadd.s32 v1, v21;
	v39 =	vld [tilespmem:s18+$0xFFFFFF90];
	[tilespmem:v29+s23+$0x0] =	vst.idx.msk $0xffff, v37;
	v30 =	vmul.f32 $8.000000000e+00, v30  }
0xb4: {  	v43 =	vadd.s32 v3, v25;
	v42 =	vld [tilespmem:s18+$0xFFFFFFD0];
	[tilespmem:v26+s23+$0x0] =	vst.idx.msk $0xffff, v27;
	v26 =	vmul.f32 $8.000000000e+00, v58  }
0xb5: {  	v34 =	vadd.s32 v1, v20;
	v29 =	vld [tilespmem:s18+$0x10];
	[tilespmem:v59+s23+$0x0] =	vst.idx.msk $0xffff, v30;
	v25 =	vmul.f32 $8.000000000e+00, v28  }
0xb6: {  	s6 =	simm.s32 $0x8;
	v32 =	vadd.s32 v1, v22;
	v28 =	vld [tilespmem:s11+$0xFFFFFFF0];
	[tilespmem:v41+s23+$0x0] =	vst.idx.msk $0xffff, v26;
	v30 =	vmul.f32 $8.000000000e+00, v40  }
0xb7: {  	v62 =	vmov s6;
	s17 =	smul.u32 $0x5, s16;
	v26 =	vadd.s32 v1, v23;
	v27 =	vld [tilespmem:s11+$0x30];
	[tilespmem:v60+s23+$0x0] =	vst.idx.msk $0xffff, v25;
	v63 =	vmul.f32 $8.000000000e+00, v38  }
0xb8: {  	s29 =	simm.s32 $0xB;
	v31 =	vadd.s32 v3, v31;
	v33 =	vadd.s32 v3, v33;
	s20 =	simm.s32 $0x6680;
	v36 =	vmul.f32 $8.000000000e+00, v39;
	[tilespmem:v61+s23+$0x0] =	vst.idx.msk $0xffff, v30;
	v30 =	vld [tilespmem:s11+$0xFFFFFFB0]  }
0xb9: {  	s19 =	sadd.s32 s4, s17;
	v35 =	vld [tilespmem:s20+$0x40];
	v25 =	vand.u32 $0x7C, v62;
	v38 =	vmov s29;
	s11 =	simm.s32 $0xC;
	v37 =	vmul.f32 $8.000000000e+00, v42;
	[tilespmem:v43+s23+$0x0] =	vst.idx.msk $0xffff, v63  }
.LBB2_5:
0xba: {  	p1 =	slt.u32 s11, $0x7C;
	s12 =	sadd.s32 $0x1, s6;
	v38 =	vand.u32 $0x7F, v38;
	[tilespmem:v34+s23+$0x0] =	vst.idx.msk $0xffff, v36;
	v29 =	vmul.f32 $8.000000000e+00, v29;
	v34 =	vld [tilespmem:s18+$0x60];
	v36 =	vadd.s32 v3, v24;
	v24 =	vmovc v20  }
0xbb: {  	v20 =	vmovc v25;
	v39 =	vld [tilespmem:s20+$0xFFFFFF80];
	v40 =	vmov s12;
	s12 =	sadd.s32 $0x2, s6;
	v41 =	vadd.s32 v0, v38;
	[tilespmem:v32+s23+$0x0] =	vst.idx.msk $0xffff, v37;
	v28 =	vmul.f32 $8.000000000e+00, v28;
	s6 =	smov.u32 s11  }
0xbc: {  	v25 =	vld [tilespmem:s20+$0xFFFFFFC0];
	v32 =	vmov s12;
	[tilespmem:v26+s23+$0x0] =	vst.idx.msk $0xffff, v29;
	v26 =	vadd.s32 v2, v21;
	v27 =	vmul.f32 $8.000000000e+00, v27  }
0xbd: {  	v29 =	vadd.s32 v0, v20;
	v37 =	vand.u32 $0x7D, v40;
	v40 =	vld [tilespmem:s20+$0x0];
	v30 =	vmul.f32 $8.000000000e+00, v30;
	[tilespmem:v31+s23+$0x0] =	vst.idx.msk $0xffff, v28  }
0xbe: {  	v28 =	vadd.s32 v0, v37;
	v42 =	vand.u32 $0x7E, v32;
	v31 =	vmul.f32 $8.000000000e+00, v35;
	v32 =	vld [tilespmem:s18+$0xFFFFFFE0];
	[tilespmem:v33+s23+$0x0] =	vst.idx.msk $0xffff, v27  }
0xbf: {  	v27 =	vadd.s32 v0, v42;
	v33 =	vld [tilespmem:s18+$0x20];
	v34 =	vmul.f32 $8.000000000e+00, v34;
	[tilespmem:v36+s23+$0x0] =	vst.idx.msk $0xffff, v30  }
0xc0: {  	v35 =	vadd.s32 v2, v22;
	v30 =	vmul.f32 $8.000000000e+00, v39;
	[tilespmem:v41+s23+$0x0] =	vst.idx.msk $0xffff, v31;
	v31 =	vld [tilespmem:s18+$0xFFFFFFA0]  }
0xc1: {  	v39 =	vadd.s32 v2, v23;
	v25 =	vmul.f32 $8.000000000e+00, v25;
	v36 =	vld [tilespmem:s20+$0x50];
	[tilespmem:v26+s23+$0x0] =	vst.idx.msk $0xffff, v34  }
0xc2: {  	[tilespmem:v29+s23+$0x0] =	vst.idx.msk $0xffff, v30;
	v26 =	vmul.f32 $8.000000000e+00, v40;
	v30 =	vadd.s32 v2, v24;
	v40 =	vld [tilespmem:s18+$0x70]  }
0xc3: {  	v43 =	vadd.s32 v1, v38;
	v41 =	vld [tilespmem:s20+$0xFFFFFF90];
	[tilespmem:v28+s23+$0x0] =	vst.idx.msk $0xffff, v25;
	v25 =	vmul.f32 $8.000000000e+00, v32  }
0xc4: {  	v45 =	vadd.s32 v3, v21;
	v21 =	vmov v38;
	v44 =	vld [tilespmem:s20+$0xFFFFFFD0];
	[tilespmem:v27+s23+$0x0] =	vst.idx.msk $0xffff, v26;
	v26 =	vmul.f32 $8.000000000e+00, v33  }
.Ltmp3:
0xc5: {  	v34 =	vadd.s32 v1, v20;
	v29 =	vld [tilespmem:s20+$0x10];
	v27 =	vmul.f32 $8.000000000e+00, v31;
	[tilespmem:v35+s23+$0x0] =	vst.idx.msk $0xffff, v25;
	(pc) =	sbr.rel @p1 .LBB2_5-.Ltmp3, $4  }
0xc6: {  	v32 =	vadd.s32 v1, v37;
	v31 =	vmul.f32 $8.000000000e+00, v36;
	v28 =	vld [tilespmem:s18+$0xFFFFFFF0];
	[tilespmem:v39+s23+$0x0] =	vst.idx.msk $0xffff, v26  }
0xc7: {  	v25 =	vmov s11;
	v26 =	vadd.s32 v1, v42;
	[tilespmem:v30+s23+$0x0] =	vst.idx.msk $0xffff, v27;
	v27 =	vld [tilespmem:s18+$0x30];
	v39 =	vmul.f32 $8.000000000e+00, v40  }
0xc8: {  	s12 =	sadd.s32 $0x3, s11;
	v25 =	vand.u32 $0x7C, v25;
	v36 =	vmul.f32 $8.000000000e+00, v41;
	[tilespmem:v43+s23+$0x0] =	vst.idx.msk $0xffff, v31;
	v30 =	vld [tilespmem:s18+$0xFFFFFFB0];
	v31 =	vadd.s32 v3, v22;
	v22 =	vmovc v37;
	s18 =	smov.u32 s20;
	s20 =	sadd.s32 $0x100, s20  }
0xc9: {  	v38 =	vmov s12;
	v33 =	vadd.s32 v3, v23;
	v23 =	vmovc v42;
	s11 =	sadd.s32 $0x4, s11;
	v35 =	vld [tilespmem:s20+$0x40];
	v37 =	vmul.f32 $8.000000000e+00, v44;
	[tilespmem:v45+s23+$0x0] =	vst.idx.msk $0xffff, v39  }
0xca: {  	s11 =	sadd.s32 $0x1, s6;
	v38 =	vand.u32 $0x7F, v38;
	v44 =	vld [tilespmem:s20+$0xFFFFFF80]  }
0xcb: {  	s29 =	sadd.s32 $0x2, s6;
	v40 =	vld [tilespmem:s20+$0xFFFFFFC0];
	v39 =	vmov s11;
	v41 =	vadd.s32 v0, v38  }
0xcc: {  	v43 =	vld [tilespmem:s20+$0x0];
	v54 =	vadd.s32 v0, v25;
	v42 =	vmov s29;
	v39 =	vand.u32 $0x7D, v39  }
0xcd: {  	v42 =	vand.u32 $0x7E, v42;
	v45 =	vadd.s32 v0, v39  }
0xce: {  	[tilespmem:v34+s23+$0x0] =	vst.idx.msk $0xffff, v36;
	v46 =	vadd.s32 v0, v42;
	v35 =	vmul.f32 $8.000000000e+00, v35  }
0xcf: {  	[tilespmem:v32+s23+$0x0] =	vst.idx.msk $0xffff, v37;
	v57 =	vmul.f32 $8.000000000e+00, v44  }
0xd0: {  	v55 =	vmul.f32 $8.000000000e+00, v40;
	[tilespmem:v41+s23+$0x0] =	vst.idx.msk $0xffff, v35  }
0xd1: {  	v56 =	vmul.f32 $8.000000000e+00, v43;
	v58 =	vld [tilespmem:s20+$0x50];
	[tilespmem:v54+s23+$0x0] =	vst.idx.msk $0xffff, v57  }
0xd2: {  	v29 =	vmul.f32 $8.000000000e+00, v29;
	v24 =	vadd.s32 v3, v24;
	[tilespmem:v45+s23+$0x0] =	vst.idx.msk $0xffff, v55;
	v62 =	vld [tilespmem:s20+$0xFFFFFF90]  }
0xd3: {  	v28 =	vmul.f32 $8.000000000e+00, v28;
	v60 =	vadd.s32 v1, v38;
	[tilespmem:v46+s23+$0x0] =	vst.idx.msk $0xffff, v56;
	v59 =	vld [tilespmem:s20+$0xFFFFFFD0]  }
0xd4: {  	v47 =	vadd.s32 v1, v25;
	[tilespmem:v26+s23+$0x0] =	vst.idx.msk $0xffff, v29;
	v61 =	vmul.f32 $8.000000000e+00, v27;
	v35 =	vld [tilespmem:s20+$0x10]  }
0xd5: {  	v63 =	vadd.s32 v1, v39;
	v30 =	vmul.f32 $8.000000000e+00, v30;
	[tilespmem:v31+s23+$0x0] =	vst.idx.msk $0xffff, v28;
	v49 =	vld [tilespmem:s18+$0x20]  }
0xd6: {  	v51 =	vld [tilespmem:s18+$0xFFFFFFA0];
	[tilespmem:v33+s23+$0x0] =	vst.idx.msk $0xffff, v61;
	v45 =	vadd.s32 v1, v42;
	v32 =	vmul.f32 $8.000000000e+00, v58  }
0xd7: {  	v44 =	vld [tilespmem:s18+$0x60];
	[tilespmem:v24+s23+$0x0] =	vst.idx.msk $0xffff, v30;
	v54 =	vadd.s32 v2, v23;
	v27 =	vmul.f32 $8.000000000e+00, v62  }
0xd8: {  	v57 =	vadd.s32 v2, v20;
	v46 =	vld [tilespmem:s18+$0xFFFFFFE0];
	v50 =	vmul.f32 $8.000000000e+00, v59;
	[tilespmem:v60+s23+$0x0] =	vst.idx.msk $0xffff, v32  }
0xd9: {  	v48 =	vadd.s32 v2, v21;
	v53 =	vmul.f32 $8.000000000e+00, v35;
	v55 =	vld [tilespmem:s20+$0x60];
	[tilespmem:v47+s23+$0x0] =	vst.idx.msk $0xffff, v27  }
0xda: {  	v52 =	vadd.s32 v2, v22;
	v61 =	vmul.f32 $8.000000000e+00, v49;
	[tilespmem:v63+s23+$0x0] =	vst.idx.msk $0xffff, v50;
	v62 =	vld [tilespmem:s20+$0xFFFFFFA0]  }
0xdb: {  	v30 =	vmul.f32 $8.000000000e+00, v51;
	v59 =	vadd.s32 v2, v38;
	[tilespmem:v45+s23+$0x0] =	vst.idx.msk $0xffff, v53;
	v58 =	vld [tilespmem:s20+$0xFFFFFFE0]  }
0xdc: {  	v56 =	vmul.f32 $8.000000000e+00, v44;
	v44 =	vadd.s32 v2, v25;
	[tilespmem:v54+s23+$0x0] =	vst.idx.msk $0xffff, v61;
	v60 =	vld [tilespmem:s20+$0x20]  }
0xdd: {  	[tilespmem:v57+s23+$0x0] =	vst.idx.msk $0xffff, v30;
	v31 =	vmul.f32 $8.000000000e+00, v46;
	v46 =	vld [tilespmem:s18+$0x30];
	v63 =	vadd.s32 v2, v39  }
0xde: {  	v41 =	vadd.s32 v2, v42;
	[tilespmem:v48+s23+$0x0] =	vst.idx.msk $0xffff, v56;
	v30 =	vld [tilespmem:s18+$0xFFFFFFB0];
	v43 =	vmul.f32 $8.000000000e+00, v55  }
0xdf: {  	v49 =	vadd.s32 v3, v23;
	v40 =	vld [tilespmem:s18+$0x70];
	[tilespmem:v52+s23+$0x0] =	vst.idx.msk $0xffff, v31;
	v50 =	vmul.f32 $8.000000000e+00, v62  }
0xe0: {  	v20 =	vadd.s32 v3, v20;
	v37 =	vld [tilespmem:s18+$0xFFFFFFF0];
	v28 =	vmul.f32 $8.000000000e+00, v58;
	[tilespmem:v59+s23+$0x0] =	vst.idx.msk $0xffff, v43  }
0xe1: {  	v45 =	vadd.s32 v3, v21;
	v48 =	vmul.f32 $8.000000000e+00, v60;
	v26 =	vld [tilespmem:s20+$0x70];
	[tilespmem:v44+s23+$0x0] =	vst.idx.msk $0xffff, v50  }
0xe2: {  	v47 =	vadd.s32 v3, v22;
	v56 =	vmul.f32 $8.000000000e+00, v46;
	[tilespmem:v63+s23+$0x0] =	vst.idx.msk $0xffff, v28;
	v57 =	vld [tilespmem:s20+$0xFFFFFFB0]  }
0xe3: {  	v54 =	vadd.s32 v3, v38;
	v30 =	vmul.f32 $8.000000000e+00, v30;
	[tilespmem:v41+s23+$0x0] =	vst.idx.msk $0xffff, v48;
	v52 =	vld [tilespmem:s20+$0xFFFFFFF0]  }
0xe4: {  	v61 =	vadd.s32 v3, v25;
	v51 =	vmul.f32 $8.000000000e+00, v40;
	[tilespmem:v49+s23+$0x0] =	vst.idx.msk $0xffff, v56;
	v55 =	vld [tilespmem:s20+$0x30]  }
0xe5: {  	[tilespmem:v20+s23+$0x0] =	vst.idx.msk $0xffff, v30;
	v53 =	vmul.f32 $8.000000000e+00, v37;
	v58 =	vadd.s32 v3, v39  }
0xe6: {  	[tilespmem:v45+s23+$0x0] =	vst.idx.msk $0xffff, v51;
	v59 =	vadd.s32 v3, v42;
	v60 =	vmul.f32 $8.000000000e+00, v26  }
0xe7: {  	[tilespmem:v47+s23+$0x0] =	vst.idx.msk $0xffff, v53;
	v63 =	vmul.f32 $8.000000000e+00, v57  }
0xe8: {  	s11 =	sshll.u32 s19, $0x7;
	v20 =	vmul.f32 $8.000000000e+00, v52;
	[tilespmem:v54+s23+$0x0] =	vst.idx.msk $0xffff, v60  }
0xe9: {  	s12 =	sshll.u32 s19, $0xA;
	s6 =	sand.u32 $0xF80, s11;
	v62 =	vmul.f32 $8.000000000e+00, v55;
	[tilespmem:v61+s23+$0x0] =	vst.idx.msk $0xffff, v63  }
0xea: {  	s11 =	sand.u32 $0xFFF8000, s12;
	s6 =	sadd.s32 s2, s6;
	[tilespmem:v58+s23+$0x0] =	vst.idx.msk $0xffff, v20  }
0xeb: {  	s11 =	sadd.s32 s11, s6;
	s18 =	simm.s32 $0x10400;
	[tilespmem:v59+s23+$0x0] =	vst.idx.msk $0xffff, v62  }
0xec: {  	[hbm4b:s11+s3] =	stream.linear.scatter [tilespmem:s18], [sflag:$0x6], $0x80, $0x38;
	[tilespmem:$0x1AE00] =	vst v63  }
0xed: {  	s19 =	simm.s32 $0x10488;
	s12 =	sadd.s32 $0x10, s11  }
0xee: {  	[hbm4b:s12+s3] =	stream.linear.scatter [tilespmem:s19], [sflag:$0x6], $0x80, $0x38;
	[tilespmem:$0x1AE00] =	vst v63  }
0xef: {  	s6 =	simm.s32 $0x440;
	s29 =	sadd.s32 $0x20, s11;
	s20 =	simm.s32 $0x10510  }
0xf0: {  	[hbm4b:s29+s3] =	stream.linear.scatter [tilespmem:s20], [sflag:$0x6], $0x80, $0x38;
	[tilespmem:$0x1AE00] =	vst v63  }
0xf1: {  	s18 =	simm.s32 $0x10598;
	s19 =	sadd.s32 $0x30, s11;
	s12 =	simm.s32 $0x2200  }
0xf2: {  	[hbm4b:s19+s3] =	stream.linear.scatter [tilespmem:s18], [sflag:$0x6], $0x80, $0x38;
	[tilespmem:$0x1AE00] =	vst v63  }
0xf3: {  	s20 =	simm.s32 $0x10620;
	s29 =	sadd.s32 $0x40, s11;
	s18 =	simm.s32 $0x106A8  }
0xf4: {  	[hbm4b:s29+s3] =	stream.linear.scatter [tilespmem:s20], [sflag:$0x6], $0x80, $0x38;
	[tilespmem:$0x1AE00] =	vst v63  }
0xf5: {  	s19 =	sadd.s32 $0x50, s11;
	s20 =	simm.s32 $0x10730;
	s29 =	sadd.s32 $0x60, s11  }
0xf6: {  	[hbm4b:s19+s3] =	stream.linear.scatter [tilespmem:s18], [sflag:$0x6], $0x80, $0x38;
	[tilespmem:$0x1AE00] =	vst v63  }
0xf7: {  	s18 =	simm.s32 $0x107B8;
	s19 =	sadd.s32 $0x70, s11;
	s11 =	sadd.s32 $0x1000, s11  }
0xf8: {  	[hbm4b:s29+s3] =	stream.linear.scatter [tilespmem:s20], [sflag:$0x6], $0x80, $0x38;
	[tilespmem:$0x1AE00] =	vst v63  }
.LBB2_7:
0xf9: {  	[hbm4b:s19+s3] =	stream.linear.scatter [tilespmem:s18], [sflag:$0x6], $0x80, $0x38;
	[tilespmem:$0x1AE00] =	vst v63  }
0xfa: {  	s18 =	smov.u32 s6;
	s6 =	smov.u32 s12  }
0xfb: {  	s20 =	sadd.s32 $0x1100, s12;
	s6 =	sshra.s32 s6, $0x2;
	s19 =	sadd.s32 $0x10400, s18  }
0xfc: {  	[hbm4b:s11+s3] =	stream.linear.scatter [tilespmem:s19], [sflag:$0x6], $0x80, $0x38;
	[tilespmem:$0x1AE00] =	vst v63  }
0xfd: {  	p1 =	sne.s32 s12, $0x7700;
	s12 =	sadd.s32 $0x10488, s18;
	s19 =	sadd.s32 $0x10, s11  }
0xfe: {  	[hbm4b:s19+s3] =	stream.linear.scatter [tilespmem:s12], [sflag:$0x6], $0x80, $0x38;
	[tilespmem:$0x1AE00] =	vst v63  }
0xff: {  	s12 =	sadd.s32 $0x10510, s18;
	s19 =	sadd.s32 $0x20, s11  }
0x100: {  	[hbm4b:s19+s3] =	stream.linear.scatter [tilespmem:s12], [sflag:$0x6], $0x80, $0x38;
	[tilespmem:$0x1AE00] =	vst v63  }
0x101: {  	s12 =	sadd.s32 $0x10598, s18;
	s19 =	sadd.s32 $0x30, s11  }
0x102: {  	[hbm4b:s19+s3] =	stream.linear.scatter [tilespmem:s12], [sflag:$0x6], $0x80, $0x38;
	[tilespmem:$0x1AE00] =	vst v63  }
0x103: {  	s12 =	sadd.s32 $0x10620, s18;
	s19 =	sadd.s32 $0x40, s11  }
0x104: {  	[hbm4b:s19+s3] =	stream.linear.scatter [tilespmem:s12], [sflag:$0x6], $0x80, $0x38;
	[tilespmem:$0x1AE00] =	vst v63  }
.Ltmp4:
0x105: {  	s12 =	sadd.s32 $0x106A8, s18;
	s19 =	sadd.s32 $0x50, s11;
	(pc) =	sbr.rel @p1 .LBB2_7-.Ltmp4, $4  }
0x106: {  	[hbm4b:s19+s3] =	stream.linear.scatter [tilespmem:s12], [sflag:$0x6], $0x80, $0x38;
	[tilespmem:$0x1AE00] =	vst v63  }
0x107: {  	s12 =	sadd.s32 $0x10730, s18;
	s19 =	sadd.s32 $0x60, s11;
	s18 =	sadd.s32 $0x107B8, s18  }
0x108: {  	[hbm4b:s19+s3] =	stream.linear.scatter [tilespmem:s12], [sflag:$0x6], $0x80, $0x38;
	[tilespmem:$0x1AE00] =	vst v63  }
0x109: {  	s19 =	sadd.s32 $0x70, s11;
	s11 =	sadd.s32 $0x1000, s11;
	s12 =	smov.u32 s20  }
0x10a: {  	[hbm4b:s19+s3] =	stream.linear.scatter [tilespmem:s18], [sflag:$0x6], $0x80, $0x38;
	[tilespmem:$0x1AE00] =	vst v63  }
0x10b: {  	s12 =	sadd.s32 $0x10400, s6  }
0x10c: {  	[hbm4b:s11+s3] =	stream.linear.scatter [tilespmem:s12], [sflag:$0x6], $0x80, $0x38;
	[tilespmem:$0x1AE00] =	vst v63  }
0x10d: {  	s20 =	sadd.s32 $0x10488, s6;
	s29 =	sadd.s32 $0x10, s11  }
0x10e: {  	[hbm4b:s29+s3] =	stream.linear.scatter [tilespmem:s20], [sflag:$0x6], $0x80, $0x38;
	[tilespmem:$0x1AE00] =	vst v63  }
0x10f: {  	s18 =	sadd.s32 $0x10510, s6;
	s19 =	sadd.s32 $0x20, s11  }
0x110: {  	[hbm4b:s19+s3] =	stream.linear.scatter [tilespmem:s18], [sflag:$0x6], $0x80, $0x38;
	[tilespmem:$0x1AE00] =	vst v63  }
0x111: {  	s20 =	sadd.s32 $0x10598, s6;
	s29 =	sadd.s32 $0x30, s11  }
0x112: {  	[hbm4b:s29+s3] =	stream.linear.scatter [tilespmem:s20], [sflag:$0x6], $0x80, $0x38;
	[tilespmem:$0x1AE00] =	vst v63  }
0x113: {  	s18 =	sadd.s32 $0x10620, s6;
	s19 =	sadd.s32 $0x40, s11  }
0x114: {  	[hbm4b:s19+s3] =	stream.linear.scatter [tilespmem:s18], [sflag:$0x6], $0x80, $0x38;
	[tilespmem:$0x1AE00] =	vst v63  }
0x115: {  	p1 =	seq.s32 s16, $0x27;
	s20 =	sadd.s32 $0x106A8, s6;
	s29 =	sadd.s32 $0x50, s11  }
0x116: {  	[hbm4b:s29+s3] =	stream.linear.scatter [tilespmem:s20], [sflag:$0x6], $0x80, $0x38;
	[tilespmem:$0x1AE00] =	vst v63  }
0x117: {  	s12 =	smul.u32 @!p1 $0xA00, s16;
	s18 =	sadd.s32 $0x10730, s6;
	s19 =	sadd.s32 $0x60, s11  }
0x118: {  	[hbm4b:s19+s3] =	stream.linear.scatter [tilespmem:s18], [sflag:$0x6], $0x80, $0x38;
	[tilespmem:$0x1AE00] =	vst v63  }
0x119: {  	s20 =	sadd.s32 $0x107B8, s6;
	s29 =	sadd.s32 $0x70, s11;
	s18 =	sshra.s32 @!p1 s12, $0x2  }
0x11a: {  	[hbm4b:s29+s3] =	stream.linear.scatter [tilespmem:s20], [sflag:$0x6], $0x80, $0x38;
	[tilespmem:$0x1AE00] =	vst v63  }
0x11b: {  	s11 =	simm.s32 @!p1 $0x80;
	s12 =	simm.s32 @!p1 $0x6400;
	s6 =	sadd.s32 @!p1 $0x280, s18  }
0x11c: {  	[tilespmem:s12], [sflag:$0x1] =	stream.indirect.gather @!p1 [hbm4b:s5+s11], $0x40, s6, s11, $0xb8;
	[tilespmem:$0x1AE00] =	vst v63  }
0x11d: {  	_ =	swait.ge [sflag:s24], $0x2000  }
0x11e: {  	[sflag:s24] =	ssyncset.done $0x0  }
0x11f: {  	s6 =	simm.s32 @!p0 $0x7;
	[sflag:s24] =	ssyncadd.s32 $0xFFFFE000  }
0x120: {  	_ =	swait.ge @!p0 [sflag:s6], $0x2000  }
0x121: {  	[sflag:s6] =	ssyncset.done @!p0 $0x0  }
0x122: {  	s20 =	simm.s32 $0x84F0;
	s11 =	simm.s32 $0x3;
	[sflag:s6] =	ssyncadd.s32 @!p0 $0xFFFFE000  }
0x123: {  	v20 =	vmov s11;
	v21 =	vld [tilespmem:s20+$0xFFFFFFD0]  }
0x124: {  	v25 =	vand.u32 $0x7F, v20  }
0x125: {  	s12 =	simm.s32 $0x0;
	v20 =	vadd.s32 v4, v25  }
0x126: {  	s19 =	simm.s32 $0x1;
	s29 =	simm.s32 $0x2;
	v22 =	vmov s12;
	v23 =	vld [tilespmem:s20+$0xFFFFFF10]  }
0x127: {  	v27 =	vmov s29;
	v24 =	vand.u32 $0x7C, v22;
	v22 =	vmov s19;
	v26 =	vld [tilespmem:s20+$0xFFFFFF50]  }
0x128: {  	v28 =	vadd.s32 v4, v24;
	v31 =	vand.u32 $0x7D, v22;
	v22 =	vld [tilespmem:s20+$0xFFFFFF90];
	v21 =	vmul.f32 $8.000000000e+00, v21  }
0x129: {  	v33 =	vand.u32 $0x7E, v27;
	v29 =	vadd.s32 v4, v31  }
0x12a: {  	v27 =	vadd.s32 v4, v33;
	[tilespmem:v20+s23+$0x0] =	vst.idx.msk $0xffff, v21  }
0x12b: {  	v20 =	vmul.f32 $8.000000000e+00, v23;
	v21 =	vld [tilespmem:s20+$0xFFFFFFE0]  }
0x12c: {  	v23 =	vmul.f32 $8.000000000e+00, v26  }
0x12d: {  	[tilespmem:v28+s23+$0x0] =	vst.idx.msk $0xffff, v20;
	v20 =	vmul.f32 $8.000000000e+00, v22;
	v22 =	vadd.s32 v5, v25  }
0x12e: {  	[tilespmem:v29+s23+$0x0] =	vst.idx.msk $0xffff, v23;
	v26 =	vld [tilespmem:s20+$0xFFFFFF20]  }
0x12f: {  	v23 =	vld [tilespmem:s20+$0xFFFFFF60];
	[tilespmem:v27+s23+$0x0] =	vst.idx.msk $0xffff, v20  }
0x130: {  	v27 =	vld [tilespmem:s20+$0xFFFFFFA0];
	v20 =	vmul.f32 $8.000000000e+00, v21  }
0x131: {  	s29 =	simm.s32 $0x7;
	s12 =	simm.s32 $0x4;
	s19 =	simm.s32 $0x85F0;
	v28 =	vadd.s32 v5, v31  }
0x132: {  	v30 =	vld [tilespmem:s19+$0xFFFFFFD0];
	v29 =	vadd.s32 v5, v33;
	v21 =	vmov s12;
	[tilespmem:v22+s23+$0x0] =	vst.idx.msk $0xffff, v20;
	v22 =	vmov s29  }
0x133: {  	v32 =	vadd.s32 v5, v24;
	v20 =	vand.u32 $0x7C, v21;
	v21 =	vand.u32 $0x7F, v22;
	v34 =	vld [tilespmem:s20+$0xFFFFFFF0]  }
0x134: {  	s11 =	simm.s32 $0x5;
	v38 =	vadd.s32 v6, v25;
	v35 =	vld [tilespmem:s19+$0xFFFFFF10];
	v22 =	vmul.f32 $8.000000000e+00, v23;
	v36 =	vadd.s32 v4, v21  }
0x135: {  	v37 =	vld [tilespmem:s19+$0xFFFFFF50];
	s12 =	simm.s32 $0x6;
	v26 =	vmul.f32 $8.000000000e+00, v26;
	v23 =	vmul.f32 $8.000000000e+00, v27;
	v27 =	vmov s11  }
0x136: {  	v39 =	vadd.s32 v4, v20;
	[tilespmem:v28+s23+$0x0] =	vst.idx.msk $0xffff, v22;
	v28 =	vmov s12;
	v22 =	vand.u32 $0x7D, v27;
	v27 =	vld [tilespmem:s19+$0xFFFFFF90]  }
0x137: {  	[tilespmem:v29+s23+$0x0] =	vst.idx.msk $0xffff, v23;
	v29 =	vadd.s32 v4, v22;
	v23 =	vand.u32 $0x7E, v28;
	v28 =	vmul.f32 $8.000000000e+00, v30;
	v30 =	vld [tilespmem:s20+$0xFFFFFF70]  }
0x138: {  	[tilespmem:v32+s23+$0x0] =	vst.idx.msk $0xffff, v26;
	v26 =	vadd.s32 v4, v23;
	v58 =	vld [tilespmem:s20+$0xFFFFFFB0];
	v34 =	vmul.f32 $8.000000000e+00, v34  }
0x139: {  	v59 =	vadd.s32 v6, v31;
	v35 =	vmul.f32 $8.000000000e+00, v35;
	[tilespmem:v36+s23+$0x0] =	vst.idx.msk $0xffff, v28;
	v28 =	vld [tilespmem:s20+$0xFFFFFF30]  }
0x13a: {  	v41 =	vadd.s32 v6, v33;
	v37 =	vmul.f32 $8.000000000e+00, v37;
	v40 =	vld [tilespmem:s19+$0xFFFFFFE0];
	[tilespmem:v38+s23+$0x0] =	vst.idx.msk $0xffff, v34  }
0x13b: {  	v60 =	vadd.s32 v6, v24;
	[tilespmem:v39+s23+$0x0] =	vst.idx.msk $0xffff, v35;
	v27 =	vmul.f32 $8.000000000e+00, v27;
	v38 =	vld [tilespmem:s20+$0x0]  }
0x13c: {  	v61 =	vadd.s32 v5, v21;
	v39 =	vld [tilespmem:s19+$0xFFFFFF20];
	[tilespmem:v29+s23+$0x0] =	vst.idx.msk $0xffff, v37;
	v30 =	vmul.f32 $8.000000000e+00, v30  }
0x13d: {  	v43 =	vadd.s32 v7, v25;
	v42 =	vld [tilespmem:s19+$0xFFFFFF60];
	[tilespmem:v26+s23+$0x0] =	vst.idx.msk $0xffff, v27;
	v26 =	vmul.f32 $8.000000000e+00, v58  }
0x13e: {  	v34 =	vadd.s32 v5, v20;
	v29 =	vld [tilespmem:s19+$0xFFFFFFA0];
	[tilespmem:v59+s23+$0x0] =	vst.idx.msk $0xffff, v30;
	v25 =	vmul.f32 $8.000000000e+00, v28  }
0x13f: {  	v32 =	vadd.s32 v5, v22;
	v28 =	vld [tilespmem:s20+$0xFFFFFF80];
	[tilespmem:v41+s23+$0x0] =	vst.idx.msk $0xffff, v26;
	v30 =	vmul.f32 $8.000000000e+00, v40  }
0x140: {  	v31 =	vadd.s32 v7, v31;
	s11 =	simm.s32 $0x8;
	v26 =	vadd.s32 v5, v23;
	v27 =	vld [tilespmem:s20+$0xFFFFFFC0];
	[tilespmem:v60+s23+$0x0] =	vst.idx.msk $0xffff, v25;
	v63 =	vmul.f32 $8.000000000e+00, v38  }
0x141: {  	s6 =	simm.s32 $0x86F0;
	v33 =	vadd.s32 v7, v33;
	s29 =	simm.s32 $0xB;
	v62 =	vmov s11;
	v36 =	vmul.f32 $8.000000000e+00, v39;
	[tilespmem:v61+s23+$0x0] =	vst.idx.msk $0xffff, v30;
	v30 =	vld [tilespmem:s20+$0xFFFFFF40]  }
0x142: {  	s12 =	simm.s32 $0xC;
	v35 =	vld [tilespmem:s6+$0xFFFFFFD0];
	v25 =	vand.u32 $0x7C, v62;
	v38 =	vmov s29;
	s20 =	sadd.s32 s17, s7;
	v37 =	vmul.f32 $8.000000000e+00, v42;
	[tilespmem:v43+s23+$0x0] =	vst.idx.msk $0xffff, v63  }
.LBB2_9:
0x143: {  	p2 =	slt.u32 s12, $0x7C;
	s29 =	sadd.s32 $0x1, s11;
	v38 =	vand.u32 $0x7F, v38;
	[tilespmem:v34+s23+$0x0] =	vst.idx.msk $0xffff, v36;
	v29 =	vmul.f32 $8.000000000e+00, v29;
	v34 =	vld [tilespmem:s19+$0xFFFFFFF0];
	v36 =	vadd.s32 v7, v24;
	v24 =	vmovc v20  }
0x144: {  	v20 =	vmovc v25;
	v39 =	vld [tilespmem:s6+$0xFFFFFF10];
	v40 =	vmov s29;
	s29 =	sadd.s32 $0x2, s11;
	v41 =	vadd.s32 v4, v38;
	[tilespmem:v32+s23+$0x0] =	vst.idx.msk $0xffff, v37;
	v28 =	vmul.f32 $8.000000000e+00, v28;
	s11 =	smov.u32 s12  }
0x145: {  	v25 =	vld [tilespmem:s6+$0xFFFFFF50];
	v32 =	vmov s29;
	[tilespmem:v26+s23+$0x0] =	vst.idx.msk $0xffff, v29;
	v26 =	vadd.s32 v6, v21;
	v27 =	vmul.f32 $8.000000000e+00, v27  }
0x146: {  	v29 =	vadd.s32 v4, v20;
	v37 =	vand.u32 $0x7D, v40;
	v40 =	vld [tilespmem:s6+$0xFFFFFF90];
	v30 =	vmul.f32 $8.000000000e+00, v30;
	[tilespmem:v31+s23+$0x0] =	vst.idx.msk $0xffff, v28  }
0x147: {  	v28 =	vadd.s32 v4, v37;
	v42 =	vand.u32 $0x7E, v32;
	v31 =	vmul.f32 $8.000000000e+00, v35;
	v32 =	vld [tilespmem:s19+$0xFFFFFF70];
	[tilespmem:v33+s23+$0x0] =	vst.idx.msk $0xffff, v27  }
0x148: {  	v27 =	vadd.s32 v4, v42;
	v33 =	vld [tilespmem:s19+$0xFFFFFFB0];
	v34 =	vmul.f32 $8.000000000e+00, v34;
	[tilespmem:v36+s23+$0x0] =	vst.idx.msk $0xffff, v30  }
0x149: {  	v35 =	vadd.s32 v6, v22;
	v30 =	vmul.f32 $8.000000000e+00, v39;
	[tilespmem:v41+s23+$0x0] =	vst.idx.msk $0xffff, v31;
	v31 =	vld [tilespmem:s19+$0xFFFFFF30]  }
0x14a: {  	v39 =	vadd.s32 v6, v23;
	v25 =	vmul.f32 $8.000000000e+00, v25;
	v36 =	vld [tilespmem:s6+$0xFFFFFFE0];
	[tilespmem:v26+s23+$0x0] =	vst.idx.msk $0xffff, v34  }
0x14b: {  	[tilespmem:v29+s23+$0x0] =	vst.idx.msk $0xffff, v30;
	v26 =	vmul.f32 $8.000000000e+00, v40;
	v30 =	vadd.s32 v6, v24;
	v40 =	vld [tilespmem:s19+$0x0]  }
0x14c: {  	v43 =	vadd.s32 v5, v38;
	v41 =	vld [tilespmem:s6+$0xFFFFFF20];
	[tilespmem:v28+s23+$0x0] =	vst.idx.msk $0xffff, v25;
	v25 =	vmul.f32 $8.000000000e+00, v32  }
0x14d: {  	v45 =	vadd.s32 v7, v21;
	v21 =	vmov v38;
	v44 =	vld [tilespmem:s6+$0xFFFFFF60];
	[tilespmem:v27+s23+$0x0] =	vst.idx.msk $0xffff, v26;
	v26 =	vmul.f32 $8.000000000e+00, v33  }
.Ltmp5:
0x14e: {  	v34 =	vadd.s32 v5, v20;
	v29 =	vld [tilespmem:s6+$0xFFFFFFA0];
	v27 =	vmul.f32 $8.000000000e+00, v31;
	[tilespmem:v35+s23+$0x0] =	vst.idx.msk $0xffff, v25;
	(pc) =	sbr.rel @p2 .LBB2_9-.Ltmp5, $4  }
0x14f: {  	v32 =	vadd.s32 v5, v37;
	v31 =	vmul.f32 $8.000000000e+00, v36;
	v28 =	vld [tilespmem:s19+$0xFFFFFF80];
	[tilespmem:v39+s23+$0x0] =	vst.idx.msk $0xffff, v26  }
0x150: {  	v25 =	vmov s12;
	v26 =	vadd.s32 v5, v42;
	[tilespmem:v30+s23+$0x0] =	vst.idx.msk $0xffff, v27;
	v27 =	vld [tilespmem:s19+$0xFFFFFFC0];
	v39 =	vmul.f32 $8.000000000e+00, v40  }
0x151: {  	s29 =	sadd.s32 $0x3, s12;
	v25 =	vand.u32 $0x7C, v25;
	v36 =	vmul.f32 $8.000000000e+00, v41;
	[tilespmem:v43+s23+$0x0] =	vst.idx.msk $0xffff, v31;
	v30 =	vld [tilespmem:s19+$0xFFFFFF40];
	v31 =	vadd.s32 v7, v22;
	v22 =	vmovc v37;
	s19 =	smov.u32 s6;
	s6 =	sadd.s32 $0x100, s6  }
0x152: {  	v38 =	vmov s29;
	v33 =	vadd.s32 v7, v23;
	v23 =	vmovc v42;
	s12 =	sadd.s32 $0x4, s12;
	v35 =	vld [tilespmem:s6+$0xFFFFFFD0];
	v37 =	vmul.f32 $8.000000000e+00, v44;
	[tilespmem:v45+s23+$0x0] =	vst.idx.msk $0xffff, v39  }
0x153: {  	s12 =	sadd.s32 $0x1, s11;
	v38 =	vand.u32 $0x7F, v38;
	v44 =	vld [tilespmem:s6+$0xFFFFFF10]  }
0x154: {  	v40 =	vld [tilespmem:s6+$0xFFFFFF50];
	v39 =	vmov s12;
	s12 =	sadd.s32 $0x2, s11;
	v41 =	vadd.s32 v4, v38  }
0x155: {  	v43 =	vld [tilespmem:s6+$0xFFFFFF90];
	v54 =	vadd.s32 v4, v25;
	v42 =	vmov s12;
	v39 =	vand.u32 $0x7D, v39  }
0x156: {  	v45 =	vadd.s32 v4, v39;
	v42 =	vand.u32 $0x7E, v42  }
0x157: {  	[tilespmem:v34+s23+$0x0] =	vst.idx.msk $0xffff, v36;
	v46 =	vadd.s32 v4, v42;
	v35 =	vmul.f32 $8.000000000e+00, v35  }
0x158: {  	[tilespmem:v32+s23+$0x0] =	vst.idx.msk $0xffff, v37;
	v57 =	vmul.f32 $8.000000000e+00, v44  }
0x159: {  	v55 =	vmul.f32 $8.000000000e+00, v40;
	[tilespmem:v41+s23+$0x0] =	vst.idx.msk $0xffff, v35  }
0x15a: {  	v56 =	vmul.f32 $8.000000000e+00, v43;
	v58 =	vld [tilespmem:s6+$0xFFFFFFE0];
	[tilespmem:v54+s23+$0x0] =	vst.idx.msk $0xffff, v57  }
0x15b: {  	v29 =	vmul.f32 $8.000000000e+00, v29;
	v24 =	vadd.s32 v7, v24;
	[tilespmem:v45+s23+$0x0] =	vst.idx.msk $0xffff, v55;
	v62 =	vld [tilespmem:s6+$0xFFFFFF20]  }
0x15c: {  	v28 =	vmul.f32 $8.000000000e+00, v28;
	v60 =	vadd.s32 v5, v38;
	v59 =	vld [tilespmem:s6+$0xFFFFFF60];
	[tilespmem:v46+s23+$0x0] =	vst.idx.msk $0xffff, v56  }
0x15d: {  	v47 =	vadd.s32 v5, v25;
	[tilespmem:v26+s23+$0x0] =	vst.idx.msk $0xffff, v29;
	v61 =	vmul.f32 $8.000000000e+00, v27;
	v35 =	vld [tilespmem:s6+$0xFFFFFFA0]  }
0x15e: {  	v51 =	vld [tilespmem:s19+$0xFFFFFF30];
	v63 =	vadd.s32 v5, v39;
	v30 =	vmul.f32 $8.000000000e+00, v30;
	[tilespmem:v31+s23+$0x0] =	vst.idx.msk $0xffff, v28  }
0x15f: {  	v49 =	vld [tilespmem:s19+$0xFFFFFFB0];
	[tilespmem:v33+s23+$0x0] =	vst.idx.msk $0xffff, v61;
	v45 =	vadd.s32 v5, v42;
	v32 =	vmul.f32 $8.000000000e+00, v58  }
0x160: {  	v44 =	vld [tilespmem:s19+$0xFFFFFFF0];
	[tilespmem:v24+s23+$0x0] =	vst.idx.msk $0xffff, v30;
	v57 =	vadd.s32 v6, v20;
	v27 =	vmul.f32 $8.000000000e+00, v62  }
0x161: {  	v54 =	vadd.s32 v6, v23;
	v46 =	vld [tilespmem:s19+$0xFFFFFF70];
	v50 =	vmul.f32 $8.000000000e+00, v59;
	[tilespmem:v60+s23+$0x0] =	vst.idx.msk $0xffff, v32  }
0x162: {  	v48 =	vadd.s32 v6, v21;
	v53 =	vmul.f32 $8.000000000e+00, v35;
	v55 =	vld [tilespmem:s6+$0xFFFFFFF0];
	[tilespmem:v47+s23+$0x0] =	vst.idx.msk $0xffff, v27  }
0x163: {  	v52 =	vadd.s32 v6, v22;
	v30 =	vmul.f32 $8.000000000e+00, v51;
	[tilespmem:v63+s23+$0x0] =	vst.idx.msk $0xffff, v50;
	v62 =	vld [tilespmem:s6+$0xFFFFFF30]  }
0x164: {  	v61 =	vmul.f32 $8.000000000e+00, v49;
	v59 =	vadd.s32 v6, v38;
	[tilespmem:v45+s23+$0x0] =	vst.idx.msk $0xffff, v53;
	v58 =	vld [tilespmem:s6+$0xFFFFFF70]  }
0x165: {  	v56 =	vmul.f32 $8.000000000e+00, v44;
	v44 =	vadd.s32 v6, v25;
	[tilespmem:v57+s23+$0x0] =	vst.idx.msk $0xffff, v30;
	v60 =	vld [tilespmem:s6+$0xFFFFFFB0]  }
0x166: {  	[tilespmem:v54+s23+$0x0] =	vst.idx.msk $0xffff, v61;
	v30 =	vld [tilespmem:s19+$0xFFFFFF40];
	v31 =	vmul.f32 $8.000000000e+00, v46;
	v63 =	vadd.s32 v6, v39  }
0x167: {  	v41 =	vadd.s32 v6, v42;
	[tilespmem:v48+s23+$0x0] =	vst.idx.msk $0xffff, v56;
	v46 =	vld [tilespmem:s19+$0xFFFFFFC0];
	v43 =	vmul.f32 $8.000000000e+00, v55  }
0x168: {  	v20 =	vadd.s32 v7, v20;
	v40 =	vld [tilespmem:s19+$0x0];
	[tilespmem:v52+s23+$0x0] =	vst.idx.msk $0xffff, v31;
	v50 =	vmul.f32 $8.000000000e+00, v62  }
0x169: {  	v49 =	vadd.s32 v7, v23;
	v37 =	vld [tilespmem:s19+$0xFFFFFF80];
	v28 =	vmul.f32 $8.000000000e+00, v58;
	[tilespmem:v59+s23+$0x0] =	vst.idx.msk $0xffff, v43  }
0x16a: {  	v45 =	vadd.s32 v7, v21;
	v48 =	vmul.f32 $8.000000000e+00, v60;
	v26 =	vld [tilespmem:s6+$0x0];
	[tilespmem:v44+s23+$0x0] =	vst.idx.msk $0xffff, v50  }
0x16b: {  	v47 =	vadd.s32 v7, v22;
	v30 =	vmul.f32 $8.000000000e+00, v30;
	[tilespmem:v63+s23+$0x0] =	vst.idx.msk $0xffff, v28;
	v57 =	vld [tilespmem:s6+$0xFFFFFF40]  }
0x16c: {  	v54 =	vadd.s32 v7, v38;
	v56 =	vmul.f32 $8.000000000e+00, v46;
	v52 =	vld [tilespmem:s6+$0xFFFFFF80];
	[tilespmem:v41+s23+$0x0] =	vst.idx.msk $0xffff, v48  }
0x16d: {  	v61 =	vadd.s32 v7, v25;
	v51 =	vmul.f32 $8.000000000e+00, v40;
	[tilespmem:v20+s23+$0x0] =	vst.idx.msk $0xffff, v30;
	v55 =	vld [tilespmem:s6+$0xFFFFFFC0]  }
0x16e: {  	[tilespmem:v49+s23+$0x0] =	vst.idx.msk $0xffff, v56;
	v53 =	vmul.f32 $8.000000000e+00, v37;
	v58 =	vadd.s32 v7, v39  }
0x16f: {  	[tilespmem:v45+s23+$0x0] =	vst.idx.msk $0xffff, v51;
	v59 =	vadd.s32 v7, v42;
	v60 =	vmul.f32 $8.000000000e+00, v26  }
0x170: {  	[tilespmem:v47+s23+$0x0] =	vst.idx.msk $0xffff, v53;
	v63 =	vmul.f32 $8.000000000e+00, v57  }
0x171: {  	s19 =	sshll.u32 s20, $0x7;
	v20 =	vmul.f32 $8.000000000e+00, v52;
	[tilespmem:v54+s23+$0x0] =	vst.idx.msk $0xffff, v60  }
0x172: {  	s20 =	sshll.u32 s20, $0xA;
	s6 =	sand.u32 $0xF80, s19;
	v62 =	vmul.f32 $8.000000000e+00, v55;
	[tilespmem:v61+s23+$0x0] =	vst.idx.msk $0xffff, v63  }
0x173: {  	s11 =	sand.u32 $0xFFF8000, s20;
	s6 =	sadd.s32 s2, s6;
	[tilespmem:v58+s23+$0x0] =	vst.idx.msk $0xffff, v20  }
0x174: {  	s29 =	simm.s32 $0x12600;
	s11 =	sadd.s32 s11, s6;
	[tilespmem:v59+s23+$0x0] =	vst.idx.msk $0xffff, v62  }
0x175: {  	[hbm4b:s11+s3] =	stream.linear.scatter [tilespmem:s29], [sflag:$0x7], $0x80, $0x38;
	[tilespmem:$0x1AE00] =	vst v63  }
0x176: {  	s12 =	simm.s32 $0x12688;
	s19 =	sadd.s32 $0x10, s11  }
0x177: {  	[hbm4b:s19+s3] =	stream.linear.scatter [tilespmem:s12], [sflag:$0x7], $0x80, $0x38;
	[tilespmem:$0x1AE00] =	vst v63  }
0x178: {  	s20 =	simm.s32 $0x12710;
	s29 =	sadd.s32 $0x20, s11  }
0x179: {  	[hbm4b:s29+s3] =	stream.linear.scatter [tilespmem:s20], [sflag:$0x7], $0x80, $0x38;
	[tilespmem:$0x1AE00] =	vst v63  }
0x17a: {  	s12 =	simm.s32 $0x12798;
	s19 =	sadd.s32 $0x30, s11  }
0x17b: {  	[hbm4b:s19+s3] =	stream.linear.scatter [tilespmem:s12], [sflag:$0x7], $0x80, $0x38;
	[tilespmem:$0x1AE00] =	vst v63  }
0x17c: {  	s20 =	simm.s32 $0x12820;
	s29 =	sadd.s32 $0x40, s11  }
0x17d: {  	[hbm4b:s29+s3] =	stream.linear.scatter [tilespmem:s20], [sflag:$0x7], $0x80, $0x38;
	[tilespmem:$0x1AE00] =	vst v63  }
0x17e: {  	s6 =	simm.s32 $0x440;
	s12 =	simm.s32 $0x128A8;
	s19 =	sadd.s32 $0x50, s11  }
0x17f: {  	[hbm4b:s19+s3] =	stream.linear.scatter [tilespmem:s12], [sflag:$0x7], $0x80, $0x38;
	[tilespmem:$0x1AE00] =	vst v63  }
0x180: {  	s20 =	simm.s32 $0x12930;
	s29 =	sadd.s32 $0x60, s11;
	s12 =	simm.s32 $0x2200  }
0x181: {  	[hbm4b:s29+s3] =	stream.linear.scatter [tilespmem:s20], [sflag:$0x7], $0x80, $0x38;
	[tilespmem:$0x1AE00] =	vst v63  }
0x182: {  	s19 =	simm.s32 $0x129B8;
	s20 =	sadd.s32 $0x70, s11;
	s11 =	sadd.s32 $0x1000, s11  }
.LBB2_11:
0x183: {  	[hbm4b:s20+s3] =	stream.linear.scatter [tilespmem:s19], [sflag:$0x7], $0x80, $0x38;
	[tilespmem:$0x1AE00] =	vst v63  }
0x184: {  	s19 =	smov.u32 s6;
	s6 =	smov.u32 s12  }
0x185: {  	s29 =	sadd.s32 $0x1100, s12;
	s6 =	sshra.s32 s6, $0x2;
	s20 =	sadd.s32 $0x12600, s19  }
0x186: {  	[hbm4b:s11+s3] =	stream.linear.scatter [tilespmem:s20], [sflag:$0x7], $0x80, $0x38;
	[tilespmem:$0x1AE00] =	vst v63  }
0x187: {  	p2 =	sne.s32 s12, $0x7700;
	s12 =	sadd.s32 $0x12688, s19;
	s20 =	sadd.s32 $0x10, s11  }
0x188: {  	[hbm4b:s20+s3] =	stream.linear.scatter [tilespmem:s12], [sflag:$0x7], $0x80, $0x38;
	[tilespmem:$0x1AE00] =	vst v63  }
0x189: {  	s12 =	sadd.s32 $0x12710, s19;
	s20 =	sadd.s32 $0x20, s11  }
0x18a: {  	[hbm4b:s20+s3] =	stream.linear.scatter [tilespmem:s12], [sflag:$0x7], $0x80, $0x38;
	[tilespmem:$0x1AE00] =	vst v63  }
0x18b: {  	s12 =	sadd.s32 $0x12798, s19;
	s20 =	sadd.s32 $0x30, s11  }
0x18c: {  	[hbm4b:s20+s3] =	stream.linear.scatter [tilespmem:s12], [sflag:$0x7], $0x80, $0x38;
	[tilespmem:$0x1AE00] =	vst v63  }
0x18d: {  	s12 =	sadd.s32 $0x12820, s19;
	s20 =	sadd.s32 $0x40, s11  }
0x18e: {  	[hbm4b:s20+s3] =	stream.linear.scatter [tilespmem:s12], [sflag:$0x7], $0x80, $0x38;
	[tilespmem:$0x1AE00] =	vst v63  }
.Ltmp6:
0x18f: {  	s12 =	sadd.s32 $0x128A8, s19;
	s20 =	sadd.s32 $0x50, s11;
	(pc) =	sbr.rel @p2 .LBB2_11-.Ltmp6, $4  }
0x190: {  	[hbm4b:s20+s3] =	stream.linear.scatter [tilespmem:s12], [sflag:$0x7], $0x80, $0x38;
	[tilespmem:$0x1AE00] =	vst v63  }
0x191: {  	s12 =	sadd.s32 $0x12930, s19;
	s20 =	sadd.s32 $0x60, s11;
	s19 =	sadd.s32 $0x129B8, s19  }
0x192: {  	[hbm4b:s20+s3] =	stream.linear.scatter [tilespmem:s12], [sflag:$0x7], $0x80, $0x38;
	[tilespmem:$0x1AE00] =	vst v63  }
0x193: {  	s20 =	sadd.s32 $0x70, s11;
	s11 =	sadd.s32 $0x1000, s11;
	s12 =	smov.u32 s29  }
0x194: {  	[hbm4b:s20+s3] =	stream.linear.scatter [tilespmem:s19], [sflag:$0x7], $0x80, $0x38;
	[tilespmem:$0x1AE00] =	vst v63  }
0x195: {  	s12 =	sadd.s32 $0x12600, s6  }
0x196: {  	[hbm4b:s11+s3] =	stream.linear.scatter [tilespmem:s12], [sflag:$0x7], $0x80, $0x38;
	[tilespmem:$0x1AE00] =	vst v63  }
0x197: {  	s20 =	sadd.s32 $0x12688, s6;
	s29 =	sadd.s32 $0x10, s11  }
0x198: {  	[hbm4b:s29+s3] =	stream.linear.scatter [tilespmem:s20], [sflag:$0x7], $0x80, $0x38;
	[tilespmem:$0x1AE00] =	vst v63  }
0x199: {  	s20 =	sadd.s32 $0x12710, s6;
	s29 =	sadd.s32 $0x20, s11  }
0x19a: {  	[hbm4b:s29+s3] =	stream.linear.scatter [tilespmem:s20], [sflag:$0x7], $0x80, $0x38;
	[tilespmem:$0x1AE00] =	vst v63  }
0x19b: {  	s20 =	sadd.s32 $0x12798, s6;
	s29 =	sadd.s32 $0x30, s11  }
0x19c: {  	[hbm4b:s29+s3] =	stream.linear.scatter [tilespmem:s20], [sflag:$0x7], $0x80, $0x38;
	[tilespmem:$0x1AE00] =	vst v63  }
0x19d: {  	s20 =	sadd.s32 $0x12820, s6;
	s29 =	sadd.s32 $0x40, s11  }
0x19e: {  	[hbm4b:s29+s3] =	stream.linear.scatter [tilespmem:s20], [sflag:$0x7], $0x80, $0x38;
	[tilespmem:$0x1AE00] =	vst v63  }
0x19f: {  	s20 =	sadd.s32 $0x128A8, s6;
	s29 =	sadd.s32 $0x50, s11  }
0x1a0: {  	[hbm4b:s29+s3] =	stream.linear.scatter [tilespmem:s20], [sflag:$0x7], $0x80, $0x38;
	[tilespmem:$0x1AE00] =	vst v63  }
0x1a1: {  	s20 =	sadd.s32 $0x12930, s6;
	s29 =	sadd.s32 $0x60, s11  }
0x1a2: {  	[hbm4b:s29+s3] =	stream.linear.scatter [tilespmem:s20], [sflag:$0x7], $0x80, $0x38;
	[tilespmem:$0x1AE00] =	vst v63  }
0x1a3: {  	s20 =	sadd.s32 $0x129B8, s6;
	s29 =	sadd.s32 $0x70, s11  }
0x1a4: {  	[hbm4b:s29+s3] =	stream.linear.scatter [tilespmem:s20], [sflag:$0x7], $0x80, $0x38;
	[tilespmem:$0x1AE00] =	vst v63  }
0x1a5: {  	s12 =	simm.s32 @!p1 $0x8400;
	s6 =	sadd.s32 @!p1 $0x300, s18;
	s11 =	simm.s32 @!p1 $0x80  }
0x1a6: {  	[tilespmem:s12], [sflag:$0x2] =	stream.indirect.gather @!p1 [hbm4b:s5+s11], $0x40, s6, s11, $0xb8;
	[tilespmem:$0x1AE00] =	vst v63  }
0x1a7: {  	_ =	swait.ge [sflag:s25], $0x2000  }
0x1a8: {  	[sflag:s25] =	ssyncset.done $0x0  }
0x1a9: {  	s6 =	simm.s32 @!p0 $0x8;
	[sflag:s25] =	ssyncadd.s32 $0xFFFFE000  }
0x1aa: {  	_ =	swait.ge @!p0 [sflag:s6], $0x2000  }
0x1ab: {  	[sflag:s6] =	ssyncset.done @!p0 $0x0  }
0x1ac: {  	s20 =	simm.s32 $0xA4F0;
	s11 =	simm.s32 $0x3;
	[sflag:s6] =	ssyncadd.s32 @!p0 $0xFFFFE000  }
0x1ad: {  	v20 =	vmov s11;
	v21 =	vld [tilespmem:s20+$0xFFFFFFD0]  }
0x1ae: {  	v25 =	vand.u32 $0x7F, v20  }
0x1af: {  	s12 =	simm.s32 $0x0;
	v20 =	vadd.s32 v8, v25  }
0x1b0: {  	s19 =	simm.s32 $0x1;
	s29 =	simm.s32 $0x2;
	v22 =	vmov s12;
	v23 =	vld [tilespmem:s20+$0xFFFFFF10]  }
0x1b1: {  	v27 =	vmov s29;
	v24 =	vand.u32 $0x7C, v22;
	v22 =	vmov s19;
	v26 =	vld [tilespmem:s20+$0xFFFFFF50]  }
0x1b2: {  	v28 =	vadd.s32 v8, v24;
	v31 =	vand.u32 $0x7D, v22;
	v22 =	vld [tilespmem:s20+$0xFFFFFF90];
	v21 =	vmul.f32 $8.000000000e+00, v21  }
0x1b3: {  	v33 =	vand.u32 $0x7E, v27;
	v29 =	vadd.s32 v8, v31  }
0x1b4: {  	v27 =	vadd.s32 v8, v33;
	[tilespmem:v20+s23+$0x0] =	vst.idx.msk $0xffff, v21  }
0x1b5: {  	v20 =	vmul.f32 $8.000000000e+00, v23;
	v21 =	vld [tilespmem:s20+$0xFFFFFFE0]  }
0x1b6: {  	v23 =	vmul.f32 $8.000000000e+00, v26  }
0x1b7: {  	[tilespmem:v28+s23+$0x0] =	vst.idx.msk $0xffff, v20;
	v20 =	vmul.f32 $8.000000000e+00, v22;
	v22 =	vadd.s32 v9, v25  }
0x1b8: {  	[tilespmem:v29+s23+$0x0] =	vst.idx.msk $0xffff, v23;
	v26 =	vld [tilespmem:s20+$0xFFFFFF20]  }
0x1b9: {  	v23 =	vld [tilespmem:s20+$0xFFFFFF60];
	[tilespmem:v27+s23+$0x0] =	vst.idx.msk $0xffff, v20  }
0x1ba: {  	v27 =	vld [tilespmem:s20+$0xFFFFFFA0];
	v20 =	vmul.f32 $8.000000000e+00, v21  }
0x1bb: {  	s29 =	simm.s32 $0x7;
	s12 =	simm.s32 $0x4;
	s19 =	simm.s32 $0xA5F0;
	v28 =	vadd.s32 v9, v31  }
0x1bc: {  	v30 =	vld [tilespmem:s19+$0xFFFFFFD0];
	v29 =	vadd.s32 v9, v33;
	v21 =	vmov s12;
	[tilespmem:v22+s23+$0x0] =	vst.idx.msk $0xffff, v20;
	v22 =	vmov s29  }
0x1bd: {  	v32 =	vadd.s32 v9, v24;
	v20 =	vand.u32 $0x7C, v21;
	v21 =	vand.u32 $0x7F, v22;
	v34 =	vld [tilespmem:s20+$0xFFFFFFF0]  }
0x1be: {  	s11 =	simm.s32 $0x5;
	v38 =	vadd.s32 v10, v25;
	v35 =	vld [tilespmem:s19+$0xFFFFFF10];
	v22 =	vmul.f32 $8.000000000e+00, v23;
	v36 =	vadd.s32 v8, v21  }
0x1bf: {  	v37 =	vld [tilespmem:s19+$0xFFFFFF50];
	s12 =	simm.s32 $0x6;
	v26 =	vmul.f32 $8.000000000e+00, v26;
	v23 =	vmul.f32 $8.000000000e+00, v27;
	v27 =	vmov s11  }
0x1c0: {  	v39 =	vadd.s32 v8, v20;
	[tilespmem:v28+s23+$0x0] =	vst.idx.msk $0xffff, v22;
	v28 =	vmov s12;
	v22 =	vand.u32 $0x7D, v27;
	v27 =	vld [tilespmem:s19+$0xFFFFFF90]  }
0x1c1: {  	[tilespmem:v29+s23+$0x0] =	vst.idx.msk $0xffff, v23;
	v29 =	vadd.s32 v8, v22;
	v23 =	vand.u32 $0x7E, v28;
	v28 =	vmul.f32 $8.000000000e+00, v30;
	v30 =	vld [tilespmem:s20+$0xFFFFFF70]  }
0x1c2: {  	[tilespmem:v32+s23+$0x0] =	vst.idx.msk $0xffff, v26;
	v26 =	vadd.s32 v8, v23;
	v58 =	vld [tilespmem:s20+$0xFFFFFFB0];
	v34 =	vmul.f32 $8.000000000e+00, v34  }
0x1c3: {  	v59 =	vadd.s32 v10, v31;
	v35 =	vmul.f32 $8.000000000e+00, v35;
	[tilespmem:v36+s23+$0x0] =	vst.idx.msk $0xffff, v28;
	v28 =	vld [tilespmem:s20+$0xFFFFFF30]  }
0x1c4: {  	v41 =	vadd.s32 v10, v33;
	v37 =	vmul.f32 $8.000000000e+00, v37;
	v40 =	vld [tilespmem:s19+$0xFFFFFFE0];
	[tilespmem:v38+s23+$0x0] =	vst.idx.msk $0xffff, v34  }
0x1c5: {  	v60 =	vadd.s32 v10, v24;
	[tilespmem:v39+s23+$0x0] =	vst.idx.msk $0xffff, v35;
	v27 =	vmul.f32 $8.000000000e+00, v27;
	v38 =	vld [tilespmem:s20+$0x0]  }
0x1c6: {  	v61 =	vadd.s32 v9, v21;
	v39 =	vld [tilespmem:s19+$0xFFFFFF20];
	[tilespmem:v29+s23+$0x0] =	vst.idx.msk $0xffff, v37;
	v30 =	vmul.f32 $8.000000000e+00, v30  }
0x1c7: {  	v43 =	vadd.s32 v11, v25;
	v42 =	vld [tilespmem:s19+$0xFFFFFF60];
	[tilespmem:v26+s23+$0x0] =	vst.idx.msk $0xffff, v27;
	v26 =	vmul.f32 $8.000000000e+00, v58  }
0x1c8: {  	v34 =	vadd.s32 v9, v20;
	v29 =	vld [tilespmem:s19+$0xFFFFFFA0];
	[tilespmem:v59+s23+$0x0] =	vst.idx.msk $0xffff, v30;
	v25 =	vmul.f32 $8.000000000e+00, v28  }
0x1c9: {  	v32 =	vadd.s32 v9, v22;
	v28 =	vld [tilespmem:s20+$0xFFFFFF80];
	[tilespmem:v41+s23+$0x0] =	vst.idx.msk $0xffff, v26;
	v30 =	vmul.f32 $8.000000000e+00, v40  }
0x1ca: {  	v31 =	vadd.s32 v11, v31;
	s11 =	simm.s32 $0x8;
	v26 =	vadd.s32 v9, v23;
	v27 =	vld [tilespmem:s20+$0xFFFFFFC0];
	[tilespmem:v60+s23+$0x0] =	vst.idx.msk $0xffff, v25;
	v63 =	vmul.f32 $8.000000000e+00, v38  }
0x1cb: {  	s6 =	simm.s32 $0xA6F0;
	v33 =	vadd.s32 v11, v33;
	s29 =	simm.s32 $0xB;
	v62 =	vmov s11;
	v36 =	vmul.f32 $8.000000000e+00, v39;
	[tilespmem:v61+s23+$0x0] =	vst.idx.msk $0xffff, v30;
	v30 =	vld [tilespmem:s20+$0xFFFFFF40]  }
0x1cc: {  	s12 =	simm.s32 $0xC;
	v35 =	vld [tilespmem:s6+$0xFFFFFFD0];
	v25 =	vand.u32 $0x7C, v62;
	v38 =	vmov s29;
	s20 =	sadd.s32 s17, s8;
	v37 =	vmul.f32 $8.000000000e+00, v42;
	[tilespmem:v43+s23+$0x0] =	vst.idx.msk $0xffff, v63  }
.LBB2_13:
0x1cd: {  	p2 =	slt.u32 s12, $0x7C;
	s29 =	sadd.s32 $0x1, s11;
	v38 =	vand.u32 $0x7F, v38;
	[tilespmem:v34+s23+$0x0] =	vst.idx.msk $0xffff, v36;
	v29 =	vmul.f32 $8.000000000e+00, v29;
	v34 =	vld [tilespmem:s19+$0xFFFFFFF0];
	v36 =	vadd.s32 v11, v24;
	v24 =	vmovc v20  }
0x1ce: {  	v20 =	vmovc v25;
	v39 =	vld [tilespmem:s6+$0xFFFFFF10];
	v40 =	vmov s29;
	s29 =	sadd.s32 $0x2, s11;
	v41 =	vadd.s32 v8, v38;
	[tilespmem:v32+s23+$0x0] =	vst.idx.msk $0xffff, v37;
	v28 =	vmul.f32 $8.000000000e+00, v28;
	s11 =	smov.u32 s12  }
0x1cf: {  	v25 =	vld [tilespmem:s6+$0xFFFFFF50];
	v32 =	vmov s29;
	[tilespmem:v26+s23+$0x0] =	vst.idx.msk $0xffff, v29;
	v26 =	vadd.s32 v10, v21;
	v27 =	vmul.f32 $8.000000000e+00, v27  }
0x1d0: {  	v29 =	vadd.s32 v8, v20;
	v37 =	vand.u32 $0x7D, v40;
	v40 =	vld [tilespmem:s6+$0xFFFFFF90];
	v30 =	vmul.f32 $8.000000000e+00, v30;
	[tilespmem:v31+s23+$0x0] =	vst.idx.msk $0xffff, v28  }
0x1d1: {  	v28 =	vadd.s32 v8, v37;
	v42 =	vand.u32 $0x7E, v32;
	v31 =	vmul.f32 $8.000000000e+00, v35;
	v32 =	vld [tilespmem:s19+$0xFFFFFF70];
	[tilespmem:v33+s23+$0x0] =	vst.idx.msk $0xffff, v27  }
0x1d2: {  	v27 =	vadd.s32 v8, v42;
	v33 =	vld [tilespmem:s19+$0xFFFFFFB0];
	v34 =	vmul.f32 $8.000000000e+00, v34;
	[tilespmem:v36+s23+$0x0] =	vst.idx.msk $0xffff, v30  }
0x1d3: {  	v35 =	vadd.s32 v10, v22;
	v30 =	vmul.f32 $8.000000000e+00, v39;
	[tilespmem:v41+s23+$0x0] =	vst.idx.msk $0xffff, v31;
	v31 =	vld [tilespmem:s19+$0xFFFFFF30]  }
0x1d4: {  	v39 =	vadd.s32 v10, v23;
	v25 =	vmul.f32 $8.000000000e+00, v25;
	v36 =	vld [tilespmem:s6+$0xFFFFFFE0];
	[tilespmem:v26+s23+$0x0] =	vst.idx.msk $0xffff, v34  }
0x1d5: {  	[tilespmem:v29+s23+$0x0] =	vst.idx.msk $0xffff, v30;
	v26 =	vmul.f32 $8.000000000e+00, v40;
	v30 =	vadd.s32 v10, v24;
	v40 =	vld [tilespmem:s19+$0x0]  }
0x1d6: {  	v43 =	vadd.s32 v9, v38;
	v41 =	vld [tilespmem:s6+$0xFFFFFF20];
	[tilespmem:v28+s23+$0x0] =	vst.idx.msk $0xffff, v25;
	v25 =	vmul.f32 $8.000000000e+00, v32  }
0x1d7: {  	v45 =	vadd.s32 v11, v21;
	v21 =	vmov v38;
	v44 =	vld [tilespmem:s6+$0xFFFFFF60];
	[tilespmem:v27+s23+$0x0] =	vst.idx.msk $0xffff, v26;
	v26 =	vmul.f32 $8.000000000e+00, v33  }
.Ltmp7:
0x1d8: {  	v34 =	vadd.s32 v9, v20;
	v29 =	vld [tilespmem:s6+$0xFFFFFFA0];
	v27 =	vmul.f32 $8.000000000e+00, v31;
	[tilespmem:v35+s23+$0x0] =	vst.idx.msk $0xffff, v25;
	(pc) =	sbr.rel @p2 .LBB2_13-.Ltmp7, $4  }
0x1d9: {  	v32 =	vadd.s32 v9, v37;
	v31 =	vmul.f32 $8.000000000e+00, v36;
	v28 =	vld [tilespmem:s19+$0xFFFFFF80];
	[tilespmem:v39+s23+$0x0] =	vst.idx.msk $0xffff, v26  }
0x1da: {  	v25 =	vmov s12;
	v26 =	vadd.s32 v9, v42;
	[tilespmem:v30+s23+$0x0] =	vst.idx.msk $0xffff, v27;
	v27 =	vld [tilespmem:s19+$0xFFFFFFC0];
	v39 =	vmul.f32 $8.000000000e+00, v40  }
0x1db: {  	s29 =	sadd.s32 $0x3, s12;
	v25 =	vand.u32 $0x7C, v25;
	v36 =	vmul.f32 $8.000000000e+00, v41;
	[tilespmem:v43+s23+$0x0] =	vst.idx.msk $0xffff, v31;
	v30 =	vld [tilespmem:s19+$0xFFFFFF40];
	v31 =	vadd.s32 v11, v22;
	v22 =	vmovc v37;
	s19 =	smov.u32 s6;
	s6 =	sadd.s32 $0x100, s6  }
0x1dc: {  	v38 =	vmov s29;
	v33 =	vadd.s32 v11, v23;
	v23 =	vmovc v42;
	s12 =	sadd.s32 $0x4, s12;
	v35 =	vld [tilespmem:s6+$0xFFFFFFD0];
	v37 =	vmul.f32 $8.000000000e+00, v44;
	[tilespmem:v45+s23+$0x0] =	vst.idx.msk $0xffff, v39  }
0x1dd: {  	s12 =	sadd.s32 $0x1, s11;
	v38 =	vand.u32 $0x7F, v38;
	v44 =	vld [tilespmem:s6+$0xFFFFFF10]  }
0x1de: {  	v40 =	vld [tilespmem:s6+$0xFFFFFF50];
	v39 =	vmov s12;
	s12 =	sadd.s32 $0x2, s11;
	v41 =	vadd.s32 v8, v38  }
0x1df: {  	v43 =	vld [tilespmem:s6+$0xFFFFFF90];
	v54 =	vadd.s32 v8, v25;
	v42 =	vmov s12;
	v39 =	vand.u32 $0x7D, v39  }
0x1e0: {  	v45 =	vadd.s32 v8, v39;
	v42 =	vand.u32 $0x7E, v42  }
0x1e1: {  	[tilespmem:v34+s23+$0x0] =	vst.idx.msk $0xffff, v36;
	v46 =	vadd.s32 v8, v42;
	v35 =	vmul.f32 $8.000000000e+00, v35  }
0x1e2: {  	[tilespmem:v32+s23+$0x0] =	vst.idx.msk $0xffff, v37;
	v57 =	vmul.f32 $8.000000000e+00, v44  }
0x1e3: {  	v55 =	vmul.f32 $8.000000000e+00, v40;
	[tilespmem:v41+s23+$0x0] =	vst.idx.msk $0xffff, v35  }
0x1e4: {  	v56 =	vmul.f32 $8.000000000e+00, v43;
	v58 =	vld [tilespmem:s6+$0xFFFFFFE0];
	[tilespmem:v54+s23+$0x0] =	vst.idx.msk $0xffff, v57  }
0x1e5: {  	v29 =	vmul.f32 $8.000000000e+00, v29;
	v24 =	vadd.s32 v11, v24;
	[tilespmem:v45+s23+$0x0] =	vst.idx.msk $0xffff, v55;
	v62 =	vld [tilespmem:s6+$0xFFFFFF20]  }
0x1e6: {  	v28 =	vmul.f32 $8.000000000e+00, v28;
	v60 =	vadd.s32 v9, v38;
	v59 =	vld [tilespmem:s6+$0xFFFFFF60];
	[tilespmem:v46+s23+$0x0] =	vst.idx.msk $0xffff, v56  }
0x1e7: {  	v47 =	vadd.s32 v9, v25;
	[tilespmem:v26+s23+$0x0] =	vst.idx.msk $0xffff, v29;
	v61 =	vmul.f32 $8.000000000e+00, v27;
	v35 =	vld [tilespmem:s6+$0xFFFFFFA0]  }
0x1e8: {  	v51 =	vld [tilespmem:s19+$0xFFFFFF30];
	v63 =	vadd.s32 v9, v39;
	v30 =	vmul.f32 $8.000000000e+00, v30;
	[tilespmem:v31+s23+$0x0] =	vst.idx.msk $0xffff, v28  }
0x1e9: {  	v49 =	vld [tilespmem:s19+$0xFFFFFFB0];
	[tilespmem:v33+s23+$0x0] =	vst.idx.msk $0xffff, v61;
	v45 =	vadd.s32 v9, v42;
	v32 =	vmul.f32 $8.000000000e+00, v58  }
0x1ea: {  	v44 =	vld [tilespmem:s19+$0xFFFFFFF0];
	[tilespmem:v24+s23+$0x0] =	vst.idx.msk $0xffff, v30;
	v57 =	vadd.s32 v10, v20;
	v27 =	vmul.f32 $8.000000000e+00, v62  }
0x1eb: {  	v54 =	vadd.s32 v10, v23;
	v46 =	vld [tilespmem:s19+$0xFFFFFF70];
	v50 =	vmul.f32 $8.000000000e+00, v59;
	[tilespmem:v60+s23+$0x0] =	vst.idx.msk $0xffff, v32  }
0x1ec: {  	v48 =	vadd.s32 v10, v21;
	v53 =	vmul.f32 $8.000000000e+00, v35;
	v55 =	vld [tilespmem:s6+$0xFFFFFFF0];
	[tilespmem:v47+s23+$0x0] =	vst.idx.msk $0xffff, v27  }
0x1ed: {  	v52 =	vadd.s32 v10, v22;
	v30 =	vmul.f32 $8.000000000e+00, v51;
	[tilespmem:v63+s23+$0x0] =	vst.idx.msk $0xffff, v50;
	v62 =	vld [tilespmem:s6+$0xFFFFFF30]  }
0x1ee: {  	v61 =	vmul.f32 $8.000000000e+00, v49;
	v59 =	vadd.s32 v10, v38;
	[tilespmem:v45+s23+$0x0] =	vst.idx.msk $0xffff, v53;
	v58 =	vld [tilespmem:s6+$0xFFFFFF70]  }
0x1ef: {  	v56 =	vmul.f32 $8.000000000e+00, v44;
	v44 =	vadd.s32 v10, v25;
	[tilespmem:v57+s23+$0x0] =	vst.idx.msk $0xffff, v30;
	v60 =	vld [tilespmem:s6+$0xFFFFFFB0]  }
0x1f0: {  	[tilespmem:v54+s23+$0x0] =	vst.idx.msk $0xffff, v61;
	v30 =	vld [tilespmem:s19+$0xFFFFFF40];
	v31 =	vmul.f32 $8.000000000e+00, v46;
	v63 =	vadd.s32 v10, v39  }
0x1f1: {  	v41 =	vadd.s32 v10, v42;
	[tilespmem:v48+s23+$0x0] =	vst.idx.msk $0xffff, v56;
	v46 =	vld [tilespmem:s19+$0xFFFFFFC0];
	v43 =	vmul.f32 $8.000000000e+00, v55  }
0x1f2: {  	v20 =	vadd.s32 v11, v20;
	v40 =	vld [tilespmem:s19+$0x0];
	[tilespmem:v52+s23+$0x0] =	vst.idx.msk $0xffff, v31;
	v50 =	vmul.f32 $8.000000000e+00, v62  }
0x1f3: {  	v49 =	vadd.s32 v11, v23;
	v37 =	vld [tilespmem:s19+$0xFFFFFF80];
	v28 =	vmul.f32 $8.000000000e+00, v58;
	[tilespmem:v59+s23+$0x0] =	vst.idx.msk $0xffff, v43  }
0x1f4: {  	v45 =	vadd.s32 v11, v21;
	v48 =	vmul.f32 $8.000000000e+00, v60;
	v26 =	vld [tilespmem:s6+$0x0];
	[tilespmem:v44+s23+$0x0] =	vst.idx.msk $0xffff, v50  }
0x1f5: {  	v47 =	vadd.s32 v11, v22;
	v30 =	vmul.f32 $8.000000000e+00, v30;
	[tilespmem:v63+s23+$0x0] =	vst.idx.msk $0xffff, v28;
	v57 =	vld [tilespmem:s6+$0xFFFFFF40]  }
0x1f6: {  	v54 =	vadd.s32 v11, v38;
	v56 =	vmul.f32 $8.000000000e+00, v46;
	v52 =	vld [tilespmem:s6+$0xFFFFFF80];
	[tilespmem:v41+s23+$0x0] =	vst.idx.msk $0xffff, v48  }
0x1f7: {  	v61 =	vadd.s32 v11, v25;
	v51 =	vmul.f32 $8.000000000e+00, v40;
	[tilespmem:v20+s23+$0x0] =	vst.idx.msk $0xffff, v30;
	v55 =	vld [tilespmem:s6+$0xFFFFFFC0]  }
0x1f8: {  	[tilespmem:v49+s23+$0x0] =	vst.idx.msk $0xffff, v56;
	v53 =	vmul.f32 $8.000000000e+00, v37;
	v58 =	vadd.s32 v11, v39  }
0x1f9: {  	[tilespmem:v45+s23+$0x0] =	vst.idx.msk $0xffff, v51;
	v59 =	vadd.s32 v11, v42;
	v60 =	vmul.f32 $8.000000000e+00, v26  }
0x1fa: {  	[tilespmem:v47+s23+$0x0] =	vst.idx.msk $0xffff, v53;
	v63 =	vmul.f32 $8.000000000e+00, v57  }
0x1fb: {  	s19 =	sshll.u32 s20, $0x7;
	v20 =	vmul.f32 $8.000000000e+00, v52;
	[tilespmem:v54+s23+$0x0] =	vst.idx.msk $0xffff, v60  }
0x1fc: {  	s20 =	sshll.u32 s20, $0xA;
	s6 =	sand.u32 $0xF80, s19;
	v62 =	vmul.f32 $8.000000000e+00, v55;
	[tilespmem:v61+s23+$0x0] =	vst.idx.msk $0xffff, v63  }
0x1fd: {  	s11 =	sand.u32 $0xFFF8000, s20;
	s6 =	sadd.s32 s2, s6;
	[tilespmem:v58+s23+$0x0] =	vst.idx.msk $0xffff, v20  }
0x1fe: {  	s29 =	simm.s32 $0x14800;
	s11 =	sadd.s32 s11, s6;
	[tilespmem:v59+s23+$0x0] =	vst.idx.msk $0xffff, v62  }
0x1ff: {  	[hbm4b:s11+s3] =	stream.linear.scatter [tilespmem:s29], [sflag:$0x8], $0x80, $0x38;
	[tilespmem:$0x1AE00] =	vst v63  }
0x200: {  	s12 =	simm.s32 $0x14888;
	s19 =	sadd.s32 $0x10, s11  }
0x201: {  	[hbm4b:s19+s3] =	stream.linear.scatter [tilespmem:s12], [sflag:$0x8], $0x80, $0x38;
	[tilespmem:$0x1AE00] =	vst v63  }
0x202: {  	s20 =	simm.s32 $0x14910;
	s29 =	sadd.s32 $0x20, s11  }
0x203: {  	[hbm4b:s29+s3] =	stream.linear.scatter [tilespmem:s20], [sflag:$0x8], $0x80, $0x38;
	[tilespmem:$0x1AE00] =	vst v63  }
0x204: {  	s12 =	simm.s32 $0x14998;
	s19 =	sadd.s32 $0x30, s11  }
0x205: {  	[hbm4b:s19+s3] =	stream.linear.scatter [tilespmem:s12], [sflag:$0x8], $0x80, $0x38;
	[tilespmem:$0x1AE00] =	vst v63  }
0x206: {  	s20 =	simm.s32 $0x14A20;
	s29 =	sadd.s32 $0x40, s11  }
0x207: {  	[hbm4b:s29+s3] =	stream.linear.scatter [tilespmem:s20], [sflag:$0x8], $0x80, $0x38;
	[tilespmem:$0x1AE00] =	vst v63  }
0x208: {  	s6 =	simm.s32 $0x440;
	s12 =	simm.s32 $0x14AA8;
	s19 =	sadd.s32 $0x50, s11  }
0x209: {  	[hbm4b:s19+s3] =	stream.linear.scatter [tilespmem:s12], [sflag:$0x8], $0x80, $0x38;
	[tilespmem:$0x1AE00] =	vst v63  }
0x20a: {  	s20 =	simm.s32 $0x14B30;
	s29 =	sadd.s32 $0x60, s11;
	s12 =	simm.s32 $0x2200  }
0x20b: {  	[hbm4b:s29+s3] =	stream.linear.scatter [tilespmem:s20], [sflag:$0x8], $0x80, $0x38;
	[tilespmem:$0x1AE00] =	vst v63  }
0x20c: {  	s19 =	simm.s32 $0x14BB8;
	s20 =	sadd.s32 $0x70, s11;
	s11 =	sadd.s32 $0x1000, s11  }
.LBB2_15:
0x20d: {  	[hbm4b:s20+s3] =	stream.linear.scatter [tilespmem:s19], [sflag:$0x8], $0x80, $0x38;
	[tilespmem:$0x1AE00] =	vst v63  }
0x20e: {  	s19 =	smov.u32 s6;
	s6 =	smov.u32 s12  }
0x20f: {  	s29 =	sadd.s32 $0x1100, s12;
	s6 =	sshra.s32 s6, $0x2;
	s20 =	sadd.s32 $0x14800, s19  }
0x210: {  	[hbm4b:s11+s3] =	stream.linear.scatter [tilespmem:s20], [sflag:$0x8], $0x80, $0x38;
	[tilespmem:$0x1AE00] =	vst v63  }
0x211: {  	p2 =	sne.s32 s12, $0x7700;
	s12 =	sadd.s32 $0x14888, s19;
	s20 =	sadd.s32 $0x10, s11  }
0x212: {  	[hbm4b:s20+s3] =	stream.linear.scatter [tilespmem:s12], [sflag:$0x8], $0x80, $0x38;
	[tilespmem:$0x1AE00] =	vst v63  }
0x213: {  	s12 =	sadd.s32 $0x14910, s19;
	s20 =	sadd.s32 $0x20, s11  }
0x214: {  	[hbm4b:s20+s3] =	stream.linear.scatter [tilespmem:s12], [sflag:$0x8], $0x80, $0x38;
	[tilespmem:$0x1AE00] =	vst v63  }
0x215: {  	s12 =	sadd.s32 $0x14998, s19;
	s20 =	sadd.s32 $0x30, s11  }
0x216: {  	[hbm4b:s20+s3] =	stream.linear.scatter [tilespmem:s12], [sflag:$0x8], $0x80, $0x38;
	[tilespmem:$0x1AE00] =	vst v63  }
0x217: {  	s12 =	sadd.s32 $0x14A20, s19;
	s20 =	sadd.s32 $0x40, s11  }
0x218: {  	[hbm4b:s20+s3] =	stream.linear.scatter [tilespmem:s12], [sflag:$0x8], $0x80, $0x38;
	[tilespmem:$0x1AE00] =	vst v63  }
.Ltmp8:
0x219: {  	s12 =	sadd.s32 $0x14AA8, s19;
	s20 =	sadd.s32 $0x50, s11;
	(pc) =	sbr.rel @p2 .LBB2_15-.Ltmp8, $4  }
0x21a: {  	[hbm4b:s20+s3] =	stream.linear.scatter [tilespmem:s12], [sflag:$0x8], $0x80, $0x38;
	[tilespmem:$0x1AE00] =	vst v63  }
0x21b: {  	s12 =	sadd.s32 $0x14B30, s19;
	s20 =	sadd.s32 $0x60, s11;
	s19 =	sadd.s32 $0x14BB8, s19  }
0x21c: {  	[hbm4b:s20+s3] =	stream.linear.scatter [tilespmem:s12], [sflag:$0x8], $0x80, $0x38;
	[tilespmem:$0x1AE00] =	vst v63  }
0x21d: {  	s20 =	sadd.s32 $0x70, s11;
	s11 =	sadd.s32 $0x1000, s11;
	s12 =	smov.u32 s29  }
0x21e: {  	[hbm4b:s20+s3] =	stream.linear.scatter [tilespmem:s19], [sflag:$0x8], $0x80, $0x38;
	[tilespmem:$0x1AE00] =	vst v63  }
0x21f: {  	s12 =	sadd.s32 $0x14800, s6  }
0x220: {  	[hbm4b:s11+s3] =	stream.linear.scatter [tilespmem:s12], [sflag:$0x8], $0x80, $0x38;
	[tilespmem:$0x1AE00] =	vst v63  }
0x221: {  	s20 =	sadd.s32 $0x14888, s6;
	s29 =	sadd.s32 $0x10, s11  }
0x222: {  	[hbm4b:s29+s3] =	stream.linear.scatter [tilespmem:s20], [sflag:$0x8], $0x80, $0x38;
	[tilespmem:$0x1AE00] =	vst v63  }
0x223: {  	s20 =	sadd.s32 $0x14910, s6;
	s29 =	sadd.s32 $0x20, s11  }
0x224: {  	[hbm4b:s29+s3] =	stream.linear.scatter [tilespmem:s20], [sflag:$0x8], $0x80, $0x38;
	[tilespmem:$0x1AE00] =	vst v63  }
0x225: {  	s20 =	sadd.s32 $0x14998, s6;
	s29 =	sadd.s32 $0x30, s11  }
0x226: {  	[hbm4b:s29+s3] =	stream.linear.scatter [tilespmem:s20], [sflag:$0x8], $0x80, $0x38;
	[tilespmem:$0x1AE00] =	vst v63  }
0x227: {  	s20 =	sadd.s32 $0x14A20, s6;
	s29 =	sadd.s32 $0x40, s11  }
0x228: {  	[hbm4b:s29+s3] =	stream.linear.scatter [tilespmem:s20], [sflag:$0x8], $0x80, $0x38;
	[tilespmem:$0x1AE00] =	vst v63  }
0x229: {  	s20 =	sadd.s32 $0x14AA8, s6;
	s29 =	sadd.s32 $0x50, s11  }
0x22a: {  	[hbm4b:s29+s3] =	stream.linear.scatter [tilespmem:s20], [sflag:$0x8], $0x80, $0x38;
	[tilespmem:$0x1AE00] =	vst v63  }
0x22b: {  	s20 =	sadd.s32 $0x14B30, s6;
	s29 =	sadd.s32 $0x60, s11  }
0x22c: {  	[hbm4b:s29+s3] =	stream.linear.scatter [tilespmem:s20], [sflag:$0x8], $0x80, $0x38;
	[tilespmem:$0x1AE00] =	vst v63  }
0x22d: {  	s20 =	sadd.s32 $0x14BB8, s6;
	s29 =	sadd.s32 $0x70, s11  }
0x22e: {  	[hbm4b:s29+s3] =	stream.linear.scatter [tilespmem:s20], [sflag:$0x8], $0x80, $0x38;
	[tilespmem:$0x1AE00] =	vst v63  }
0x22f: {  	s12 =	simm.s32 @!p1 $0xA400;
	s6 =	sadd.s32 @!p1 $0x380, s18;
	s11 =	simm.s32 @!p1 $0x80  }
0x230: {  	[tilespmem:s12], [sflag:$0x3] =	stream.indirect.gather @!p1 [hbm4b:s5+s11], $0x40, s6, s11, $0xb8;
	[tilespmem:$0x1AE00] =	vst v63  }
0x231: {  	_ =	swait.ge [sflag:s26], $0x2000  }
0x232: {  	[sflag:s26] =	ssyncset.done $0x0  }
0x233: {  	s6 =	simm.s32 @!p0 $0x9;
	[sflag:s26] =	ssyncadd.s32 $0xFFFFE000  }
0x234: {  	_ =	swait.ge @!p0 [sflag:s6], $0x2000  }
0x235: {  	[sflag:s6] =	ssyncset.done @!p0 $0x0  }
0x236: {  	s20 =	simm.s32 $0xC4F0;
	s11 =	simm.s32 $0x3;
	[sflag:s6] =	ssyncadd.s32 @!p0 $0xFFFFE000  }
0x237: {  	v20 =	vmov s11;
	v21 =	vld [tilespmem:s20+$0xFFFFFFD0]  }
0x238: {  	v25 =	vand.u32 $0x7F, v20  }
0x239: {  	s12 =	simm.s32 $0x0;
	v20 =	vadd.s32 v12, v25  }
0x23a: {  	s19 =	simm.s32 $0x1;
	s29 =	simm.s32 $0x2;
	v22 =	vmov s12;
	v23 =	vld [tilespmem:s20+$0xFFFFFF10]  }
0x23b: {  	v27 =	vmov s29;
	v24 =	vand.u32 $0x7C, v22;
	v22 =	vmov s19;
	v26 =	vld [tilespmem:s20+$0xFFFFFF50]  }
0x23c: {  	v28 =	vadd.s32 v12, v24;
	v31 =	vand.u32 $0x7D, v22;
	v22 =	vld [tilespmem:s20+$0xFFFFFF90];
	v21 =	vmul.f32 $8.000000000e+00, v21  }
0x23d: {  	v33 =	vand.u32 $0x7E, v27;
	v29 =	vadd.s32 v12, v31  }
0x23e: {  	v27 =	vadd.s32 v12, v33;
	[tilespmem:v20+s23+$0x0] =	vst.idx.msk $0xffff, v21  }
0x23f: {  	v20 =	vmul.f32 $8.000000000e+00, v23;
	v21 =	vld [tilespmem:s20+$0xFFFFFFE0]  }
0x240: {  	v23 =	vmul.f32 $8.000000000e+00, v26  }
0x241: {  	[tilespmem:v28+s23+$0x0] =	vst.idx.msk $0xffff, v20;
	v20 =	vmul.f32 $8.000000000e+00, v22;
	v22 =	vadd.s32 v13, v25  }
0x242: {  	[tilespmem:v29+s23+$0x0] =	vst.idx.msk $0xffff, v23;
	v26 =	vld [tilespmem:s20+$0xFFFFFF20]  }
0x243: {  	v23 =	vld [tilespmem:s20+$0xFFFFFF60];
	[tilespmem:v27+s23+$0x0] =	vst.idx.msk $0xffff, v20  }
0x244: {  	v27 =	vld [tilespmem:s20+$0xFFFFFFA0];
	v20 =	vmul.f32 $8.000000000e+00, v21  }
0x245: {  	s29 =	simm.s32 $0x7;
	s12 =	simm.s32 $0x4;
	s19 =	simm.s32 $0xC5F0;
	v28 =	vadd.s32 v13, v31  }
0x246: {  	v30 =	vld [tilespmem:s19+$0xFFFFFFD0];
	v29 =	vadd.s32 v13, v33;
	v21 =	vmov s12;
	[tilespmem:v22+s23+$0x0] =	vst.idx.msk $0xffff, v20;
	v22 =	vmov s29  }
0x247: {  	v32 =	vadd.s32 v13, v24;
	v20 =	vand.u32 $0x7C, v21;
	v21 =	vand.u32 $0x7F, v22;
	v34 =	vld [tilespmem:s20+$0xFFFFFFF0]  }
0x248: {  	s11 =	simm.s32 $0x5;
	v38 =	vadd.s32 v14, v25;
	v35 =	vld [tilespmem:s19+$0xFFFFFF10];
	v22 =	vmul.f32 $8.000000000e+00, v23;
	v36 =	vadd.s32 v12, v21  }
0x249: {  	v37 =	vld [tilespmem:s19+$0xFFFFFF50];
	s12 =	simm.s32 $0x6;
	v26 =	vmul.f32 $8.000000000e+00, v26;
	v23 =	vmul.f32 $8.000000000e+00, v27;
	v27 =	vmov s11  }
0x24a: {  	v39 =	vadd.s32 v12, v20;
	[tilespmem:v28+s23+$0x0] =	vst.idx.msk $0xffff, v22;
	v28 =	vmov s12;
	v22 =	vand.u32 $0x7D, v27;
	v27 =	vld [tilespmem:s19+$0xFFFFFF90]  }
0x24b: {  	[tilespmem:v29+s23+$0x0] =	vst.idx.msk $0xffff, v23;
	v29 =	vadd.s32 v12, v22;
	v23 =	vand.u32 $0x7E, v28;
	v28 =	vmul.f32 $8.000000000e+00, v30;
	v30 =	vld [tilespmem:s20+$0xFFFFFF70]  }
0x24c: {  	[tilespmem:v32+s23+$0x0] =	vst.idx.msk $0xffff, v26;
	v26 =	vadd.s32 v12, v23;
	v58 =	vld [tilespmem:s20+$0xFFFFFFB0];
	v34 =	vmul.f32 $8.000000000e+00, v34  }
0x24d: {  	v59 =	vadd.s32 v14, v31;
	v35 =	vmul.f32 $8.000000000e+00, v35;
	[tilespmem:v36+s23+$0x0] =	vst.idx.msk $0xffff, v28;
	v28 =	vld [tilespmem:s20+$0xFFFFFF30]  }
0x24e: {  	v41 =	vadd.s32 v14, v33;
	v37 =	vmul.f32 $8.000000000e+00, v37;
	v40 =	vld [tilespmem:s19+$0xFFFFFFE0];
	[tilespmem:v38+s23+$0x0] =	vst.idx.msk $0xffff, v34  }
0x24f: {  	v60 =	vadd.s32 v14, v24;
	[tilespmem:v39+s23+$0x0] =	vst.idx.msk $0xffff, v35;
	v27 =	vmul.f32 $8.000000000e+00, v27;
	v38 =	vld [tilespmem:s20+$0x0]  }
0x250: {  	v61 =	vadd.s32 v13, v21;
	v39 =	vld [tilespmem:s19+$0xFFFFFF20];
	[tilespmem:v29+s23+$0x0] =	vst.idx.msk $0xffff, v37;
	v30 =	vmul.f32 $8.000000000e+00, v30  }
0x251: {  	v43 =	vadd.s32 v15, v25;
	v42 =	vld [tilespmem:s19+$0xFFFFFF60];
	[tilespmem:v26+s23+$0x0] =	vst.idx.msk $0xffff, v27;
	v26 =	vmul.f32 $8.000000000e+00, v58  }
0x252: {  	v34 =	vadd.s32 v13, v20;
	v29 =	vld [tilespmem:s19+$0xFFFFFFA0];
	[tilespmem:v59+s23+$0x0] =	vst.idx.msk $0xffff, v30;
	v25 =	vmul.f32 $8.000000000e+00, v28  }
0x253: {  	v32 =	vadd.s32 v13, v22;
	v28 =	vld [tilespmem:s20+$0xFFFFFF80];
	[tilespmem:v41+s23+$0x0] =	vst.idx.msk $0xffff, v26;
	v30 =	vmul.f32 $8.000000000e+00, v40  }
0x254: {  	v31 =	vadd.s32 v15, v31;
	s11 =	simm.s32 $0x8;
	v26 =	vadd.s32 v13, v23;
	v27 =	vld [tilespmem:s20+$0xFFFFFFC0];
	[tilespmem:v60+s23+$0x0] =	vst.idx.msk $0xffff, v25;
	v63 =	vmul.f32 $8.000000000e+00, v38  }
0x255: {  	s6 =	simm.s32 $0xC6F0;
	v33 =	vadd.s32 v15, v33;
	s29 =	simm.s32 $0xB;
	v62 =	vmov s11;
	v36 =	vmul.f32 $8.000000000e+00, v39;
	[tilespmem:v61+s23+$0x0] =	vst.idx.msk $0xffff, v30;
	v30 =	vld [tilespmem:s20+$0xFFFFFF40]  }
0x256: {  	s12 =	simm.s32 $0xC;
	v35 =	vld [tilespmem:s6+$0xFFFFFFD0];
	v25 =	vand.u32 $0x7C, v62;
	v38 =	vmov s29;
	s20 =	sadd.s32 s17, s9;
	v37 =	vmul.f32 $8.000000000e+00, v42;
	[tilespmem:v43+s23+$0x0] =	vst.idx.msk $0xffff, v63  }
.LBB2_17:
0x257: {  	p2 =	slt.u32 s12, $0x7C;
	s29 =	sadd.s32 $0x1, s11;
	v38 =	vand.u32 $0x7F, v38;
	[tilespmem:v34+s23+$0x0] =	vst.idx.msk $0xffff, v36;
	v29 =	vmul.f32 $8.000000000e+00, v29;
	v34 =	vld [tilespmem:s19+$0xFFFFFFF0];
	v36 =	vadd.s32 v15, v24;
	v24 =	vmovc v20  }
0x258: {  	v20 =	vmovc v25;
	v39 =	vld [tilespmem:s6+$0xFFFFFF10];
	v40 =	vmov s29;
	s29 =	sadd.s32 $0x2, s11;
	v41 =	vadd.s32 v12, v38;
	[tilespmem:v32+s23+$0x0] =	vst.idx.msk $0xffff, v37;
	v28 =	vmul.f32 $8.000000000e+00, v28;
	s11 =	smov.u32 s12  }
0x259: {  	v25 =	vld [tilespmem:s6+$0xFFFFFF50];
	v32 =	vmov s29;
	[tilespmem:v26+s23+$0x0] =	vst.idx.msk $0xffff, v29;
	v26 =	vadd.s32 v14, v21;
	v27 =	vmul.f32 $8.000000000e+00, v27  }
0x25a: {  	v29 =	vadd.s32 v12, v20;
	v37 =	vand.u32 $0x7D, v40;
	v40 =	vld [tilespmem:s6+$0xFFFFFF90];
	v30 =	vmul.f32 $8.000000000e+00, v30;
	[tilespmem:v31+s23+$0x0] =	vst.idx.msk $0xffff, v28  }
0x25b: {  	v28 =	vadd.s32 v12, v37;
	v42 =	vand.u32 $0x7E, v32;
	v31 =	vmul.f32 $8.000000000e+00, v35;
	v32 =	vld [tilespmem:s19+$0xFFFFFF70];
	[tilespmem:v33+s23+$0x0] =	vst.idx.msk $0xffff, v27  }
0x25c: {  	v27 =	vadd.s32 v12, v42;
	v33 =	vld [tilespmem:s19+$0xFFFFFFB0];
	v34 =	vmul.f32 $8.000000000e+00, v34;
	[tilespmem:v36+s23+$0x0] =	vst.idx.msk $0xffff, v30  }
0x25d: {  	v35 =	vadd.s32 v14, v22;
	v30 =	vmul.f32 $8.000000000e+00, v39;
	[tilespmem:v41+s23+$0x0] =	vst.idx.msk $0xffff, v31;
	v31 =	vld [tilespmem:s19+$0xFFFFFF30]  }
0x25e: {  	v39 =	vadd.s32 v14, v23;
	v25 =	vmul.f32 $8.000000000e+00, v25;
	v36 =	vld [tilespmem:s6+$0xFFFFFFE0];
	[tilespmem:v26+s23+$0x0] =	vst.idx.msk $0xffff, v34  }
0x25f: {  	[tilespmem:v29+s23+$0x0] =	vst.idx.msk $0xffff, v30;
	v26 =	vmul.f32 $8.000000000e+00, v40;
	v30 =	vadd.s32 v14, v24;
	v40 =	vld [tilespmem:s19+$0x0]  }
0x260: {  	v43 =	vadd.s32 v13, v38;
	v41 =	vld [tilespmem:s6+$0xFFFFFF20];
	[tilespmem:v28+s23+$0x0] =	vst.idx.msk $0xffff, v25;
	v25 =	vmul.f32 $8.000000000e+00, v32  }
0x261: {  	v45 =	vadd.s32 v15, v21;
	v21 =	vmov v38;
	v44 =	vld [tilespmem:s6+$0xFFFFFF60];
	[tilespmem:v27+s23+$0x0] =	vst.idx.msk $0xffff, v26;
	v26 =	vmul.f32 $8.000000000e+00, v33  }
.Ltmp9:
0x262: {  	v34 =	vadd.s32 v13, v20;
	v29 =	vld [tilespmem:s6+$0xFFFFFFA0];
	v27 =	vmul.f32 $8.000000000e+00, v31;
	[tilespmem:v35+s23+$0x0] =	vst.idx.msk $0xffff, v25;
	(pc) =	sbr.rel @p2 .LBB2_17-.Ltmp9, $4  }
0x263: {  	v32 =	vadd.s32 v13, v37;
	v31 =	vmul.f32 $8.000000000e+00, v36;
	v28 =	vld [tilespmem:s19+$0xFFFFFF80];
	[tilespmem:v39+s23+$0x0] =	vst.idx.msk $0xffff, v26  }
0x264: {  	v25 =	vmov s12;
	v26 =	vadd.s32 v13, v42;
	[tilespmem:v30+s23+$0x0] =	vst.idx.msk $0xffff, v27;
	v27 =	vld [tilespmem:s19+$0xFFFFFFC0];
	v39 =	vmul.f32 $8.000000000e+00, v40  }
0x265: {  	s29 =	sadd.s32 $0x3, s12;
	v25 =	vand.u32 $0x7C, v25;
	v36 =	vmul.f32 $8.000000000e+00, v41;
	[tilespmem:v43+s23+$0x0] =	vst.idx.msk $0xffff, v31;
	v30 =	vld [tilespmem:s19+$0xFFFFFF40];
	v31 =	vadd.s32 v15, v22;
	v22 =	vmovc v37;
	s19 =	smov.u32 s6;
	s6 =	sadd.s32 $0x100, s6  }
0x266: {  	v38 =	vmov s29;
	v33 =	vadd.s32 v15, v23;
	v23 =	vmovc v42;
	s12 =	sadd.s32 $0x4, s12;
	v35 =	vld [tilespmem:s6+$0xFFFFFFD0];
	v37 =	vmul.f32 $8.000000000e+00, v44;
	[tilespmem:v45+s23+$0x0] =	vst.idx.msk $0xffff, v39  }
0x267: {  	s12 =	sadd.s32 $0x1, s11;
	v38 =	vand.u32 $0x7F, v38;
	v44 =	vld [tilespmem:s6+$0xFFFFFF10]  }
0x268: {  	v40 =	vld [tilespmem:s6+$0xFFFFFF50];
	v39 =	vmov s12;
	s12 =	sadd.s32 $0x2, s11;
	v41 =	vadd.s32 v12, v38  }
0x269: {  	v43 =	vld [tilespmem:s6+$0xFFFFFF90];
	v54 =	vadd.s32 v12, v25;
	v42 =	vmov s12;
	v39 =	vand.u32 $0x7D, v39  }
0x26a: {  	v45 =	vadd.s32 v12, v39;
	v42 =	vand.u32 $0x7E, v42  }
0x26b: {  	[tilespmem:v34+s23+$0x0] =	vst.idx.msk $0xffff, v36;
	v46 =	vadd.s32 v12, v42;
	v35 =	vmul.f32 $8.000000000e+00, v35  }
0x26c: {  	[tilespmem:v32+s23+$0x0] =	vst.idx.msk $0xffff, v37;
	v57 =	vmul.f32 $8.000000000e+00, v44  }
0x26d: {  	v55 =	vmul.f32 $8.000000000e+00, v40;
	[tilespmem:v41+s23+$0x0] =	vst.idx.msk $0xffff, v35  }
0x26e: {  	v56 =	vmul.f32 $8.000000000e+00, v43;
	v58 =	vld [tilespmem:s6+$0xFFFFFFE0];
	[tilespmem:v54+s23+$0x0] =	vst.idx.msk $0xffff, v57  }
0x26f: {  	v29 =	vmul.f32 $8.000000000e+00, v29;
	v24 =	vadd.s32 v15, v24;
	[tilespmem:v45+s23+$0x0] =	vst.idx.msk $0xffff, v55;
	v62 =	vld [tilespmem:s6+$0xFFFFFF20]  }
0x270: {  	v28 =	vmul.f32 $8.000000000e+00, v28;
	v60 =	vadd.s32 v13, v38;
	v59 =	vld [tilespmem:s6+$0xFFFFFF60];
	[tilespmem:v46+s23+$0x0] =	vst.idx.msk $0xffff, v56  }
0x271: {  	v47 =	vadd.s32 v13, v25;
	[tilespmem:v26+s23+$0x0] =	vst.idx.msk $0xffff, v29;
	v61 =	vmul.f32 $8.000000000e+00, v27;
	v35 =	vld [tilespmem:s6+$0xFFFFFFA0]  }
0x272: {  	v51 =	vld [tilespmem:s19+$0xFFFFFF30];
	v63 =	vadd.s32 v13, v39;
	v30 =	vmul.f32 $8.000000000e+00, v30;
	[tilespmem:v31+s23+$0x0] =	vst.idx.msk $0xffff, v28  }
0x273: {  	v49 =	vld [tilespmem:s19+$0xFFFFFFB0];
	[tilespmem:v33+s23+$0x0] =	vst.idx.msk $0xffff, v61;
	v45 =	vadd.s32 v13, v42;
	v32 =	vmul.f32 $8.000000000e+00, v58  }
0x274: {  	v44 =	vld [tilespmem:s19+$0xFFFFFFF0];
	[tilespmem:v24+s23+$0x0] =	vst.idx.msk $0xffff, v30;
	v57 =	vadd.s32 v14, v20;
	v27 =	vmul.f32 $8.000000000e+00, v62  }
0x275: {  	v54 =	vadd.s32 v14, v23;
	v46 =	vld [tilespmem:s19+$0xFFFFFF70];
	v50 =	vmul.f32 $8.000000000e+00, v59;
	[tilespmem:v60+s23+$0x0] =	vst.idx.msk $0xffff, v32  }
0x276: {  	v48 =	vadd.s32 v14, v21;
	v53 =	vmul.f32 $8.000000000e+00, v35;
	v55 =	vld [tilespmem:s6+$0xFFFFFFF0];
	[tilespmem:v47+s23+$0x0] =	vst.idx.msk $0xffff, v27  }
0x277: {  	v52 =	vadd.s32 v14, v22;
	v30 =	vmul.f32 $8.000000000e+00, v51;
	[tilespmem:v63+s23+$0x0] =	vst.idx.msk $0xffff, v50;
	v62 =	vld [tilespmem:s6+$0xFFFFFF30]  }
0x278: {  	v61 =	vmul.f32 $8.000000000e+00, v49;
	v59 =	vadd.s32 v14, v38;
	[tilespmem:v45+s23+$0x0] =	vst.idx.msk $0xffff, v53;
	v58 =	vld [tilespmem:s6+$0xFFFFFF70]  }
0x279: {  	v56 =	vmul.f32 $8.000000000e+00, v44;
	v44 =	vadd.s32 v14, v25;
	[tilespmem:v57+s23+$0x0] =	vst.idx.msk $0xffff, v30;
	v60 =	vld [tilespmem:s6+$0xFFFFFFB0]  }
0x27a: {  	[tilespmem:v54+s23+$0x0] =	vst.idx.msk $0xffff, v61;
	v30 =	vld [tilespmem:s19+$0xFFFFFF40];
	v31 =	vmul.f32 $8.000000000e+00, v46;
	v63 =	vadd.s32 v14, v39  }
0x27b: {  	v41 =	vadd.s32 v14, v42;
	[tilespmem:v48+s23+$0x0] =	vst.idx.msk $0xffff, v56;
	v46 =	vld [tilespmem:s19+$0xFFFFFFC0];
	v43 =	vmul.f32 $8.000000000e+00, v55  }
0x27c: {  	v20 =	vadd.s32 v15, v20;
	v40 =	vld [tilespmem:s19+$0x0];
	[tilespmem:v52+s23+$0x0] =	vst.idx.msk $0xffff, v31;
	v50 =	vmul.f32 $8.000000000e+00, v62  }
0x27d: {  	v49 =	vadd.s32 v15, v23;
	v37 =	vld [tilespmem:s19+$0xFFFFFF80];
	v28 =	vmul.f32 $8.000000000e+00, v58;
	[tilespmem:v59+s23+$0x0] =	vst.idx.msk $0xffff, v43  }
0x27e: {  	v45 =	vadd.s32 v15, v21;
	v48 =	vmul.f32 $8.000000000e+00, v60;
	v26 =	vld [tilespmem:s6+$0x0];
	[tilespmem:v44+s23+$0x0] =	vst.idx.msk $0xffff, v50  }
0x27f: {  	v47 =	vadd.s32 v15, v22;
	v30 =	vmul.f32 $8.000000000e+00, v30;
	[tilespmem:v63+s23+$0x0] =	vst.idx.msk $0xffff, v28;
	v57 =	vld [tilespmem:s6+$0xFFFFFF40]  }
0x280: {  	v54 =	vadd.s32 v15, v38;
	v56 =	vmul.f32 $8.000000000e+00, v46;
	v52 =	vld [tilespmem:s6+$0xFFFFFF80];
	[tilespmem:v41+s23+$0x0] =	vst.idx.msk $0xffff, v48  }
0x281: {  	v61 =	vadd.s32 v15, v25;
	v51 =	vmul.f32 $8.000000000e+00, v40;
	[tilespmem:v20+s23+$0x0] =	vst.idx.msk $0xffff, v30;
	v55 =	vld [tilespmem:s6+$0xFFFFFFC0]  }
0x282: {  	[tilespmem:v49+s23+$0x0] =	vst.idx.msk $0xffff, v56;
	v53 =	vmul.f32 $8.000000000e+00, v37;
	v58 =	vadd.s32 v15, v39  }
0x283: {  	[tilespmem:v45+s23+$0x0] =	vst.idx.msk $0xffff, v51;
	v59 =	vadd.s32 v15, v42;
	v60 =	vmul.f32 $8.000000000e+00, v26  }
0x284: {  	[tilespmem:v47+s23+$0x0] =	vst.idx.msk $0xffff, v53;
	v63 =	vmul.f32 $8.000000000e+00, v57  }
0x285: {  	s19 =	sshll.u32 s20, $0x7;
	v20 =	vmul.f32 $8.000000000e+00, v52;
	[tilespmem:v54+s23+$0x0] =	vst.idx.msk $0xffff, v60  }
0x286: {  	s20 =	sshll.u32 s20, $0xA;
	s6 =	sand.u32 $0xF80, s19;
	v62 =	vmul.f32 $8.000000000e+00, v55;
	[tilespmem:v61+s23+$0x0] =	vst.idx.msk $0xffff, v63  }
0x287: {  	s11 =	sand.u32 $0xFFF8000, s20;
	s6 =	sadd.s32 s2, s6;
	[tilespmem:v58+s23+$0x0] =	vst.idx.msk $0xffff, v20  }
0x288: {  	s29 =	simm.s32 $0x16A00;
	s11 =	sadd.s32 s11, s6;
	[tilespmem:v59+s23+$0x0] =	vst.idx.msk $0xffff, v62  }
0x289: {  	[hbm4b:s11+s3] =	stream.linear.scatter [tilespmem:s29], [sflag:$0x9], $0x80, $0x38;
	[tilespmem:$0x1AE00] =	vst v63  }
0x28a: {  	s12 =	simm.s32 $0x16A88;
	s19 =	sadd.s32 $0x10, s11  }
0x28b: {  	[hbm4b:s19+s3] =	stream.linear.scatter [tilespmem:s12], [sflag:$0x9], $0x80, $0x38;
	[tilespmem:$0x1AE00] =	vst v63  }
0x28c: {  	s20 =	simm.s32 $0x16B10;
	s29 =	sadd.s32 $0x20, s11  }
0x28d: {  	[hbm4b:s29+s3] =	stream.linear.scatter [tilespmem:s20], [sflag:$0x9], $0x80, $0x38;
	[tilespmem:$0x1AE00] =	vst v63  }
0x28e: {  	s12 =	simm.s32 $0x16B98;
	s19 =	sadd.s32 $0x30, s11  }
0x28f: {  	[hbm4b:s19+s3] =	stream.linear.scatter [tilespmem:s12], [sflag:$0x9], $0x80, $0x38;
	[tilespmem:$0x1AE00] =	vst v63  }
0x290: {  	s20 =	simm.s32 $0x16C20;
	s29 =	sadd.s32 $0x40, s11  }
0x291: {  	[hbm4b:s29+s3] =	stream.linear.scatter [tilespmem:s20], [sflag:$0x9], $0x80, $0x38;
	[tilespmem:$0x1AE00] =	vst v63  }
0x292: {  	s6 =	simm.s32 $0x440;
	s12 =	simm.s32 $0x16CA8;
	s19 =	sadd.s32 $0x50, s11  }
0x293: {  	[hbm4b:s19+s3] =	stream.linear.scatter [tilespmem:s12], [sflag:$0x9], $0x80, $0x38;
	[tilespmem:$0x1AE00] =	vst v63  }
0x294: {  	s20 =	simm.s32 $0x16D30;
	s29 =	sadd.s32 $0x60, s11;
	s12 =	simm.s32 $0x2200  }
0x295: {  	[hbm4b:s29+s3] =	stream.linear.scatter [tilespmem:s20], [sflag:$0x9], $0x80, $0x38;
	[tilespmem:$0x1AE00] =	vst v63  }
0x296: {  	s19 =	simm.s32 $0x16DB8;
	s20 =	sadd.s32 $0x70, s11;
	s11 =	sadd.s32 $0x1000, s11  }
.LBB2_19:
0x297: {  	[hbm4b:s20+s3] =	stream.linear.scatter [tilespmem:s19], [sflag:$0x9], $0x80, $0x38;
	[tilespmem:$0x1AE00] =	vst v63  }
0x298: {  	s19 =	smov.u32 s6;
	s6 =	smov.u32 s12  }
0x299: {  	s29 =	sadd.s32 $0x1100, s12;
	s6 =	sshra.s32 s6, $0x2;
	s20 =	sadd.s32 $0x16A00, s19  }
0x29a: {  	[hbm4b:s11+s3] =	stream.linear.scatter [tilespmem:s20], [sflag:$0x9], $0x80, $0x38;
	[tilespmem:$0x1AE00] =	vst v63  }
0x29b: {  	p2 =	sne.s32 s12, $0x7700;
	s12 =	sadd.s32 $0x16A88, s19;
	s20 =	sadd.s32 $0x10, s11  }
0x29c: {  	[hbm4b:s20+s3] =	stream.linear.scatter [tilespmem:s12], [sflag:$0x9], $0x80, $0x38;
	[tilespmem:$0x1AE00] =	vst v63  }
0x29d: {  	s12 =	sadd.s32 $0x16B10, s19;
	s20 =	sadd.s32 $0x20, s11  }
0x29e: {  	[hbm4b:s20+s3] =	stream.linear.scatter [tilespmem:s12], [sflag:$0x9], $0x80, $0x38;
	[tilespmem:$0x1AE00] =	vst v63  }
0x29f: {  	s12 =	sadd.s32 $0x16B98, s19;
	s20 =	sadd.s32 $0x30, s11  }
0x2a0: {  	[hbm4b:s20+s3] =	stream.linear.scatter [tilespmem:s12], [sflag:$0x9], $0x80, $0x38;
	[tilespmem:$0x1AE00] =	vst v63  }
0x2a1: {  	s12 =	sadd.s32 $0x16C20, s19;
	s20 =	sadd.s32 $0x40, s11  }
0x2a2: {  	[hbm4b:s20+s3] =	stream.linear.scatter [tilespmem:s12], [sflag:$0x9], $0x80, $0x38;
	[tilespmem:$0x1AE00] =	vst v63  }
.Ltmp10:
0x2a3: {  	s12 =	sadd.s32 $0x16CA8, s19;
	s20 =	sadd.s32 $0x50, s11;
	(pc) =	sbr.rel @p2 .LBB2_19-.Ltmp10, $4  }
0x2a4: {  	[hbm4b:s20+s3] =	stream.linear.scatter [tilespmem:s12], [sflag:$0x9], $0x80, $0x38;
	[tilespmem:$0x1AE00] =	vst v63  }
0x2a5: {  	s12 =	sadd.s32 $0x16D30, s19;
	s20 =	sadd.s32 $0x60, s11;
	s19 =	sadd.s32 $0x16DB8, s19  }
0x2a6: {  	[hbm4b:s20+s3] =	stream.linear.scatter [tilespmem:s12], [sflag:$0x9], $0x80, $0x38;
	[tilespmem:$0x1AE00] =	vst v63  }
0x2a7: {  	s20 =	sadd.s32 $0x70, s11;
	s11 =	sadd.s32 $0x1000, s11;
	s12 =	smov.u32 s29  }
0x2a8: {  	[hbm4b:s20+s3] =	stream.linear.scatter [tilespmem:s19], [sflag:$0x9], $0x80, $0x38;
	[tilespmem:$0x1AE00] =	vst v63  }
0x2a9: {  	s12 =	sadd.s32 $0x16A00, s6  }
0x2aa: {  	[hbm4b:s11+s3] =	stream.linear.scatter [tilespmem:s12], [sflag:$0x9], $0x80, $0x38;
	[tilespmem:$0x1AE00] =	vst v63  }
0x2ab: {  	s20 =	sadd.s32 $0x16A88, s6;
	s29 =	sadd.s32 $0x10, s11  }
0x2ac: {  	[hbm4b:s29+s3] =	stream.linear.scatter [tilespmem:s20], [sflag:$0x9], $0x80, $0x38;
	[tilespmem:$0x1AE00] =	vst v63  }
0x2ad: {  	s20 =	sadd.s32 $0x16B10, s6;
	s29 =	sadd.s32 $0x20, s11  }
0x2ae: {  	[hbm4b:s29+s3] =	stream.linear.scatter [tilespmem:s20], [sflag:$0x9], $0x80, $0x38;
	[tilespmem:$0x1AE00] =	vst v63  }
0x2af: {  	s20 =	sadd.s32 $0x16B98, s6;
	s29 =	sadd.s32 $0x30, s11  }
0x2b0: {  	[hbm4b:s29+s3] =	stream.linear.scatter [tilespmem:s20], [sflag:$0x9], $0x80, $0x38;
	[tilespmem:$0x1AE00] =	vst v63  }
0x2b1: {  	s20 =	sadd.s32 $0x16C20, s6;
	s29 =	sadd.s32 $0x40, s11  }
0x2b2: {  	[hbm4b:s29+s3] =	stream.linear.scatter [tilespmem:s20], [sflag:$0x9], $0x80, $0x38;
	[tilespmem:$0x1AE00] =	vst v63  }
0x2b3: {  	s20 =	sadd.s32 $0x16CA8, s6;
	s29 =	sadd.s32 $0x50, s11  }
0x2b4: {  	[hbm4b:s29+s3] =	stream.linear.scatter [tilespmem:s20], [sflag:$0x9], $0x80, $0x38;
	[tilespmem:$0x1AE00] =	vst v63  }
0x2b5: {  	s20 =	sadd.s32 $0x16D30, s6;
	s29 =	sadd.s32 $0x60, s11  }
0x2b6: {  	[hbm4b:s29+s3] =	stream.linear.scatter [tilespmem:s20], [sflag:$0x9], $0x80, $0x38;
	[tilespmem:$0x1AE00] =	vst v63  }
0x2b7: {  	s19 =	sadd.s32 $0x16DB8, s6;
	s20 =	sadd.s32 $0x70, s11  }
0x2b8: {  	[hbm4b:s20+s3] =	stream.linear.scatter [tilespmem:s19], [sflag:$0x9], $0x80, $0x38;
	[tilespmem:$0x1AE00] =	vst v63  }
0x2b9: {  	s12 =	simm.s32 @!p1 $0xC400;
	s6 =	sadd.s32 @!p1 $0x400, s18;
	s11 =	simm.s32 @!p1 $0x80  }
0x2ba: {  	[tilespmem:s12], [sflag:$0x4] =	stream.indirect.gather @!p1 [hbm4b:s5+s11], $0x40, s6, s11, $0xb8;
	[tilespmem:$0x1AE00] =	vst v63  }
0x2bb: {  	_ =	swait.ge [sflag:s28], $0x2000  }
0x2bc: {  	[sflag:s28] =	ssyncset.done $0x0  }
0x2bd: {  	s6 =	simm.s32 @!p0 $0xA;
	[sflag:s28] =	ssyncadd.s32 $0xFFFFE000  }
0x2be: {  	_ =	swait.ge @!p0 [sflag:s6], $0x2000  }
0x2bf: {  	[sflag:s6] =	ssyncset.done @!p0 $0x0  }
0x2c0: {  	s29 =	simm.s32 $0x3;
	s19 =	simm.s32 $0xE4F0;
	[sflag:s6] =	ssyncadd.s32 @!p0 $0xFFFFE000  }
0x2c1: {  	v20 =	vmov s29;
	v21 =	vld [tilespmem:s19+$0xFFFFFFD0]  }
0x2c2: {  	v25 =	vand.u32 $0x7F, v20  }
0x2c3: {  	v20 =	vadd.s32 v16, v25;
	s11 =	simm.s32 $0x0  }
0x2c4: {  	s18 =	simm.s32 $0x2;
	s12 =	simm.s32 $0x1;
	v22 =	vmov s11;
	v23 =	vld [tilespmem:s19+$0xFFFFFF10]  }
0x2c5: {  	v27 =	vmov s18;
	v24 =	vand.u32 $0x7C, v22;
	v22 =	vmov s12;
	v26 =	vld [tilespmem:s19+$0xFFFFFF50]  }
0x2c6: {  	v28 =	vadd.s32 v16, v24;
	v31 =	vand.u32 $0x7D, v22;
	v22 =	vld [tilespmem:s19+$0xFFFFFF90];
	v21 =	vmul.f32 $8.000000000e+00, v21  }
0x2c7: {  	v33 =	vand.u32 $0x7E, v27;
	v29 =	vadd.s32 v16, v31  }
0x2c8: {  	v27 =	vadd.s32 v16, v33;
	[tilespmem:v20+s23+$0x0] =	vst.idx.msk $0xffff, v21  }
0x2c9: {  	v20 =	vmul.f32 $8.000000000e+00, v23;
	v21 =	vld [tilespmem:s19+$0xFFFFFFE0]  }
0x2ca: {  	v23 =	vmul.f32 $8.000000000e+00, v26  }
0x2cb: {  	[tilespmem:v28+s23+$0x0] =	vst.idx.msk $0xffff, v20;
	v20 =	vmul.f32 $8.000000000e+00, v22;
	v22 =	vadd.s32 v17, v25  }
0x2cc: {  	[tilespmem:v29+s23+$0x0] =	vst.idx.msk $0xffff, v23;
	v26 =	vld [tilespmem:s19+$0xFFFFFF20]  }
0x2cd: {  	v23 =	vld [tilespmem:s19+$0xFFFFFF60];
	[tilespmem:v27+s23+$0x0] =	vst.idx.msk $0xffff, v20  }
0x2ce: {  	v27 =	vld [tilespmem:s19+$0xFFFFFFA0];
	v20 =	vmul.f32 $8.000000000e+00, v21  }
0x2cf: {  	s18 =	simm.s32 $0xE5F0;
	s29 =	simm.s32 $0x7;
	s20 =	simm.s32 $0x4;
	v28 =	vadd.s32 v17, v31  }
0x2d0: {  	v30 =	vld [tilespmem:s18+$0xFFFFFFD0];
	v29 =	vadd.s32 v17, v33;
	v21 =	vmov s20;
	[tilespmem:v22+s23+$0x0] =	vst.idx.msk $0xffff, v20;
	v22 =	vmov s29  }
0x2d1: {  	v32 =	vadd.s32 v17, v24;
	v20 =	vand.u32 $0x7C, v21;
	v21 =	vand.u32 $0x7F, v22;
	v34 =	vld [tilespmem:s19+$0xFFFFFFF0]  }
0x2d2: {  	v38 =	vadd.s32 v18, v25;
	s12 =	simm.s32 $0x5;
	v35 =	vld [tilespmem:s18+$0xFFFFFF10];
	v22 =	vmul.f32 $8.000000000e+00, v23;
	v36 =	vadd.s32 v16, v21  }
0x2d3: {  	v37 =	vld [tilespmem:s18+$0xFFFFFF50];
	s20 =	simm.s32 $0x6;
	v26 =	vmul.f32 $8.000000000e+00, v26;
	v23 =	vmul.f32 $8.000000000e+00, v27;
	v27 =	vmov s12  }
0x2d4: {  	v39 =	vadd.s32 v16, v20;
	[tilespmem:v28+s23+$0x0] =	vst.idx.msk $0xffff, v22;
	v28 =	vmov s20;
	v22 =	vand.u32 $0x7D, v27;
	v27 =	vld [tilespmem:s18+$0xFFFFFF90]  }
0x2d5: {  	[tilespmem:v29+s23+$0x0] =	vst.idx.msk $0xffff, v23;
	v29 =	vadd.s32 v16, v22;
	v23 =	vand.u32 $0x7E, v28;
	v28 =	vmul.f32 $8.000000000e+00, v30;
	v30 =	vld [tilespmem:s19+$0xFFFFFF70]  }
0x2d6: {  	[tilespmem:v32+s23+$0x0] =	vst.idx.msk $0xffff, v26;
	v26 =	vadd.s32 v16, v23;
	v58 =	vld [tilespmem:s19+$0xFFFFFFB0];
	v34 =	vmul.f32 $8.000000000e+00, v34  }
0x2d7: {  	v59 =	vadd.s32 v18, v31;
	v35 =	vmul.f32 $8.000000000e+00, v35;
	[tilespmem:v36+s23+$0x0] =	vst.idx.msk $0xffff, v28;
	v28 =	vld [tilespmem:s19+$0xFFFFFF30]  }
0x2d8: {  	v41 =	vadd.s32 v18, v33;
	v37 =	vmul.f32 $8.000000000e+00, v37;
	v40 =	vld [tilespmem:s18+$0xFFFFFFE0];
	[tilespmem:v38+s23+$0x0] =	vst.idx.msk $0xffff, v34  }
0x2d9: {  	v60 =	vadd.s32 v18, v24;
	[tilespmem:v39+s23+$0x0] =	vst.idx.msk $0xffff, v35;
	v27 =	vmul.f32 $8.000000000e+00, v27;
	v38 =	vld [tilespmem:s19+$0x0]  }
0x2da: {  	v61 =	vadd.s32 v17, v21;
	v39 =	vld [tilespmem:s18+$0xFFFFFF20];
	[tilespmem:v29+s23+$0x0] =	vst.idx.msk $0xffff, v37;
	v30 =	vmul.f32 $8.000000000e+00, v30  }
0x2db: {  	v43 =	vadd.s32 v19, v25;
	v42 =	vld [tilespmem:s18+$0xFFFFFF60];
	[tilespmem:v26+s23+$0x0] =	vst.idx.msk $0xffff, v27;
	v26 =	vmul.f32 $8.000000000e+00, v58  }
0x2dc: {  	v34 =	vadd.s32 v17, v20;
	v29 =	vld [tilespmem:s18+$0xFFFFFFA0];
	[tilespmem:v59+s23+$0x0] =	vst.idx.msk $0xffff, v30;
	v25 =	vmul.f32 $8.000000000e+00, v28  }
0x2dd: {  	s11 =	simm.s32 $0x8;
	v32 =	vadd.s32 v17, v22;
	v28 =	vld [tilespmem:s19+$0xFFFFFF80];
	[tilespmem:v41+s23+$0x0] =	vst.idx.msk $0xffff, v26;
	v30 =	vmul.f32 $8.000000000e+00, v40  }
0x2de: {  	v62 =	vmov s11;
	v26 =	vadd.s32 v17, v23;
	v27 =	vld [tilespmem:s19+$0xFFFFFFC0];
	[tilespmem:v60+s23+$0x0] =	vst.idx.msk $0xffff, v25;
	v63 =	vmul.f32 $8.000000000e+00, v38  }
0x2df: {  	s6 =	simm.s32 $0xE6F0;
	v31 =	vadd.s32 v19, v31;
	v33 =	vadd.s32 v19, v33;
	s29 =	simm.s32 $0xB;
	v36 =	vmul.f32 $8.000000000e+00, v39;
	[tilespmem:v61+s23+$0x0] =	vst.idx.msk $0xffff, v30;
	v30 =	vld [tilespmem:s19+$0xFFFFFF40]  }
0x2e0: {  	s17 =	sadd.s32 s17, s10;
	s12 =	simm.s32 $0xC;
	v35 =	vld [tilespmem:s6+$0xFFFFFFD0];
	v25 =	vand.u32 $0x7C, v62;
	v38 =	vmov s29;
	v37 =	vmul.f32 $8.000000000e+00, v42;
	[tilespmem:v43+s23+$0x0] =	vst.idx.msk $0xffff, v63  }
.LBB2_21:
0x2e1: {  	p0 =	slt.u32 s12, $0x7C;
	s19 =	sadd.s32 $0x1, s11;
	v38 =	vand.u32 $0x7F, v38;
	[tilespmem:v34+s23+$0x0] =	vst.idx.msk $0xffff, v36;
	v29 =	vmul.f32 $8.000000000e+00, v29;
	v34 =	vld [tilespmem:s18+$0xFFFFFFF0];
	v36 =	vadd.s32 v19, v24;
	v24 =	vmovc v20  }
0x2e2: {  	v20 =	vmovc v25;
	v39 =	vld [tilespmem:s6+$0xFFFFFF10];
	v40 =	vmov s19;
	s19 =	sadd.s32 $0x2, s11;
	v41 =	vadd.s32 v16, v38;
	[tilespmem:v32+s23+$0x0] =	vst.idx.msk $0xffff, v37;
	v28 =	vmul.f32 $8.000000000e+00, v28;
	s11 =	smov.u32 s12  }
0x2e3: {  	v25 =	vld [tilespmem:s6+$0xFFFFFF50];
	v32 =	vmov s19;
	[tilespmem:v26+s23+$0x0] =	vst.idx.msk $0xffff, v29;
	v26 =	vadd.s32 v18, v21;
	v27 =	vmul.f32 $8.000000000e+00, v27  }
0x2e4: {  	v29 =	vadd.s32 v16, v20;
	v37 =	vand.u32 $0x7D, v40;
	v40 =	vld [tilespmem:s6+$0xFFFFFF90];
	v30 =	vmul.f32 $8.000000000e+00, v30;
	[tilespmem:v31+s23+$0x0] =	vst.idx.msk $0xffff, v28  }
0x2e5: {  	v28 =	vadd.s32 v16, v37;
	v42 =	vand.u32 $0x7E, v32;
	v31 =	vmul.f32 $8.000000000e+00, v35;
	v32 =	vld [tilespmem:s18+$0xFFFFFF70];
	[tilespmem:v33+s23+$0x0] =	vst.idx.msk $0xffff, v27  }
0x2e6: {  	v27 =	vadd.s32 v16, v42;
	v33 =	vld [tilespmem:s18+$0xFFFFFFB0];
	v34 =	vmul.f32 $8.000000000e+00, v34;
	[tilespmem:v36+s23+$0x0] =	vst.idx.msk $0xffff, v30  }
0x2e7: {  	v35 =	vadd.s32 v18, v22;
	v30 =	vmul.f32 $8.000000000e+00, v39;
	[tilespmem:v41+s23+$0x0] =	vst.idx.msk $0xffff, v31;
	v31 =	vld [tilespmem:s18+$0xFFFFFF30]  }
0x2e8: {  	v39 =	vadd.s32 v18, v23;
	v25 =	vmul.f32 $8.000000000e+00, v25;
	v36 =	vld [tilespmem:s6+$0xFFFFFFE0];
	[tilespmem:v26+s23+$0x0] =	vst.idx.msk $0xffff, v34  }
0x2e9: {  	[tilespmem:v29+s23+$0x0] =	vst.idx.msk $0xffff, v30;
	v26 =	vmul.f32 $8.000000000e+00, v40;
	v30 =	vadd.s32 v18, v24;
	v40 =	vld [tilespmem:s18+$0x0]  }
0x2ea: {  	v43 =	vadd.s32 v17, v38;
	v41 =	vld [tilespmem:s6+$0xFFFFFF20];
	[tilespmem:v28+s23+$0x0] =	vst.idx.msk $0xffff, v25;
	v25 =	vmul.f32 $8.000000000e+00, v32  }
0x2eb: {  	v45 =	vadd.s32 v19, v21;
	v21 =	vmov v38;
	v44 =	vld [tilespmem:s6+$0xFFFFFF60];
	[tilespmem:v27+s23+$0x0] =	vst.idx.msk $0xffff, v26;
	v26 =	vmul.f32 $8.000000000e+00, v33  }
.Ltmp11:
0x2ec: {  	v34 =	vadd.s32 v17, v20;
	v29 =	vld [tilespmem:s6+$0xFFFFFFA0];
	v27 =	vmul.f32 $8.000000000e+00, v31;
	[tilespmem:v35+s23+$0x0] =	vst.idx.msk $0xffff, v25;
	(pc) =	sbr.rel @p0 .LBB2_21-.Ltmp11, $4  }
0x2ed: {  	v32 =	vadd.s32 v17, v37;
	v31 =	vmul.f32 $8.000000000e+00, v36;
	v28 =	vld [tilespmem:s18+$0xFFFFFF80];
	[tilespmem:v39+s23+$0x0] =	vst.idx.msk $0xffff, v26  }
0x2ee: {  	v25 =	vmov s12;
	v26 =	vadd.s32 v17, v42;
	[tilespmem:v30+s23+$0x0] =	vst.idx.msk $0xffff, v27;
	v27 =	vld [tilespmem:s18+$0xFFFFFFC0];
	v39 =	vmul.f32 $8.000000000e+00, v40  }
0x2ef: {  	s19 =	sadd.s32 $0x3, s12;
	v25 =	vand.u32 $0x7C, v25;
	v36 =	vmul.f32 $8.000000000e+00, v41;
	[tilespmem:v43+s23+$0x0] =	vst.idx.msk $0xffff, v31;
	v30 =	vld [tilespmem:s18+$0xFFFFFF40];
	v31 =	vadd.s32 v19, v22;
	v22 =	vmovc v37;
	s18 =	smov.u32 s6;
	s6 =	sadd.s32 $0x100, s6  }
0x2f0: {  	v38 =	vmov s19;
	v33 =	vadd.s32 v19, v23;
	v23 =	vmovc v42;
	s12 =	sadd.s32 $0x4, s12;
	v35 =	vld [tilespmem:s6+$0xFFFFFFD0];
	v37 =	vmul.f32 $8.000000000e+00, v44;
	[tilespmem:v45+s23+$0x0] =	vst.idx.msk $0xffff, v39  }
0x2f1: {  	s12 =	sadd.s32 $0x1, s11;
	v38 =	vand.u32 $0x7F, v38;
	v44 =	vld [tilespmem:s6+$0xFFFFFF10]  }
0x2f2: {  	v40 =	vld [tilespmem:s6+$0xFFFFFF50];
	v39 =	vmov s12;
	s12 =	sadd.s32 $0x2, s11;
	v41 =	vadd.s32 v16, v38  }
0x2f3: {  	v43 =	vld [tilespmem:s6+$0xFFFFFF90];
	v54 =	vadd.s32 v16, v25;
	v42 =	vmov s12;
	v39 =	vand.u32 $0x7D, v39  }
0x2f4: {  	v45 =	vadd.s32 v16, v39;
	v42 =	vand.u32 $0x7E, v42  }
0x2f5: {  	[tilespmem:v34+s23+$0x0] =	vst.idx.msk $0xffff, v36;
	v46 =	vadd.s32 v16, v42;
	v35 =	vmul.f32 $8.000000000e+00, v35  }
0x2f6: {  	[tilespmem:v32+s23+$0x0] =	vst.idx.msk $0xffff, v37;
	v57 =	vmul.f32 $8.000000000e+00, v44  }
0x2f7: {  	v55 =	vmul.f32 $8.000000000e+00, v40;
	[tilespmem:v41+s23+$0x0] =	vst.idx.msk $0xffff, v35  }
0x2f8: {  	v56 =	vmul.f32 $8.000000000e+00, v43;
	v58 =	vld [tilespmem:s6+$0xFFFFFFE0];
	[tilespmem:v54+s23+$0x0] =	vst.idx.msk $0xffff, v57  }
0x2f9: {  	v29 =	vmul.f32 $8.000000000e+00, v29;
	v24 =	vadd.s32 v19, v24;
	[tilespmem:v45+s23+$0x0] =	vst.idx.msk $0xffff, v55;
	v62 =	vld [tilespmem:s6+$0xFFFFFF20]  }
0x2fa: {  	v28 =	vmul.f32 $8.000000000e+00, v28;
	v60 =	vadd.s32 v17, v38;
	v59 =	vld [tilespmem:s6+$0xFFFFFF60];
	[tilespmem:v46+s23+$0x0] =	vst.idx.msk $0xffff, v56  }
0x2fb: {  	v47 =	vadd.s32 v17, v25;
	[tilespmem:v26+s23+$0x0] =	vst.idx.msk $0xffff, v29;
	v61 =	vmul.f32 $8.000000000e+00, v27;
	v35 =	vld [tilespmem:s6+$0xFFFFFFA0]  }
0x2fc: {  	v51 =	vld [tilespmem:s18+$0xFFFFFF30];
	v63 =	vadd.s32 v17, v39;
	v30 =	vmul.f32 $8.000000000e+00, v30;
	[tilespmem:v31+s23+$0x0] =	vst.idx.msk $0xffff, v28  }
0x2fd: {  	v49 =	vld [tilespmem:s18+$0xFFFFFFB0];
	[tilespmem:v33+s23+$0x0] =	vst.idx.msk $0xffff, v61;
	v45 =	vadd.s32 v17, v42;
	v32 =	vmul.f32 $8.000000000e+00, v58  }
0x2fe: {  	v44 =	vld [tilespmem:s18+$0xFFFFFFF0];
	[tilespmem:v24+s23+$0x0] =	vst.idx.msk $0xffff, v30;
	v57 =	vadd.s32 v18, v20;
	v27 =	vmul.f32 $8.000000000e+00, v62  }
0x2ff: {  	v54 =	vadd.s32 v18, v23;
	v46 =	vld [tilespmem:s18+$0xFFFFFF70];
	v50 =	vmul.f32 $8.000000000e+00, v59;
	[tilespmem:v60+s23+$0x0] =	vst.idx.msk $0xffff, v32  }
0x300: {  	v48 =	vadd.s32 v18, v21;
	v53 =	vmul.f32 $8.000000000e+00, v35;
	v55 =	vld [tilespmem:s6+$0xFFFFFFF0];
	[tilespmem:v47+s23+$0x0] =	vst.idx.msk $0xffff, v27  }
0x301: {  	v52 =	vadd.s32 v18, v22;
	v30 =	vmul.f32 $8.000000000e+00, v51;
	[tilespmem:v63+s23+$0x0] =	vst.idx.msk $0xffff, v50;
	v62 =	vld [tilespmem:s6+$0xFFFFFF30]  }
0x302: {  	v61 =	vmul.f32 $8.000000000e+00, v49;
	v59 =	vadd.s32 v18, v38;
	[tilespmem:v45+s23+$0x0] =	vst.idx.msk $0xffff, v53;
	v58 =	vld [tilespmem:s6+$0xFFFFFF70]  }
0x303: {  	v56 =	vmul.f32 $8.000000000e+00, v44;
	v44 =	vadd.s32 v18, v25;
	[tilespmem:v57+s23+$0x0] =	vst.idx.msk $0xffff, v30;
	v60 =	vld [tilespmem:s6+$0xFFFFFFB0]  }
0x304: {  	[tilespmem:v54+s23+$0x0] =	vst.idx.msk $0xffff, v61;
	v30 =	vld [tilespmem:s18+$0xFFFFFF40];
	v31 =	vmul.f32 $8.000000000e+00, v46;
	v63 =	vadd.s32 v18, v39  }
0x305: {  	v41 =	vadd.s32 v18, v42;
	[tilespmem:v48+s23+$0x0] =	vst.idx.msk $0xffff, v56;
	v46 =	vld [tilespmem:s18+$0xFFFFFFC0];
	v43 =	vmul.f32 $8.000000000e+00, v55  }
0x306: {  	v20 =	vadd.s32 v19, v20;
	v40 =	vld [tilespmem:s18+$0x0];
	[tilespmem:v52+s23+$0x0] =	vst.idx.msk $0xffff, v31;
	v50 =	vmul.f32 $8.000000000e+00, v62  }
0x307: {  	v49 =	vadd.s32 v19, v23;
	v37 =	vld [tilespmem:s18+$0xFFFFFF80];
	v28 =	vmul.f32 $8.000000000e+00, v58;
	[tilespmem:v59+s23+$0x0] =	vst.idx.msk $0xffff, v43  }
0x308: {  	v45 =	vadd.s32 v19, v21;
	v48 =	vmul.f32 $8.000000000e+00, v60;
	v26 =	vld [tilespmem:s6+$0x0];
	[tilespmem:v44+s23+$0x0] =	vst.idx.msk $0xffff, v50  }
0x309: {  	v47 =	vadd.s32 v19, v22;
	v30 =	vmul.f32 $8.000000000e+00, v30;
	[tilespmem:v63+s23+$0x0] =	vst.idx.msk $0xffff, v28;
	v57 =	vld [tilespmem:s6+$0xFFFFFF40]  }
0x30a: {  	v54 =	vadd.s32 v19, v38;
	v56 =	vmul.f32 $8.000000000e+00, v46;
	v52 =	vld [tilespmem:s6+$0xFFFFFF80];
	[tilespmem:v41+s23+$0x0] =	vst.idx.msk $0xffff, v48  }
0x30b: {  	v61 =	vadd.s32 v19, v25;
	v51 =	vmul.f32 $8.000000000e+00, v40;
	[tilespmem:v20+s23+$0x0] =	vst.idx.msk $0xffff, v30;
	v55 =	vld [tilespmem:s6+$0xFFFFFFC0]  }
0x30c: {  	[tilespmem:v49+s23+$0x0] =	vst.idx.msk $0xffff, v56;
	v53 =	vmul.f32 $8.000000000e+00, v37;
	v58 =	vadd.s32 v19, v39  }
0x30d: {  	[tilespmem:v45+s23+$0x0] =	vst.idx.msk $0xffff, v51;
	v59 =	vadd.s32 v19, v42;
	v60 =	vmul.f32 $8.000000000e+00, v26  }
0x30e: {  	[tilespmem:v47+s23+$0x0] =	vst.idx.msk $0xffff, v53;
	v63 =	vmul.f32 $8.000000000e+00, v57  }
0x30f: {  	s19 =	sshll.u32 s17, $0x7;
	v20 =	vmul.f32 $8.000000000e+00, v52;
	[tilespmem:v54+s23+$0x0] =	vst.idx.msk $0xffff, v60  }
0x310: {  	s20 =	sshll.u32 s17, $0xA;
	s6 =	sand.u32 $0xF80, s19;
	v62 =	vmul.f32 $8.000000000e+00, v55;
	[tilespmem:v61+s23+$0x0] =	vst.idx.msk $0xffff, v63  }
0x311: {  	s11 =	sand.u32 $0xFFF8000, s20;
	s6 =	sadd.s32 s2, s6;
	[tilespmem:v58+s23+$0x0] =	vst.idx.msk $0xffff, v20  }
0x312: {  	s29 =	simm.s32 $0x18C00;
	s11 =	sadd.s32 s11, s6;
	[tilespmem:v59+s23+$0x0] =	vst.idx.msk $0xffff, v62  }
0x313: {  	[hbm4b:s11+s3] =	stream.linear.scatter [tilespmem:s29], [sflag:$0xA], $0x80, $0x38;
	[tilespmem:$0x1AE00] =	vst v63  }
0x314: {  	s12 =	simm.s32 $0x18C88;
	s17 =	sadd.s32 $0x10, s11  }
0x315: {  	[hbm4b:s17+s3] =	stream.linear.scatter [tilespmem:s12], [sflag:$0xA], $0x80, $0x38;
	[tilespmem:$0x1AE00] =	vst v63  }
0x316: {  	s20 =	simm.s32 $0x18D98;
	s18 =	simm.s32 $0x18D10;
	s19 =	sadd.s32 $0x20, s11  }
0x317: {  	[hbm4b:s19+s3] =	stream.linear.scatter [tilespmem:s18], [sflag:$0xA], $0x80, $0x38;
	[tilespmem:$0x1AE00] =	vst v63  }
0x318: {  	s6 =	simm.s32 $0x440;
	s29 =	sadd.s32 $0x30, s11;
	s12 =	simm.s32 $0x18E20  }
0x319: {  	[hbm4b:s29+s3] =	stream.linear.scatter [tilespmem:s20], [sflag:$0xA], $0x80, $0x38;
	[tilespmem:$0x1AE00] =	vst v63  }
0x31a: {  	s17 =	sadd.s32 $0x40, s11;
	s18 =	simm.s32 $0x18EA8;
	s19 =	sadd.s32 $0x50, s11  }
0x31b: {  	[hbm4b:s17+s3] =	stream.linear.scatter [tilespmem:s12], [sflag:$0xA], $0x80, $0x38;
	[tilespmem:$0x1AE00] =	vst v63  }
0x31c: {  	s20 =	simm.s32 $0x18F30;
	s29 =	sadd.s32 $0x60, s11;
	s12 =	simm.s32 $0x2200  }
0x31d: {  	[hbm4b:s19+s3] =	stream.linear.scatter [tilespmem:s18], [sflag:$0xA], $0x80, $0x38;
	[tilespmem:$0x1AE00] =	vst v63  }
0x31e: {  	s17 =	simm.s32 $0x18FB8;
	s18 =	sadd.s32 $0x70, s11;
	s11 =	sadd.s32 $0x1000, s11  }
0x31f: {  	[hbm4b:s29+s3] =	stream.linear.scatter [tilespmem:s20], [sflag:$0xA], $0x80, $0x38;
	[tilespmem:$0x1AE00] =	vst v63  }
.LBB2_23:
0x320: {  	[hbm4b:s18+s3] =	stream.linear.scatter [tilespmem:s17], [sflag:$0xA], $0x80, $0x38;
	[tilespmem:$0x1AE00] =	vst v63  }
0x321: {  	s17 =	smov.u32 s6;
	s6 =	smov.u32 s12  }
0x322: {  	s19 =	sadd.s32 $0x1100, s12;
	s6 =	sshra.s32 s6, $0x2;
	s18 =	sadd.s32 $0x18C00, s17  }
0x323: {  	[hbm4b:s11+s3] =	stream.linear.scatter [tilespmem:s18], [sflag:$0xA], $0x80, $0x38;
	[tilespmem:$0x1AE00] =	vst v63  }
0x324: {  	p0 =	sne.s32 s12, $0x7700;
	s12 =	sadd.s32 $0x18C88, s17;
	s18 =	sadd.s32 $0x10, s11  }
0x325: {  	[hbm4b:s18+s3] =	stream.linear.scatter [tilespmem:s12], [sflag:$0xA], $0x80, $0x38;
	[tilespmem:$0x1AE00] =	vst v63  }
0x326: {  	s12 =	sadd.s32 $0x18D10, s17;
	s18 =	sadd.s32 $0x20, s11  }
0x327: {  	[hbm4b:s18+s3] =	stream.linear.scatter [tilespmem:s12], [sflag:$0xA], $0x80, $0x38;
	[tilespmem:$0x1AE00] =	vst v63  }
0x328: {  	s12 =	sadd.s32 $0x18D98, s17;
	s18 =	sadd.s32 $0x30, s11  }
0x329: {  	[hbm4b:s18+s3] =	stream.linear.scatter [tilespmem:s12], [sflag:$0xA], $0x80, $0x38;
	[tilespmem:$0x1AE00] =	vst v63  }
0x32a: {  	s12 =	sadd.s32 $0x18E20, s17;
	s18 =	sadd.s32 $0x40, s11  }
0x32b: {  	[hbm4b:s18+s3] =	stream.linear.scatter [tilespmem:s12], [sflag:$0xA], $0x80, $0x38;
	[tilespmem:$0x1AE00] =	vst v63  }
.Ltmp12:
0x32c: {  	s12 =	sadd.s32 $0x18EA8, s17;
	s18 =	sadd.s32 $0x50, s11;
	(pc) =	sbr.rel @p0 .LBB2_23-.Ltmp12, $4  }
0x32d: {  	[hbm4b:s18+s3] =	stream.linear.scatter [tilespmem:s12], [sflag:$0xA], $0x80, $0x38;
	[tilespmem:$0x1AE00] =	vst v63  }
0x32e: {  	s12 =	sadd.s32 $0x18F30, s17;
	s18 =	sadd.s32 $0x60, s11;
	s17 =	sadd.s32 $0x18FB8, s17  }
0x32f: {  	[hbm4b:s18+s3] =	stream.linear.scatter [tilespmem:s12], [sflag:$0xA], $0x80, $0x38;
	[tilespmem:$0x1AE00] =	vst v63  }
0x330: {  	s18 =	sadd.s32 $0x70, s11;
	s11 =	sadd.s32 $0x1000, s11;
	s12 =	smov.u32 s19  }
0x331: {  	[hbm4b:s18+s3] =	stream.linear.scatter [tilespmem:s17], [sflag:$0xA], $0x80, $0x38;
	[tilespmem:$0x1AE00] =	vst v63  }
0x332: {  	s12 =	sadd.s32 $0x18C00, s6  }
0x333: {  	[hbm4b:s11+s3] =	stream.linear.scatter [tilespmem:s12], [sflag:$0xA], $0x80, $0x38;
	[tilespmem:$0x1AE00] =	vst v63  }
0x334: {  	s20 =	sadd.s32 $0x18C88, s6;
	s29 =	sadd.s32 $0x10, s11  }
0x335: {  	[hbm4b:s29+s3] =	stream.linear.scatter [tilespmem:s20], [sflag:$0xA], $0x80, $0x38;
	[tilespmem:$0x1AE00] =	vst v63  }
0x336: {  	s18 =	sadd.s32 $0x18D10, s6;
	s19 =	sadd.s32 $0x20, s11  }
0x337: {  	[hbm4b:s19+s3] =	stream.linear.scatter [tilespmem:s18], [sflag:$0xA], $0x80, $0x38;
	[tilespmem:$0x1AE00] =	vst v63  }
0x338: {  	s20 =	sadd.s32 $0x18D98, s6;
	s29 =	sadd.s32 $0x30, s11  }
0x339: {  	[hbm4b:s29+s3] =	stream.linear.scatter [tilespmem:s20], [sflag:$0xA], $0x80, $0x38;
	[tilespmem:$0x1AE00] =	vst v63  }
0x33a: {  	s18 =	sadd.s32 $0x18E20, s6;
	s19 =	sadd.s32 $0x40, s11  }
0x33b: {  	[hbm4b:s19+s3] =	stream.linear.scatter [tilespmem:s18], [sflag:$0xA], $0x80, $0x38;
	[tilespmem:$0x1AE00] =	vst v63  }
0x33c: {  	s20 =	sadd.s32 $0x18EA8, s6;
	s29 =	sadd.s32 $0x50, s11  }
0x33d: {  	[hbm4b:s29+s3] =	stream.linear.scatter [tilespmem:s20], [sflag:$0xA], $0x80, $0x38;
	[tilespmem:$0x1AE00] =	vst v63  }
.Ltmp13:
0x33e: {  	_ = 	snop;
	(pc) =	sbr.rel @p1 .LBB2_26-.Ltmp13, $4  }
0x33f: {  	s18 =	sadd.s32 $0x18F30, s6;
	s19 =	sadd.s32 $0x60, s11  }
0x340: {  	[hbm4b:s19+s3] =	stream.linear.scatter [tilespmem:s18], [sflag:$0xA], $0x80, $0x38;
	[tilespmem:$0x1AE00] =	vst v63  }
0x341: {  	s20 =	sadd.s32 $0x18FB8, s6;
	s29 =	sadd.s32 $0x70, s11  }
0x342: {  	[hbm4b:s29+s3] =	stream.linear.scatter [tilespmem:s20], [sflag:$0xA], $0x80, $0x38;
	[tilespmem:$0x1AE00] =	vst v63  }
0x343: {  	s6 =	smul.u32 $0xA00, s16  }
.Ltmp14:
0x344: {  	_ = 	snop;
	(pc) =	sbr.rel .LBB2_4-.Ltmp14, $4  }
0x345: {  	_ = 	snop  }
0x346: {  	s6 =	sshra.s32 s6, $0x2  }
0x347: {  	s16 =	sadd.s32 $0x1, s16;
	s6 =	sadd.s32 $0x480, s6  }
0x348: {  	[tilespmem:s21], [sflag:$0x5] =	stream.indirect.gather [hbm4b:s5+s13], $0x40, s6, s13, $0xb8;
	[tilespmem:$0x1AE00] =	vst v63  }
.LBB2_27:
0x349: {  	_ =	sfence.sel $0x180000  }
0x34a: {  	[bflag:$0x0] =	sbarrier.arrive $0xFFFF  }
0x34b: {  	_ =	strace $0x90000047  }
0x34c: {  	s0 =	stileid.u32;
	[bflag:$0x2] =	sbarrier.arrive $0xFFFF  }
0x34d: {  	p0 =	sne.s32 s0, $0x0;
	s0 =	rddreg [dreg:$0x2]  }
0x34e: {  	s0 =	sadd.s32 @!p0 $0x100000, s0  }
0x34f: {  	[sflag:s0] =	ssyncadd.tile.s32 @!p0 $0x1;
	_ =	shalt  }
.Lfunc_end2:
_tile_overlayer_lowered:
.L_overlay_start_2:
0x350: {  	(tag) =	ssettag $0x2  }
0x351: {  	s0 =	rddreg [dreg:$0x0];
	s2 =	stileid.u32  }
0x352: {  	s1 =	rddreg [dreg:$0x1];
	p0 =	sne.s32 s2, $0x0  }
0x353: {  	s3 =	rddreg [dreg:$0x2];
	[bflag:$0x3] =	sbarrier.arrive $0xFFFF;
	s2 =	simm.s32 @!p0 $0x1C0B  }
0x354: {  	[timem:s3], [sflag:s2] =	dma.local @!p0 [hbm:s0], s1  }
0x355: {  	s0 =	simm.s32 @!p0 $0xB  }
0x356: {  	_ =	swait.ge @!p0 [sflag:s0], s1  }
0x357: {  	s1 =	ssub.s32 @!p0 $0x0, s1;
	[sflag:s0] =	ssyncset.done @!p0 $0x0  }
0x358: {  	[sflag:s0] =	ssyncadd.s32 @!p0 s1  }
0x359: {  	[bflag:$0x3] =	sbarrier.arrive $0xFFFF  }
0x35a: {  	_ =	shalt  }

</sc_bundles>
